<compile_context>
chip_gen: v7x
topology: tpu7x:2x2x1
jax: 0.10.2.dev20260603
libtpu: 0.0.44.dev20260713+nightly
codegen_flags: <defaults>
</compile_context>

<pallas_src>
import jax
import jax.numpy as jnp
from jax import lax
from jax.experimental import pallas as pl
from jax.experimental.pallas import tpu as pltpu
from jax.experimental.pallas import tpu_sc as plsc

N = 10000
E = 160000
D_IN = 256
D_OUT = 256
H = 128
HW = H // 2
NC = 2
NS = 16
K = 128
EP = 163840
CA = EP // (NC * NS) // K
CC = EP // NS // K
NPAD = 10112
RT = NPAD // NS
NI = 4
BR = 2000


def _deg_body(dst_hbm, degp_hbm, idx_v, ones_v, zeros_v, deg_sh):
    c = lax.axis_index("c")
    s = lax.axis_index("s")
    t = c * NS + s
    for j in range(8):
        ones_v[pl.ds(j * 16, 16)] = jnp.ones((16,), jnp.float32)
    for j in range(40):
        zeros_v[pl.ds(j * 16, 16)] = jnp.zeros((16,), jnp.float32)
    pltpu.sync_copy(zeros_v.at[pl.ds(0, RT)], deg_sh.at[pl.ds(s * RT, RT)])
    plsc.subcore_barrier()
    pltpu.sync_copy(dst_hbm.at[t], idx_v)

    def body(j, carry):
        pltpu.sync_copy(ones_v, deg_sh.at[idx_v.at[j]], add=True)
        return carry

    lax.fori_loop(0, CA, body, 0)
    plsc.subcore_barrier()
    pltpu.sync_copy(deg_sh.at[pl.ds(s * RT, RT)],
                    degp_hbm.at[c, pl.ds(s * RT, RT)])


def _spmm_body(s2_hbm, srci_hbm, dsti_hbm, accp_hbm,
               idxs_v, idxd_v, rowsi_v, rowsf_v, acc_sh,
               semis0, semis1, semid0, semid1, semid2, semid3,
               semr0, semr1, semw0, semw1):
    c = lax.axis_index("c")
    s = lax.axis_index("s")
    semis = (semis0, semis1)
    semid = (semid0, semid1, semid2, semid3)
    semr = (semr0, semr1)
    semw = (semw0, semw1)

    def zbody(i, carry):
        for j in range(8):
            rowsf_v[0, i, pl.ds(j * 16, 16)] = jnp.zeros((16,), jnp.float32)
        return carry

    lax.fori_loop(0, K, zbody, 0)
    for k in range(4):
        pltpu.sync_copy(rowsf_v.at[0],
                        acc_sh.at[pl.ds(s * RT + k * K, K)])
    pltpu.sync_copy(rowsf_v.at[0, pl.ds(0, RT - 4 * K)],
                    acc_sh.at[pl.ds(s * RT + 4 * K, RT - 4 * K)])
    plsc.subcore_barrier()

    for m in range(2):
        pltpu.async_copy(srci_hbm.at[c, s, m], idxs_v.at[m], semis[m])
    for m in range(NI):
        pltpu.async_copy(dsti_hbm.at[s, m], idxd_v.at[m], semid[m])
    pltpu.make_async_copy(srci_hbm.at[c, s, 0], idxs_v.at[0],
                          semis[0]).wait()
    pltpu.async_copy(s2_hbm.at[idxs_v.at[0]], rowsi_v.at[0], semr[0])

    def unpack_chunk(p):
        @plsc.parallel_loop(0, K, unroll=4)
        def ubody(i):
            for g in range(4):
                w = rowsi_v[p, i, pl.ds(g * 16, 16)]
                a, b2 = plsc.unpack(plsc.bitcast(w, jnp.bfloat16),
                                    format=plsc.PackFormat.INTERLEAVED)
                rowsf_v[p, i, pl.ds(g * 32, 16)] = a
                rowsf_v[p, i, pl.ds(g * 32 + 16, 16)] = b2

    def body(g4, carry):
        for p4 in range(NI):
            j = NI * g4 + p4
            r2 = p4 % 2
            q2 = 1 - r2
            fs = (p4 + 2) % NI

            @pl.when(j + 1 < CC)
            def _():
                pltpu.make_async_copy(srci_hbm.at[c, s, j + 1],
                                      idxs_v.at[q2], semis[q2]).wait()
                pltpu.async_copy(s2_hbm.at[idxs_v.at[q2]],
                                 rowsi_v.at[q2], semr[q2])

            pltpu.make_async_copy(
                s2_hbm.at[idxs_v.at[r2]], rowsi_v.at[r2], semr[r2]).wait()

            @pl.when(j + 2 < CC)
            def _():
                pltpu.async_copy(srci_hbm.at[c, s, j + 2], idxs_v.at[r2],
                                 semis[r2])

            @pl.when(j >= 2)
            def _():
                pltpu.make_async_copy(
                    rowsf_v.at[r2], acc_sh.at[idxd_v.at[fs]],
                    semw[r2]).wait()

                @pl.when(j + 2 < CC)
                def _():
                    pltpu.async_copy(dsti_hbm.at[s, j + 2],
                                     idxd_v.at[fs], semid[fs])

            unpack_chunk(r2)
            pltpu.make_async_copy(dsti_hbm.at[s, j], idxd_v.at[p4],
                                  semid[p4]).wait()
            pltpu.async_copy(rowsf_v.at[r2], acc_sh.at[idxd_v.at[p4]],
                             semw[r2], add=True)
        return carry

    lax.fori_loop(0, CC // NI, body, 0)
    for p in range(2):
        pltpu.make_async_copy(
            rowsf_v.at[p], acc_sh.at[idxd_v.at[2 + p]], semw[p]).wait()
    plsc.subcore_barrier()
    for k in range(4):
        pltpu.sync_copy(acc_sh.at[pl.ds(s * RT + k * K, K)],
                        accp_hbm.at[c, pl.ds(s * RT + k * K, K)])
    pltpu.sync_copy(acc_sh.at[pl.ds(s * RT + 4 * K, RT - 4 * K)],
                    accp_hbm.at[c, pl.ds(s * RT + 4 * K, RT - 4 * K)])


_deg_kernel = pl.kernel(
    _deg_body,
    out_type=jax.ShapeDtypeStruct((NC, NPAD), jnp.float32),
    mesh=plsc.VectorSubcoreMesh(core_axis_name="c", subcore_axis_name="s"),
    compiler_params=pltpu.CompilerParams(use_tc_tiling_on_sc=False),
    scratch_types=[
        pltpu.VMEM((CA, K), jnp.int32),
        pltpu.VMEM((K,), jnp.float32),
        pltpu.VMEM((640,), jnp.float32),
        pltpu.VMEM_SHARED((NPAD,), jnp.float32),
    ],
)

_spmm_kernel = pl.kernel(
    _spmm_body,
    out_type=jax.ShapeDtypeStruct((NC, NPAD, H), jnp.float32),
    mesh=plsc.VectorSubcoreMesh(core_axis_name="c", subcore_axis_name="s"),
    compiler_params=pltpu.CompilerParams(use_tc_tiling_on_sc=False,
                                         needs_layout_passes=False),
    scratch_types=(
        [pltpu.VMEM((2, K), jnp.int32),
         pltpu.VMEM((NI, K), jnp.int32),
         pltpu.VMEM((2, K, HW), jnp.int32),
         pltpu.VMEM((2, K, H), jnp.float32),
         pltpu.VMEM_SHARED((NPAD, H), jnp.float32)]
        + [pltpu.SemaphoreType.DMA] * 10
    ),
)


def _support_body(x_ref, w_ref, degt_ref, out_ref):
    deg = degt_ref[:, 0] + degt_ref[:, 1] + 1.0
    dinv = lax.rsqrt(deg)
    sup = jnp.dot(x_ref[...], w_ref[...], preferred_element_type=jnp.float32)
    out_ref[0] = (sup * dinv[:, None]).astype(jnp.bfloat16)


def _final_body(accp_ref, s2_ref, degt_ref, b_ref, out_ref):
    deg = degt_ref[:, 0] + degt_ref[:, 1] + 1.0
    dinv = lax.rsqrt(deg)
    acc = accp_ref[0] + s2_ref[0].astype(jnp.float32)
    out_ref[...] = acc * dinv[:, None] + b_ref[pl.program_id(1)]


def _support_tc(x, W, degt):
    return pl.pallas_call(
        _support_body,
        grid=(N // BR, D_OUT // H),
        in_specs=[
            pl.BlockSpec((BR, D_IN), lambda r, c: (r, 0)),
            pl.BlockSpec((D_IN, H), lambda r, c: (0, c)),
            pl.BlockSpec((BR, NC), lambda r, c: (r, 0)),
        ],
        out_specs=pl.BlockSpec((1, BR, H), lambda r, c: (c, r, 0)),
        out_shape=jax.ShapeDtypeStruct((NC, N, H), jnp.bfloat16),
    )(x, W, degt)


def _final_tc(accp, s2s, degt, b2):
    return pl.pallas_call(
        _final_body,
        grid=(N // BR, D_OUT // H),
        in_specs=[
            pl.BlockSpec((1, BR, H), lambda r, c: (c, r, 0)),
            pl.BlockSpec((1, BR, H), lambda r, c: (c, r, 0)),
            pl.BlockSpec((BR, NC), lambda r, c: (r, 0)),
            pl.BlockSpec((NC, H), lambda r, c: (0, 0)),
        ],
        out_specs=pl.BlockSpec((BR, H), lambda r, c: (r, c)),
        out_shape=jax.ShapeDtypeStruct((N, D_OUT), jnp.float32),
    )(accp, s2s, degt, b2)


@jax.jit
def kernel(x, edge_index, W, b):
    ei = edge_index.astype(jnp.int32)
    src, dst = ei[0], ei[1]
    pad = EP - E
    dstp = jnp.concatenate([dst, jnp.full((pad,), N, jnp.int32)])
    srcp = jnp.concatenate([src, jnp.zeros((pad,), jnp.int32)])
    src2 = jnp.stack([srcp, srcp + N]).reshape(NC, NS, CC, K)
    dst_c = dstp.reshape(NS, CC, K)
    dst_a = dstp.reshape(NC * NS, CA, K)

    degp = _deg_kernel(dst_a)
    degt = degp.T
    s2s = _support_tc(x, W, degt)
    tbl = s2s.reshape(NC * N, 4, 2, 16).transpose(0, 1, 3, 2)
    tbl = jax.lax.bitcast_convert_type(tbl, jnp.int32).reshape(NC * N, HW)
    accp = _spmm_kernel(tbl, src2, dst_c)
    return _final_tc(accp, s2s, degt, b.reshape(NC, H))

# --- scband reference (transcript-rebuilt; emitter-appended) ---
"""Pipeline reference for scband-gcnconv-51230369907052 (READ-ONLY COPY).

The authoritative reference and input builder live on the scoring server;
editing this copy changes nothing except your own understanding.
"""

import jax, jax.numpy as jnp
import numpy as np

N_NODES = 10000
N_EDGES = 160000
D_IN = 256
D_OUT = 256


def setup_inputs(seed: int = 0) -> dict:
    key = jax.random.key(seed)
    k1, k2, k3, k4 = jax.random.split(key, 4)
    x = jax.random.normal(k1, (N_NODES, D_IN), dtype=jnp.float32)
    edge_index = jax.random.randint(k2, (2, N_EDGES), 0, N_NODES, dtype=jnp.int64)
    stdv = 1.0 / np.sqrt(D_OUT)
    W = jax.random.uniform(k3, (D_IN, D_OUT), dtype=jnp.float32, minval=-stdv, maxval=stdv)
    b = jax.random.uniform(k4, (D_OUT,), dtype=jnp.float32, minval=-stdv, maxval=stdv)
    return {"x": x, "edge_index": edge_index, "W": W, "b": b}


def reference(x, edge_index, W, b):
    # support = X @ W
    support = jnp.dot(x, W)
    N = x.shape[0]
    # edge_to_adj: build normalized adjacency with self-loops (standard GCN):
    #   A_hat = A + I ; D_hat = rowsum(A_hat) ; adj = D^{-1/2} A_hat D^{-1/2}
    loop = jnp.arange(N, dtype=edge_index.dtype)
    src = jnp.concatenate([edge_index[0], loop])
    dst = jnp.concatenate([edge_index[1], loop])
    deg = jnp.zeros((N,), dtype=jnp.float32).at[dst].add(1.0)
    deg_inv_sqrt = jnp.where(deg > 0, 1.0 / jnp.sqrt(deg), 0.0)
    norm = deg_inv_sqrt[dst] * deg_inv_sqrt[src]
    # output = spmm(adj, support): gather source rows, scale, scatter-add to dst
    messages = support[src] * norm[:, None]
    out = jnp.zeros((N, support.shape[1]), dtype=support.dtype).at[dst].add(messages)
    return out + b

if __name__ == "__main__":
    import jax
    _d = setup_inputs()
    print(jax.jit(kernel)(*tuple(_d.values())))

</pallas_src>

<mosaic_0001>
#map = affine_map<(d0, d1) -> (0, 0)>
#map1 = affine_map<(d0, d1) -> (0, 0, 0, 0)>
#map2 = affine_map<(d0, d1) -> (0, 0, 0)>
module attributes {stable_mosaic.version = 14 : i64} {
  func.func @_spmm_body(%arg0: i32, %arg1: i32, %arg2: memref<20000x64xi32, #tpu.memory_space<hbm>>, %arg3: memref<2x16x80x128xi32, #tpu.memory_space<hbm>>, %arg4: memref<16x80x128xi32, #tpu.memory_space<hbm>>, %arg5: memref<2x10112x128xf32, #tpu.memory_space<hbm>>, %arg6: memref<2x128xi32, #tpu.memory_space<vmem>>, %arg7: memref<4x128xi32, #tpu.memory_space<vmem>>, %arg8: memref<2x128x64xi32, #tpu.memory_space<vmem>>, %arg9: memref<2x128x128xf32, #tpu.memory_space<vmem>>, %arg10: memref<10112x128xf32, #tpu.memory_space<vmem_shared>>, %arg11: memref<!tpu.dma_semaphore, #tpu.memory_space<semaphore_mem>>, %arg12: memref<!tpu.dma_semaphore, #tpu.memory_space<semaphore_mem>>, %arg13: memref<!tpu.dma_semaphore, #tpu.memory_space<semaphore_mem>>, %arg14: memref<!tpu.dma_semaphore, #tpu.memory_space<semaphore_mem>>, %arg15: memref<!tpu.dma_semaphore, #tpu.memory_space<semaphore_mem>>, %arg16: memref<!tpu.dma_semaphore, #tpu.memory_space<semaphore_mem>>, %arg17: memref<!tpu.dma_semaphore, #tpu.memory_space<semaphore_mem>>, %arg18: memref<!tpu.dma_semaphore, #tpu.memory_space<semaphore_mem>>, %arg19: memref<!tpu.dma_semaphore, #tpu.memory_space<semaphore_mem>>, %arg20: memref<!tpu.dma_semaphore, #tpu.memory_space<semaphore_mem>>) attributes {dimension_semantics = [#tpu.dimension_semantics<core_parallel>, #tpu.dimension_semantics<subcore_parallel>], iteration_bounds = array<i64: 2, 16>, scalar_prefetch = 0 : i64, scratch_operands = 15 : i64, tpu.core_type = #tpu.core_type<sc_vector_subcore>, window_params = [{transform_indices = #map}, {transform_indices = #map1}, {transform_indices = #map2}, {transform_indices = #map2}]} {
    %scan3A = arith.constant 0 : i32
    %scan3A_0 = arith.constant 0 : i32
    %scan3A_1 = arith.constant 128 : i32
    %scan3A_2 = arith.addi %scan3A_0, %scan3A_1 : i32
    %scan3A_3 = arith.constant 1 : i32
    scf.for %scan3A_206 = %scan3A_0 to %scan3A_2 step %scan3A_3  : i32 {
      %broadcast_in_dim3A = arith.constant 0.000000e+00 : f32
      %broadcast_in_dim3A_207 = vector.broadcast %broadcast_in_dim3A : f32 to vector<16xf32>
      %swap3A = arith.constant 0 : i32
      %swap3A_208 = arith.index_cast %swap3A : i32 to index
      %swap3A_209 = arith.index_cast %scan3A_206 : i32 to index
      %swap3A_210 = arith.constant 0 : index
      %swap3A_211 = tpu.vector_load %arg9[%swap3A_208, %swap3A_209, %swap3A_210] {strides = array<i32>} : memref<2x128x128xf32, #tpu.memory_space<vmem>>, vector<16xf32>,
      tpu.vector_store %arg9[%swap3A_208, %swap3A_209, %swap3A_210], %broadcast_in_dim3A_207 {strides = array<i32>} : memref<2x128x128xf32, #tpu.memory_space<vmem>>, vector<16xf32>,
      %broadcast_in_dim3A_212 = arith.constant 0.000000e+00 : f32
      %broadcast_in_dim3A_213 = vector.broadcast %broadcast_in_dim3A_212 : f32 to vector<16xf32>
      %swap3A_214 = arith.constant 0 : i32
      %swap3A_215 = arith.index_cast %swap3A_214 : i32 to index
      %swap3A_216 = arith.index_cast %scan3A_206 : i32 to index
      %swap3A_217 = arith.constant 16 : index
      %swap3A_218 = tpu.vector_load %arg9[%swap3A_215, %swap3A_216, %swap3A_217] {strides = array<i32>} : memref<2x128x128xf32, #tpu.memory_space<vmem>>, vector<16xf32>,
      tpu.vector_store %arg9[%swap3A_215, %swap3A_216, %swap3A_217], %broadcast_in_dim3A_213 {strides = array<i32>} : memref<2x128x128xf32, #tpu.memory_space<vmem>>, vector<16xf32>,
      %broadcast_in_dim3A_219 = arith.constant 0.000000e+00 : f32
      %broadcast_in_dim3A_220 = vector.broadcast %broadcast_in_dim3A_219 : f32 to vector<16xf32>
      %swap3A_221 = arith.constant 0 : i32
      %swap3A_222 = arith.index_cast %swap3A_221 : i32 to index
      %swap3A_223 = arith.index_cast %scan3A_206 : i32 to index
      %swap3A_224 = arith.constant 32 : index
      %swap3A_225 = tpu.vector_load %arg9[%swap3A_222, %swap3A_223, %swap3A_224] {strides = array<i32>} : memref<2x128x128xf32, #tpu.memory_space<vmem>>, vector<16xf32>,
      tpu.vector_store %arg9[%swap3A_222, %swap3A_223, %swap3A_224], %broadcast_in_dim3A_220 {strides = array<i32>} : memref<2x128x128xf32, #tpu.memory_space<vmem>>, vector<16xf32>,
      %broadcast_in_dim3A_226 = arith.constant 0.000000e+00 : f32
      %broadcast_in_dim3A_227 = vector.broadcast %broadcast_in_dim3A_226 : f32 to vector<16xf32>
      %swap3A_228 = arith.constant 0 : i32
      %swap3A_229 = arith.index_cast %swap3A_228 : i32 to index
      %swap3A_230 = arith.index_cast %scan3A_206 : i32 to index
      %swap3A_231 = arith.constant 48 : index
      %swap3A_232 = tpu.vector_load %arg9[%swap3A_229, %swap3A_230, %swap3A_231] {strides = array<i32>} : memref<2x128x128xf32, #tpu.memory_space<vmem>>, vector<16xf32>,
      tpu.vector_store %arg9[%swap3A_229, %swap3A_230, %swap3A_231], %broadcast_in_dim3A_227 {strides = array<i32>} : memref<2x128x128xf32, #tpu.memory_space<vmem>>, vector<16xf32>,
      %broadcast_in_dim3A_233 = arith.constant 0.000000e+00 : f32
      %broadcast_in_dim3A_234 = vector.broadcast %broadcast_in_dim3A_233 : f32 to vector<16xf32>
      %swap3A_235 = arith.constant 0 : i32
      %swap3A_236 = arith.index_cast %swap3A_235 : i32 to index
      %swap3A_237 = arith.index_cast %scan3A_206 : i32 to index
      %swap3A_238 = arith.constant 64 : index
      %swap3A_239 = tpu.vector_load %arg9[%swap3A_236, %swap3A_237, %swap3A_238] {strides = array<i32>} : memref<2x128x128xf32, #tpu.memory_space<vmem>>, vector<16xf32>,
      tpu.vector_store %arg9[%swap3A_236, %swap3A_237, %swap3A_238], %broadcast_in_dim3A_234 {strides = array<i32>} : memref<2x128x128xf32, #tpu.memory_space<vmem>>, vector<16xf32>,
      %broadcast_in_dim3A_240 = arith.constant 0.000000e+00 : f32
      %broadcast_in_dim3A_241 = vector.broadcast %broadcast_in_dim3A_240 : f32 to vector<16xf32>
      %swap3A_242 = arith.constant 0 : i32
      %swap3A_243 = arith.index_cast %swap3A_242 : i32 to index
      %swap3A_244 = arith.index_cast %scan3A_206 : i32 to index
      %swap3A_245 = arith.constant 80 : index
      %swap3A_246 = tpu.vector_load %arg9[%swap3A_243, %swap3A_244, %swap3A_245] {strides = array<i32>} : memref<2x128x128xf32, #tpu.memory_space<vmem>>, vector<16xf32>,
      tpu.vector_store %arg9[%swap3A_243, %swap3A_244, %swap3A_245], %broadcast_in_dim3A_241 {strides = array<i32>} : memref<2x128x128xf32, #tpu.memory_space<vmem>>, vector<16xf32>,
      %broadcast_in_dim3A_247 = arith.constant 0.000000e+00 : f32
      %broadcast_in_dim3A_248 = vector.broadcast %broadcast_in_dim3A_247 : f32 to vector<16xf32>
      %swap3A_249 = arith.constant 0 : i32
      %swap3A_250 = arith.index_cast %swap3A_249 : i32 to index
      %swap3A_251 = arith.index_cast %scan3A_206 : i32 to index
      %swap3A_252 = arith.constant 96 : index
      %swap3A_253 = tpu.vector_load %arg9[%swap3A_250, %swap3A_251, %swap3A_252] {strides = array<i32>} : memref<2x128x128xf32, #tpu.memory_space<vmem>>, vector<16xf32>,
      tpu.vector_store %arg9[%swap3A_250, %swap3A_251, %swap3A_252], %broadcast_in_dim3A_248 {strides = array<i32>} : memref<2x128x128xf32, #tpu.memory_space<vmem>>, vector<16xf32>,
      %broadcast_in_dim3A_254 = arith.constant 0.000000e+00 : f32
      %broadcast_in_dim3A_255 = vector.broadcast %broadcast_in_dim3A_254 : f32 to vector<16xf32>
      %swap3A_256 = arith.constant 0 : i32
      %swap3A_257 = arith.index_cast %swap3A_256 : i32 to index
      %swap3A_258 = arith.index_cast %scan3A_206 : i32 to index
      %swap3A_259 = arith.constant 112 : index
      %swap3A_260 = tpu.vector_load %arg9[%swap3A_257, %swap3A_258, %swap3A_259] {strides = array<i32>} : memref<2x128x128xf32, #tpu.memory_space<vmem>>, vector<16xf32>,
      tpu.vector_store %arg9[%swap3A_257, %swap3A_258, %swap3A_259], %broadcast_in_dim3A_255 {strides = array<i32>} : memref<2x128x128xf32, #tpu.memory_space<vmem>>, vector<16xf32>,
    }
    %scan3A_4 = arith.constant 128 : i32
    %mul3A = arith.constant 632 : i32
    %mul3A_5 = arith.muli %arg1, %mul3A : i32
    %add3A = arith.constant 0 : i32
    %add3A_6 = arith.addi %mul3A_5, %add3A : i32
    %run_scoped3A = arith.constant 0 : i32
    "tpu.region"() ({
      %run_scoped3A_206 = tpu.sem_alloc : memref<!tpu.dma_semaphore, #tpu.memory_space<semaphore_mem>>
      %dma_start3A_207 = arith.constant 0 : i32
      %dma_start3A_208 = arith.constant 0 : i32
      %dma_start3A_209 = tpu.memref_slice %arg9[%run_scoped3A, %dma_start3A_207, %dma_start3A_208] : memref<2x128x128xf32, #tpu.memory_space<vmem>> -> memref<1x128x128xf32, #tpu.memory_space<vmem>>
      %dma_start3A_210 = tpu.memref_squeeze %dma_start3A_209 : memref<1x128x128xf32, #tpu.memory_space<vmem>> -> memref<128x128xf32, #tpu.memory_space<vmem>>
      %dma_start3A_211 = arith.constant 0 : i32
      %dma_start3A_212 = tpu.memref_slice %arg10[%add3A_6, %dma_start3A_211] : memref<10112x128xf32, #tpu.memory_space<vmem_shared>> -> memref<128x128xf32, #tpu.memory_space<vmem_shared>>
      %dma_start3A_213 = arith.constant 0 : i32
      %dma_start3A_214 = tpu.memref_slice %arg10[%add3A_6, %dma_start3A_213] : memref<10112x128xf32, #tpu.memory_space<vmem_shared>> -> memref<128x128xf32, #tpu.memory_space<vmem_shared>>
      %dma_start3A_215 = arith.constant 0 : i32
      %dma_start3A_216 = arith.constant 0 : i32
      %dma_start3A_217 = tpu.memref_slice %arg9[%run_scoped3A, %dma_start3A_215, %dma_start3A_216] : memref<2x128x128xf32, #tpu.memory_space<vmem>> -> memref<1x128x128xf32, #tpu.memory_space<vmem>>
      %dma_start3A_218 = tpu.memref_squeeze %dma_start3A_217 : memref<1x128x128xf32, #tpu.memory_space<vmem>> -> memref<128x128xf32, #tpu.memory_space<vmem>>
      tpu.enqueue_dma source(%dma_start3A_218 : memref<128x128xf32, #tpu.memory_space<vmem>>) target(%dma_start3A_214 : memref<128x128xf32, #tpu.memory_space<vmem_shared>>) target_semaphore(%run_scoped3A_206 : memref<!tpu.dma_semaphore, #tpu.memory_space<semaphore_mem>>)
      %dma_wait3A_219 = arith.constant 0 : i32
      %dma_wait3A_220 = arith.constant 0 : i32
      %dma_wait3A_221 = tpu.memref_slice %arg9[%run_scoped3A, %dma_wait3A_219, %dma_wait3A_220] : memref<2x128x128xf32, #tpu.memory_space<vmem>> -> memref<1x128x128xf32, #tpu.memory_space<vmem>>
      %dma_wait3A_222 = tpu.memref_squeeze %dma_wait3A_221 : memref<1x128x128xf32, #tpu.memory_space<vmem>> -> memref<128x128xf32, #tpu.memory_space<vmem>>
      %dma_wait3A_223 = arith.constant 0 : i32
      %dma_wait3A_224 = tpu.memref_slice %arg10[%add3A_6, %dma_wait3A_223] : memref<10112x128xf32, #tpu.memory_space<vmem_shared>> -> memref<128x128xf32, #tpu.memory_space<vmem_shared>>
      %dma_wait3A_225 = arith.constant 0 : i32
      %dma_wait3A_226 = tpu.memref_slice %arg10[%add3A_6, %dma_wait3A_225] : memref<10112x128xf32, #tpu.memory_space<vmem_shared>> -> memref<128x128xf32, #tpu.memory_space<vmem_shared>>
      %dma_wait3A_227 = arith.constant 0 : i32
      %dma_wait3A_228 = arith.constant 0 : i32
      %dma_wait3A_229 = tpu.memref_slice %arg9[%run_scoped3A, %dma_wait3A_227, %dma_wait3A_228] : memref<2x128x128xf32, #tpu.memory_space<vmem>> -> memref<1x128x128xf32, #tpu.memory_space<vmem>>
      %dma_wait3A_230 = tpu.memref_squeeze %dma_wait3A_229 : memref<1x128x128xf32, #tpu.memory_space<vmem>> -> memref<128x128xf32, #tpu.memory_space<vmem>>
      tpu.wait_dma2 semaphore(%run_scoped3A_206 : memref<!tpu.dma_semaphore, #tpu.memory_space<semaphore_mem>>) src(%dma_wait3A_230 : memref<128x128xf32, #tpu.memory_space<vmem>>) dst(%dma_wait3A_226 : memref<128x128xf32, #tpu.memory_space<vmem_shared>>)
      tpu.yield
    }) : () -> ()
    %mul3A_7 = arith.constant 632 : i32
    %mul3A_8 = arith.muli %arg1, %mul3A_7 : i32
    %add3A_9 = arith.constant 128 : i32
    %add3A_10 = arith.addi %mul3A_8, %add3A_9 : i32
    %run_scoped3A_11 = arith.constant 0 : i32
    "tpu.region"() ({
      %run_scoped3A_206 = tpu.sem_alloc : memref<!tpu.dma_semaphore, #tpu.memory_space<semaphore_mem>>
      %dma_start3A_207 = arith.constant 0 : i32
      %dma_start3A_208 = arith.constant 0 : i32
      %dma_start3A_209 = tpu.memref_slice %arg9[%run_scoped3A_11, %dma_start3A_207, %dma_start3A_208] : memref<2x128x128xf32, #tpu.memory_space<vmem>> -> memref<1x128x128xf32, #tpu.memory_space<vmem>>
      %dma_start3A_210 = tpu.memref_squeeze %dma_start3A_209 : memref<1x128x128xf32, #tpu.memory_space<vmem>> -> memref<128x128xf32, #tpu.memory_space<vmem>>
      %dma_start3A_211 = arith.constant 0 : i32
      %dma_start3A_212 = tpu.memref_slice %arg10[%add3A_10, %dma_start3A_211] : memref<10112x128xf32, #tpu.memory_space<vmem_shared>> -> memref<128x128xf32, #tpu.memory_space<vmem_shared>>
      %dma_start3A_213 = arith.constant 0 : i32
      %dma_start3A_214 = tpu.memref_slice %arg10[%add3A_10, %dma_start3A_213] : memref<10112x128xf32, #tpu.memory_space<vmem_shared>> -> memref<128x128xf32, #tpu.memory_space<vmem_shared>>
      %dma_start3A_215 = arith.constant 0 : i32
      %dma_start3A_216 = arith.constant 0 : i32
      %dma_start3A_217 = tpu.memref_slice %arg9[%run_scoped3A_11, %dma_start3A_215, %dma_start3A_216] : memref<2x128x128xf32, #tpu.memory_space<vmem>> -> memref<1x128x128xf32, #tpu.memory_space<vmem>>
      %dma_start3A_218 = tpu.memref_squeeze %dma_start3A_217 : memref<1x128x128xf32, #tpu.memory_space<vmem>> -> memref<128x128xf32, #tpu.memory_space<vmem>>
      tpu.enqueue_dma source(%dma_start3A_218 : memref<128x128xf32, #tpu.memory_space<vmem>>) target(%dma_start3A_214 : memref<128x128xf32, #tpu.memory_space<vmem_shared>>) target_semaphore(%run_scoped3A_206 : memref<!tpu.dma_semaphore, #tpu.memory_space<semaphore_mem>>)
      %dma_wait3A_219 = arith.constant 0 : i32
      %dma_wait3A_220 = arith.constant 0 : i32
      %dma_wait3A_221 = tpu.memref_slice %arg9[%run_scoped3A_11, %dma_wait3A_219, %dma_wait3A_220] : memref<2x128x128xf32, #tpu.memory_space<vmem>> -> memref<1x128x128xf32, #tpu.memory_space<vmem>>
      %dma_wait3A_222 = tpu.memref_squeeze %dma_wait3A_221 : memref<1x128x128xf32, #tpu.memory_space<vmem>> -> memref<128x128xf32, #tpu.memory_space<vmem>>
      %dma_wait3A_223 = arith.constant 0 : i32
      %dma_wait3A_224 = tpu.memref_slice %arg10[%add3A_10, %dma_wait3A_223] : memref<10112x128xf32, #tpu.memory_space<vmem_shared>> -> memref<128x128xf32, #tpu.memory_space<vmem_shared>>
      %dma_wait3A_225 = arith.constant 0 : i32
      %dma_wait3A_226 = tpu.memref_slice %arg10[%add3A_10, %dma_wait3A_225] : memref<10112x128xf32, #tpu.memory_space<vmem_shared>> -> memref<128x128xf32, #tpu.memory_space<vmem_shared>>
      %dma_wait3A_227 = arith.constant 0 : i32
      %dma_wait3A_228 = arith.constant 0 : i32
      %dma_wait3A_229 = tpu.memref_slice %arg9[%run_scoped3A_11, %dma_wait3A_227, %dma_wait3A_228] : memref<2x128x128xf32, #tpu.memory_space<vmem>> -> memref<1x128x128xf32, #tpu.memory_space<vmem>>
      %dma_wait3A_230 = tpu.memref_squeeze %dma_wait3A_229 : memref<1x128x128xf32, #tpu.memory_space<vmem>> -> memref<128x128xf32, #tpu.memory_space<vmem>>
      tpu.wait_dma2 semaphore(%run_scoped3A_206 : memref<!tpu.dma_semaphore, #tpu.memory_space<semaphore_mem>>) src(%dma_wait3A_230 : memref<128x128xf32, #tpu.memory_space<vmem>>) dst(%dma_wait3A_226 : memref<128x128xf32, #tpu.memory_space<vmem_shared>>)
      tpu.yield
    }) : () -> ()
    %mul3A_12 = arith.constant 632 : i32
    %mul3A_13 = arith.muli %arg1, %mul3A_12 : i32
    %add3A_14 = arith.constant 256 : i32
    %add3A_15 = arith.addi %mul3A_13, %add3A_14 : i32
    %run_scoped3A_16 = arith.constant 0 : i32
    "tpu.region"() ({
      %run_scoped3A_206 = tpu.sem_alloc : memref<!tpu.dma_semaphore, #tpu.memory_space<semaphore_mem>>
      %dma_start3A_207 = arith.constant 0 : i32
      %dma_start3A_208 = arith.constant 0 : i32
      %dma_start3A_209 = tpu.memref_slice %arg9[%run_scoped3A_16, %dma_start3A_207, %dma_start3A_208] : memref<2x128x128xf32, #tpu.memory_space<vmem>> -> memref<1x128x128xf32, #tpu.memory_space<vmem>>
      %dma_start3A_210 = tpu.memref_squeeze %dma_start3A_209 : memref<1x128x128xf32, #tpu.memory_space<vmem>> -> memref<128x128xf32, #tpu.memory_space<vmem>>
      %dma_start3A_211 = arith.constant 0 : i32
      %dma_start3A_212 = tpu.memref_slice %arg10[%add3A_15, %dma_start3A_211] : memref<10112x128xf32, #tpu.memory_space<vmem_shared>> -> memref<128x128xf32, #tpu.memory_space<vmem_shared>>
      %dma_start3A_213 = arith.constant 0 : i32
      %dma_start3A_214 = tpu.memref_slice %arg10[%add3A_15, %dma_start3A_213] : memref<10112x128xf32, #tpu.memory_space<vmem_shared>> -> memref<128x128xf32, #tpu.memory_space<vmem_shared>>
      %dma_start3A_215 = arith.constant 0 : i32
      %dma_start3A_216 = arith.constant 0 : i32
      %dma_start3A_217 = tpu.memref_slice %arg9[%run_scoped3A_16, %dma_start3A_215, %dma_start3A_216] : memref<2x128x128xf32, #tpu.memory_space<vmem>> -> memref<1x128x128xf32, #tpu.memory_space<vmem>>
      %dma_start3A_218 = tpu.memref_squeeze %dma_start3A_217 : memref<1x128x128xf32, #tpu.memory_space<vmem>> -> memref<128x128xf32, #tpu.memory_space<vmem>>
      tpu.enqueue_dma source(%dma_start3A_218 : memref<128x128xf32, #tpu.memory_space<vmem>>) target(%dma_start3A_214 : memref<128x128xf32, #tpu.memory_space<vmem_shared>>) target_semaphore(%run_scoped3A_206 : memref<!tpu.dma_semaphore, #tpu.memory_space<semaphore_mem>>)
      %dma_wait3A_219 = arith.constant 0 : i32
      %dma_wait3A_220 = arith.constant 0 : i32
      %dma_wait3A_221 = tpu.memref_slice %arg9[%run_scoped3A_16, %dma_wait3A_219, %dma_wait3A_220] : memref<2x128x128xf32, #tpu.memory_space<vmem>> -> memref<1x128x128xf32, #tpu.memory_space<vmem>>
      %dma_wait3A_222 = tpu.memref_squeeze %dma_wait3A_221 : memref<1x128x128xf32, #tpu.memory_space<vmem>> -> memref<128x128xf32, #tpu.memory_space<vmem>>
      %dma_wait3A_223 = arith.constant 0 : i32
      %dma_wait3A_224 = tpu.memref_slice %arg10[%add3A_15, %dma_wait3A_223] : memref<10112x128xf32, #tpu.memory_space<vmem_shared>> -> memref<128x128xf32, #tpu.memory_space<vmem_shared>>
      %dma_wait3A_225 = arith.constant 0 : i32
      %dma_wait3A_226 = tpu.memref_slice %arg10[%add3A_15, %dma_wait3A_225] : memref<10112x128xf32, #tpu.memory_space<vmem_shared>> -> memref<128x128xf32, #tpu.memory_space<vmem_shared>>
      %dma_wait3A_227 = arith.constant 0 : i32
      %dma_wait3A_228 = arith.constant 0 : i32
      %dma_wait3A_229 = tpu.memref_slice %arg9[%run_scoped3A_16, %dma_wait3A_227, %dma_wait3A_228] : memref<2x128x128xf32, #tpu.memory_space<vmem>> -> memref<1x128x128xf32, #tpu.memory_space<vmem>>
      %dma_wait3A_230 = tpu.memref_squeeze %dma_wait3A_229 : memref<1x128x128xf32, #tpu.memory_space<vmem>> -> memref<128x128xf32, #tpu.memory_space<vmem>>
      tpu.wait_dma2 semaphore(%run_scoped3A_206 : memref<!tpu.dma_semaphore, #tpu.memory_space<semaphore_mem>>) src(%dma_wait3A_230 : memref<128x128xf32, #tpu.memory_space<vmem>>) dst(%dma_wait3A_226 : memref<128x128xf32, #tpu.memory_space<vmem_shared>>)
      tpu.yield
    }) : () -> ()
    %mul3A_17 = arith.constant 632 : i32
    %mul3A_18 = arith.muli %arg1, %mul3A_17 : i32
    %add3A_19 = arith.constant 384 : i32
    %add3A_20 = arith.addi %mul3A_18, %add3A_19 : i32
    %run_scoped3A_21 = arith.constant 0 : i32
    "tpu.region"() ({
      %run_scoped3A_206 = tpu.sem_alloc : memref<!tpu.dma_semaphore, #tpu.memory_space<semaphore_mem>>
      %dma_start3A_207 = arith.constant 0 : i32
      %dma_start3A_208 = arith.constant 0 : i32
      %dma_start3A_209 = tpu.memref_slice %arg9[%run_scoped3A_21, %dma_start3A_207, %dma_start3A_208] : memref<2x128x128xf32, #tpu.memory_space<vmem>> -> memref<1x128x128xf32, #tpu.memory_space<vmem>>
      %dma_start3A_210 = tpu.memref_squeeze %dma_start3A_209 : memref<1x128x128xf32, #tpu.memory_space<vmem>> -> memref<128x128xf32, #tpu.memory_space<vmem>>
      %dma_start3A_211 = arith.constant 0 : i32
      %dma_start3A_212 = tpu.memref_slice %arg10[%add3A_20, %dma_start3A_211] : memref<10112x128xf32, #tpu.memory_space<vmem_shared>> -> memref<128x128xf32, #tpu.memory_space<vmem_shared>>
      %dma_start3A_213 = arith.constant 0 : i32
      %dma_start3A_214 = tpu.memref_slice %arg10[%add3A_20, %dma_start3A_213] : memref<10112x128xf32, #tpu.memory_space<vmem_shared>> -> memref<128x128xf32, #tpu.memory_space<vmem_shared>>
      %dma_start3A_215 = arith.constant 0 : i32
      %dma_start3A_216 = arith.constant 0 : i32
      %dma_start3A_217 = tpu.memref_slice %arg9[%run_scoped3A_21, %dma_start3A_215, %dma_start3A_216] : memref<2x128x128xf32, #tpu.memory_space<vmem>> -> memref<1x128x128xf32, #tpu.memory_space<vmem>>
      %dma_start3A_218 = tpu.memref_squeeze %dma_start3A_217 : memref<1x128x128xf32, #tpu.memory_space<vmem>> -> memref<128x128xf32, #tpu.memory_space<vmem>>
      tpu.enqueue_dma source(%dma_start3A_218 : memref<128x128xf32, #tpu.memory_space<vmem>>) target(%dma_start3A_214 : memref<128x128xf32, #tpu.memory_space<vmem_shared>>) target_semaphore(%run_scoped3A_206 : memref<!tpu.dma_semaphore, #tpu.memory_space<semaphore_mem>>)
      %dma_wait3A_219 = arith.constant 0 : i32
      %dma_wait3A_220 = arith.constant 0 : i32
      %dma_wait3A_221 = tpu.memref_slice %arg9[%run_scoped3A_21, %dma_wait3A_219, %dma_wait3A_220] : memref<2x128x128xf32, #tpu.memory_space<vmem>> -> memref<1x128x128xf32, #tpu.memory_space<vmem>>
      %dma_wait3A_222 = tpu.memref_squeeze %dma_wait3A_221 : memref<1x128x128xf32, #tpu.memory_space<vmem>> -> memref<128x128xf32, #tpu.memory_space<vmem>>
      %dma_wait3A_223 = arith.constant 0 : i32
      %dma_wait3A_224 = tpu.memref_slice %arg10[%add3A_20, %dma_wait3A_223] : memref<10112x128xf32, #tpu.memory_space<vmem_shared>> -> memref<128x128xf32, #tpu.memory_space<vmem_shared>>
      %dma_wait3A_225 = arith.constant 0 : i32
      %dma_wait3A_226 = tpu.memref_slice %arg10[%add3A_20, %dma_wait3A_225] : memref<10112x128xf32, #tpu.memory_space<vmem_shared>> -> memref<128x128xf32, #tpu.memory_space<vmem_shared>>
      %dma_wait3A_227 = arith.constant 0 : i32
      %dma_wait3A_228 = arith.constant 0 : i32
      %dma_wait3A_229 = tpu.memref_slice %arg9[%run_scoped3A_21, %dma_wait3A_227, %dma_wait3A_228] : memref<2x128x128xf32, #tpu.memory_space<vmem>> -> memref<1x128x128xf32, #tpu.memory_space<vmem>>
      %dma_wait3A_230 = tpu.memref_squeeze %dma_wait3A_229 : memref<1x128x128xf32, #tpu.memory_space<vmem>> -> memref<128x128xf32, #tpu.memory_space<vmem>>
      tpu.wait_dma2 semaphore(%run_scoped3A_206 : memref<!tpu.dma_semaphore, #tpu.memory_space<semaphore_mem>>) src(%dma_wait3A_230 : memref<128x128xf32, #tpu.memory_space<vmem>>) dst(%dma_wait3A_226 : memref<128x128xf32, #tpu.memory_space<vmem_shared>>)
      tpu.yield
    }) : () -> ()
    %mul3A_22 = arith.constant 632 : i32
    %mul3A_23 = arith.muli %arg1, %mul3A_22 : i32
    %add3A_24 = arith.constant 512 : i32
    %add3A_25 = arith.addi %mul3A_23, %add3A_24 : i32
    %run_scoped3A_26 = arith.constant 0 : i32
    "tpu.region"() ({
      %run_scoped3A_206 = tpu.sem_alloc : memref<!tpu.dma_semaphore, #tpu.memory_space<semaphore_mem>>
      %dma_start3A_207 = arith.constant 0 : i32
      %dma_start3A_208 = arith.constant 0 : i32
      %dma_start3A_209 = tpu.memref_slice %arg9[%run_scoped3A_26, %dma_start3A_207, %dma_start3A_208] : memref<2x128x128xf32, #tpu.memory_space<vmem>> -> memref<1x120x128xf32, #tpu.memory_space<vmem>>
      %dma_start3A_210 = tpu.memref_squeeze %dma_start3A_209 : memref<1x120x128xf32, #tpu.memory_space<vmem>> -> memref<120x128xf32, #tpu.memory_space<vmem>>
      %dma_start3A_211 = arith.constant 0 : i32
      %dma_start3A_212 = tpu.memref_slice %arg10[%add3A_25, %dma_start3A_211] : memref<10112x128xf32, #tpu.memory_space<vmem_shared>> -> memref<120x128xf32, #tpu.memory_space<vmem_shared>>
      %dma_start3A_213 = arith.constant 0 : i32
      %dma_start3A_214 = tpu.memref_slice %arg10[%add3A_25, %dma_start3A_213] : memref<10112x128xf32, #tpu.memory_space<vmem_shared>> -> memref<120x128xf32, #tpu.memory_space<vmem_shared>>
      %dma_start3A_215 = arith.constant 0 : i32
      %dma_start3A_216 = arith.constant 0 : i32
      %dma_start3A_217 = tpu.memref_slice %arg9[%run_scoped3A_26, %dma_start3A_215, %dma_start3A_216] : memref<2x128x128xf32, #tpu.memory_space<vmem>> -> memref<1x120x128xf32, #tpu.memory_space<vmem>>
      %dma_start3A_218 = tpu.memref_squeeze %dma_start3A_217 : memref<1x120x128xf32, #tpu.memory_space<vmem>> -> memref<120x128xf32, #tpu.memory_space<vmem>>
      tpu.enqueue_dma source(%dma_start3A_218 : memref<120x128xf32, #tpu.memory_space<vmem>>) target(%dma_start3A_214 : memref<120x128xf32, #tpu.memory_space<vmem_shared>>) target_semaphore(%run_scoped3A_206 : memref<!tpu.dma_semaphore, #tpu.memory_space<semaphore_mem>>)
      %dma_wait3A_219 = arith.constant 0 : i32
      %dma_wait3A_220 = arith.constant 0 : i32
      %dma_wait3A_221 = tpu.memref_slice %arg9[%run_scoped3A_26, %dma_wait3A_219, %dma_wait3A_220] : memref<2x128x128xf32, #tpu.memory_space<vmem>> -> memref<1x120x128xf32, #tpu.memory_space<vmem>>
      %dma_wait3A_222 = tpu.memref_squeeze %dma_wait3A_221 : memref<1x120x128xf32, #tpu.memory_space<vmem>> -> memref<120x128xf32, #tpu.memory_space<vmem>>
      %dma_wait3A_223 = arith.constant 0 : i32
      %dma_wait3A_224 = tpu.memref_slice %arg10[%add3A_25, %dma_wait3A_223] : memref<10112x128xf32, #tpu.memory_space<vmem_shared>> -> memref<120x128xf32, #tpu.memory_space<vmem_shared>>
      %dma_wait3A_225 = arith.constant 0 : i32
      %dma_wait3A_226 = tpu.memref_slice %arg10[%add3A_25, %dma_wait3A_225] : memref<10112x128xf32, #tpu.memory_space<vmem_shared>> -> memref<120x128xf32, #tpu.memory_space<vmem_shared>>
      %dma_wait3A_227 = arith.constant 0 : i32
      %dma_wait3A_228 = arith.constant 0 : i32
      %dma_wait3A_229 = tpu.memref_slice %arg9[%run_scoped3A_26, %dma_wait3A_227, %dma_wait3A_228] : memref<2x128x128xf32, #tpu.memory_space<vmem>> -> memref<1x120x128xf32, #tpu.memory_space<vmem>>
      %dma_wait3A_230 = tpu.memref_squeeze %dma_wait3A_229 : memref<1x120x128xf32, #tpu.memory_space<vmem>> -> memref<120x128xf32, #tpu.memory_space<vmem>>
      tpu.wait_dma2 semaphore(%run_scoped3A_206 : memref<!tpu.dma_semaphore, #tpu.memory_space<semaphore_mem>>) src(%dma_wait3A_230 : memref<120x128xf32, #tpu.memory_space<vmem>>) dst(%dma_wait3A_226 : memref<120x128xf32, #tpu.memory_space<vmem_shared>>)
      tpu.yield
    }) : () -> ()
    %barrier3A = arith.constant 0 : index
    tpu.barrier barrier_id(%barrier3A)
    %dma_start3A = arith.constant 0 : i32
    %dma_start3A_27 = arith.constant 0 : i32
    %dma_start3A_28 = arith.constant 0 : i32
    %dma_start3A_29 = tpu.memref_slice %arg6[%dma_start3A_27, %dma_start3A_28] : memref<2x128xi32, #tpu.memory_space<vmem>> -> memref<1x128xi32, #tpu.memory_space<vmem>>
    %dma_start3A_30 = tpu.memref_squeeze %dma_start3A_29 : memref<1x128xi32, #tpu.memory_space<vmem>> -> memref<128xi32, #tpu.memory_space<vmem>>
    %dma_start3A_31 = arith.constant 0 : i32
    %dma_start3A_32 = tpu.memref_slice %arg3[%arg0, %arg1, %dma_start3A, %dma_start3A_31] : memref<2x16x80x128xi32, #tpu.memory_space<hbm>> -> memref<1x1x1x128xi32, #tpu.memory_space<hbm>>
    %dma_start3A_33 = tpu.memref_squeeze %dma_start3A_32 : memref<1x1x1x128xi32, #tpu.memory_space<hbm>> -> memref<128xi32, #tpu.memory_space<hbm>>
    %dma_start3A_34 = arith.constant 0 : i32
    %dma_start3A_35 = tpu.memref_slice %arg6[%dma_start3A_27, %dma_start3A_34] : memref<2x128xi32, #tpu.memory_space<vmem>> -> memref<1x128xi32, #tpu.memory_space<vmem>>
    %dma_start3A_36 = tpu.memref_squeeze %dma_start3A_35 : memref<1x128xi32, #tpu.memory_space<vmem>> -> memref<128xi32, #tpu.memory_space<vmem>>
    %dma_start3A_37 = arith.constant 0 : i32
    %dma_start3A_38 = tpu.memref_slice %arg3[%arg0, %arg1, %dma_start3A, %dma_start3A_37] : memref<2x16x80x128xi32, #tpu.memory_space<hbm>> -> memref<1x1x1x128xi32, #tpu.memory_space<hbm>>
    %dma_start3A_39 = tpu.memref_squeeze %dma_start3A_38 : memref<1x1x1x128xi32, #tpu.memory_space<hbm>> -> memref<128xi32, #tpu.memory_space<hbm>>
    tpu.enqueue_dma source(%dma_start3A_39 : memref<128xi32, #tpu.memory_space<hbm>>) target(%dma_start3A_36 : memref<128xi32, #tpu.memory_space<vmem>>) target_semaphore(%arg11 : memref<!tpu.dma_semaphore, #tpu.memory_space<semaphore_mem>>)
    %dma_start3A_40 = arith.constant 1 : i32
    %dma_start3A_41 = arith.constant 1 : i32
    %dma_start3A_42 = arith.constant 0 : i32
    %dma_start3A_43 = tpu.memref_slice %arg6[%dma_start3A_41, %dma_start3A_42] : memref<2x128xi32, #tpu.memory_space<vmem>> -> memref<1x128xi32, #tpu.memory_space<vmem>>
    %dma_start3A_44 = tpu.memref_squeeze %dma_start3A_43 : memref<1x128xi32, #tpu.memory_space<vmem>> -> memref<128xi32, #tpu.memory_space<vmem>>
    %dma_start3A_45 = arith.constant 0 : i32
    %dma_start3A_46 = tpu.memref_slice %arg3[%arg0, %arg1, %dma_start3A_40, %dma_start3A_45] : memref<2x16x80x128xi32, #tpu.memory_space<hbm>> -> memref<1x1x1x128xi32, #tpu.memory_space<hbm>>
    %dma_start3A_47 = tpu.memref_squeeze %dma_start3A_46 : memref<1x1x1x128xi32, #tpu.memory_space<hbm>> -> memref<128xi32, #tpu.memory_space<hbm>>
    %dma_start3A_48 = arith.constant 0 : i32
    %dma_start3A_49 = tpu.memref_slice %arg6[%dma_start3A_41, %dma_start3A_48] : memref<2x128xi32, #tpu.memory_space<vmem>> -> memref<1x128xi32, #tpu.memory_space<vmem>>
    %dma_start3A_50 = tpu.memref_squeeze %dma_start3A_49 : memref<1x128xi32, #tpu.memory_space<vmem>> -> memref<128xi32, #tpu.memory_space<vmem>>
    %dma_start3A_51 = arith.constant 0 : i32
    %dma_start3A_52 = tpu.memref_slice %arg3[%arg0, %arg1, %dma_start3A_40, %dma_start3A_51] : memref<2x16x80x128xi32, #tpu.memory_space<hbm>> -> memref<1x1x1x128xi32, #tpu.memory_space<hbm>>
    %dma_start3A_53 = tpu.memref_squeeze %dma_start3A_52 : memref<1x1x1x128xi32, #tpu.memory_space<hbm>> -> memref<128xi32, #tpu.memory_space<hbm>>
    tpu.enqueue_dma source(%dma_start3A_53 : memref<128xi32, #tpu.memory_space<hbm>>) target(%dma_start3A_50 : memref<128xi32, #tpu.memory_space<vmem>>) target_semaphore(%arg12 : memref<!tpu.dma_semaphore, #tpu.memory_space<semaphore_mem>>)
    %dma_start3A_54 = arith.constant 0 : i32
    %dma_start3A_55 = arith.constant 0 : i32
    %dma_start3A_56 = arith.constant 0 : i32
    %dma_start3A_57 = tpu.memref_slice %arg7[%dma_start3A_55, %dma_start3A_56] : memref<4x128xi32, #tpu.memory_space<vmem>> -> memref<1x128xi32, #tpu.memory_space<vmem>>
    %dma_start3A_58 = tpu.memref_squeeze %dma_start3A_57 : memref<1x128xi32, #tpu.memory_space<vmem>> -> memref<128xi32, #tpu.memory_space<vmem>>
    %dma_start3A_59 = arith.constant 0 : i32
    %dma_start3A_60 = tpu.memref_slice %arg4[%arg1, %dma_start3A_54, %dma_start3A_59] : memref<16x80x128xi32, #tpu.memory_space<hbm>> -> memref<1x1x128xi32, #tpu.memory_space<hbm>>
    %dma_start3A_61 = tpu.memref_squeeze %dma_start3A_60 : memref<1x1x128xi32, #tpu.memory_space<hbm>> -> memref<128xi32, #tpu.memory_space<hbm>>
    %dma_start3A_62 = arith.constant 0 : i32
    %dma_start3A_63 = tpu.memref_slice %arg7[%dma_start3A_55, %dma_start3A_62] : memref<4x128xi32, #tpu.memory_space<vmem>> -> memref<1x128xi32, #tpu.memory_space<vmem>>
    %dma_start3A_64 = tpu.memref_squeeze %dma_start3A_63 : memref<1x128xi32, #tpu.memory_space<vmem>> -> memref<128xi32, #tpu.memory_space<vmem>>
    %dma_start3A_65 = arith.constant 0 : i32
    %dma_start3A_66 = tpu.memref_slice %arg4[%arg1, %dma_start3A_54, %dma_start3A_65] : memref<16x80x128xi32, #tpu.memory_space<hbm>> -> memref<1x1x128xi32, #tpu.memory_space<hbm>>
    %dma_start3A_67 = tpu.memref_squeeze %dma_start3A_66 : memref<1x1x128xi32, #tpu.memory_space<hbm>> -> memref<128xi32, #tpu.memory_space<hbm>>
    tpu.enqueue_dma source(%dma_start3A_67 : memref<128xi32, #tpu.memory_space<hbm>>) target(%dma_start3A_64 : memref<128xi32, #tpu.memory_space<vmem>>) target_semaphore(%arg13 : memref<!tpu.dma_semaphore, #tpu.memory_space<semaphore_mem>>)
    %dma_start3A_68 = arith.constant 1 : i32
    %dma_start3A_69 = arith.constant 1 : i32
    %dma_start3A_70 = arith.constant 0 : i32
    %dma_start3A_71 = tpu.memref_slice %arg7[%dma_start3A_69, %dma_start3A_70] : memref<4x128xi32, #tpu.memory_space<vmem>> -> memref<1x128xi32, #tpu.memory_space<vmem>>
    %dma_start3A_72 = tpu.memref_squeeze %dma_start3A_71 : memref<1x128xi32, #tpu.memory_space<vmem>> -> memref<128xi32, #tpu.memory_space<vmem>>
    %dma_start3A_73 = arith.constant 0 : i32
    %dma_start3A_74 = tpu.memref_slice %arg4[%arg1, %dma_start3A_68, %dma_start3A_73] : memref<16x80x128xi32, #tpu.memory_space<hbm>> -> memref<1x1x128xi32, #tpu.memory_space<hbm>>
    %dma_start3A_75 = tpu.memref_squeeze %dma_start3A_74 : memref<1x1x128xi32, #tpu.memory_space<hbm>> -> memref<128xi32, #tpu.memory_space<hbm>>
    %dma_start3A_76 = arith.constant 0 : i32
    %dma_start3A_77 = tpu.memref_slice %arg7[%dma_start3A_69, %dma_start3A_76] : memref<4x128xi32, #tpu.memory_space<vmem>> -> memref<1x128xi32, #tpu.memory_space<vmem>>
    %dma_start3A_78 = tpu.memref_squeeze %dma_start3A_77 : memref<1x128xi32, #tpu.memory_space<vmem>> -> memref<128xi32, #tpu.memory_space<vmem>>
    %dma_start3A_79 = arith.constant 0 : i32
    %dma_start3A_80 = tpu.memref_slice %arg4[%arg1, %dma_start3A_68, %dma_start3A_79] : memref<16x80x128xi32, #tpu.memory_space<hbm>> -> memref<1x1x128xi32, #tpu.memory_space<hbm>>
    %dma_start3A_81 = tpu.memref_squeeze %dma_start3A_80 : memref<1x1x128xi32, #tpu.memory_space<hbm>> -> memref<128xi32, #tpu.memory_space<hbm>>
    tpu.enqueue_dma source(%dma_start3A_81 : memref<128xi32, #tpu.memory_space<hbm>>) target(%dma_start3A_78 : memref<128xi32, #tpu.memory_space<vmem>>) target_semaphore(%arg14 : memref<!tpu.dma_semaphore, #tpu.memory_space<semaphore_mem>>)
    %dma_start3A_82 = arith.constant 2 : i32
    %dma_start3A_83 = arith.constant 2 : i32
    %dma_start3A_84 = arith.constant 0 : i32
    %dma_start3A_85 = tpu.memref_slice %arg7[%dma_start3A_83, %dma_start3A_84] : memref<4x128xi32, #tpu.memory_space<vmem>> -> memref<1x128xi32, #tpu.memory_space<vmem>>
    %dma_start3A_86 = tpu.memref_squeeze %dma_start3A_85 : memref<1x128xi32, #tpu.memory_space<vmem>> -> memref<128xi32, #tpu.memory_space<vmem>>
    %dma_start3A_87 = arith.constant 0 : i32
    %dma_start3A_88 = tpu.memref_slice %arg4[%arg1, %dma_start3A_82, %dma_start3A_87] : memref<16x80x128xi32, #tpu.memory_space<hbm>> -> memref<1x1x128xi32, #tpu.memory_space<hbm>>
    %dma_start3A_89 = tpu.memref_squeeze %dma_start3A_88 : memref<1x1x128xi32, #tpu.memory_space<hbm>> -> memref<128xi32, #tpu.memory_space<hbm>>
    %dma_start3A_90 = arith.constant 0 : i32
    %dma_start3A_91 = tpu.memref_slice %arg7[%dma_start3A_83, %dma_start3A_90] : memref<4x128xi32, #tpu.memory_space<vmem>> -> memref<1x128xi32, #tpu.memory_space<vmem>>
    %dma_start3A_92 = tpu.memref_squeeze %dma_start3A_91 : memref<1x128xi32, #tpu.memory_space<vmem>> -> memref<128xi32, #tpu.memory_space<vmem>>
    %dma_start3A_93 = arith.constant 0 : i32
    %dma_start3A_94 = tpu.memref_slice %arg4[%arg1, %dma_start3A_82, %dma_start3A_93] : memref<16x80x128xi32, #tpu.memory_space<hbm>> -> memref<1x1x128xi32, #tpu.memory_space<hbm>>
    %dma_start3A_95 = tpu.memref_squeeze %dma_start3A_94 : memref<1x1x128xi32, #tpu.memory_space<hbm>> -> memref<128xi32, #tpu.memory_space<hbm>>
    tpu.enqueue_dma source(%dma_start3A_95 : memref<128xi32, #tpu.memory_space<hbm>>) target(%dma_start3A_92 : memref<128xi32, #tpu.memory_space<vmem>>) target_semaphore(%arg15 : memref<!tpu.dma_semaphore, #tpu.memory_space<semaphore_mem>>)
    %dma_start3A_96 = arith.constant 3 : i32
    %dma_start3A_97 = arith.constant 3 : i32
    %dma_start3A_98 = arith.constant 0 : i32
    %dma_start3A_99 = tpu.memref_slice %arg7[%dma_start3A_97, %dma_start3A_98] : memref<4x128xi32, #tpu.memory_space<vmem>> -> memref<1x128xi32, #tpu.memory_space<vmem>>
    %dma_start3A_100 = tpu.memref_squeeze %dma_start3A_99 : memref<1x128xi32, #tpu.memory_space<vmem>> -> memref<128xi32, #tpu.memory_space<vmem>>
    %dma_start3A_101 = arith.constant 0 : i32
    %dma_start3A_102 = tpu.memref_slice %arg4[%arg1, %dma_start3A_96, %dma_start3A_101] : memref<16x80x128xi32, #tpu.memory_space<hbm>> -> memref<1x1x128xi32, #tpu.memory_space<hbm>>
    %dma_start3A_103 = tpu.memref_squeeze %dma_start3A_102 : memref<1x1x128xi32, #tpu.memory_space<hbm>> -> memref<128xi32, #tpu.memory_space<hbm>>
    %dma_start3A_104 = arith.constant 0 : i32
    %dma_start3A_105 = tpu.memref_slice %arg7[%dma_start3A_97, %dma_start3A_104] : memref<4x128xi32, #tpu.memory_space<vmem>> -> memref<1x128xi32, #tpu.memory_space<vmem>>
    %dma_start3A_106 = tpu.memref_squeeze %dma_start3A_105 : memref<1x128xi32, #tpu.memory_space<vmem>> -> memref<128xi32, #tpu.memory_space<vmem>>
    %dma_start3A_107 = arith.constant 0 : i32
    %dma_start3A_108 = tpu.memref_slice %arg4[%arg1, %dma_start3A_96, %dma_start3A_107] : memref<16x80x128xi32, #tpu.memory_space<hbm>> -> memref<1x1x128xi32, #tpu.memory_space<hbm>>
    %dma_start3A_109 = tpu.memref_squeeze %dma_start3A_108 : memref<1x1x128xi32, #tpu.memory_space<hbm>> -> memref<128xi32, #tpu.memory_space<hbm>>
    tpu.enqueue_dma source(%dma_start3A_109 : memref<128xi32, #tpu.memory_space<hbm>>) target(%dma_start3A_106 : memref<128xi32, #tpu.memory_space<vmem>>) target_semaphore(%arg16 : memref<!tpu.dma_semaphore, #tpu.memory_space<semaphore_mem>>)
    %dma_wait3A = arith.constant 0 : i32
    %dma_wait3A_110 = arith.constant 0 : i32
    %dma_wait3A_111 = arith.constant 0 : i32
    %dma_wait3A_112 = tpu.memref_slice %arg6[%dma_wait3A_110, %dma_wait3A_111] : memref<2x128xi32, #tpu.memory_space<vmem>> -> memref<1x128xi32, #tpu.memory_space<vmem>>
    %dma_wait3A_113 = tpu.memref_squeeze %dma_wait3A_112 : memref<1x128xi32, #tpu.memory_space<vmem>> -> memref<128xi32, #tpu.memory_space<vmem>>
    %dma_wait3A_114 = arith.constant 0 : i32
    %dma_wait3A_115 = tpu.memref_slice %arg3[%arg0, %arg1, %dma_wait3A, %dma_wait3A_114] : memref<2x16x80x128xi32, #tpu.memory_space<hbm>> -> memref<1x1x1x128xi32, #tpu.memory_space<hbm>>
    %dma_wait3A_116 = tpu.memref_squeeze %dma_wait3A_115 : memref<1x1x1x128xi32, #tpu.memory_space<hbm>> -> memref<128xi32, #tpu.memory_space<hbm>>
    %dma_wait3A_117 = arith.constant 0 : i32
    %dma_wait3A_118 = tpu.memref_slice %arg6[%dma_wait3A_110, %dma_wait3A_117] : memref<2x128xi32, #tpu.memory_space<vmem>> -> memref<1x128xi32, #tpu.memory_space<vmem>>
    %dma_wait3A_119 = tpu.memref_squeeze %dma_wait3A_118 : memref<1x128xi32, #tpu.memory_space<vmem>> -> memref<128xi32, #tpu.memory_space<vmem>>
    %dma_wait3A_120 = arith.constant 0 : i32
    %dma_wait3A_121 = tpu.memref_slice %arg3[%arg0, %arg1, %dma_wait3A, %dma_wait3A_120] : memref<2x16x80x128xi32, #tpu.memory_space<hbm>> -> memref<1x1x1x128xi32, #tpu.memory_space<hbm>>
    %dma_wait3A_122 = tpu.memref_squeeze %dma_wait3A_121 : memref<1x1x1x128xi32, #tpu.memory_space<hbm>> -> memref<128xi32, #tpu.memory_space<hbm>>
    tpu.wait_dma2 semaphore(%arg11 : memref<!tpu.dma_semaphore, #tpu.memory_space<semaphore_mem>>) src(%dma_wait3A_122 : memref<128xi32, #tpu.memory_space<hbm>>) dst(%dma_wait3A_119 : memref<128xi32, #tpu.memory_space<vmem>>)
    %dma_start3A_123 = arith.constant 0 : i32
    %dma_start3A_124 = arith.constant 0 : i32
    %dma_start3A_125 = arith.constant 0 : i32
    %dma_start3A_126 = arith.constant 0 : i32
    %dma_start3A_127 = tpu.memref_slice %arg8[%dma_start3A_124, %dma_start3A_125, %dma_start3A_126] : memref<2x128x64xi32, #tpu.memory_space<vmem>> -> memref<1x128x64xi32, #tpu.memory_space<vmem>>
    %dma_start3A_128 = tpu.memref_squeeze %dma_start3A_127 : memref<1x128x64xi32, #tpu.memory_space<vmem>> -> memref<128x64xi32, #tpu.memory_space<vmem>>
    %dma_start3A_129 = arith.constant 0 : i32
    %dma_start3A_130 = tpu.memref_slice %arg6[%dma_start3A_123, %dma_start3A_129] : memref<2x128xi32, #tpu.memory_space<vmem>> -> memref<1x128xi32, #tpu.memory_space<vmem>>
    %dma_start3A_131 = tpu.memref_squeeze %dma_start3A_130 : memref<1x128xi32, #tpu.memory_space<vmem>> -> memref<128xi32, #tpu.memory_space<vmem>>
    %dma_start3A_132 = arith.constant 0 : i32
    %dma_start3A_133 = arith.constant 0 : i32
    %dma_start3A_134 = tpu.memref_slice %arg2[%dma_start3A_132, %dma_start3A_133] : memref<20000x64xi32, #tpu.memory_space<hbm>> -> memref<20000x64xi32, #tpu.memory_space<hbm>>
    tpu.enqueue_indirect_dma source(%dma_start3A_134 : memref<20000x64xi32, #tpu.memory_space<hbm>>) target(%dma_start3A_128 : memref<128x64xi32, #tpu.memory_space<vmem>>) offsets(%dma_start3A_131 : memref<128xi32, #tpu.memory_space<vmem>>) semaphore(%arg17 : memref<!tpu.dma_semaphore, #tpu.memory_space<semaphore_mem>>)
    %scan3A_135 = arith.constant 0 : i32
    %scan3A_136 = arith.constant 0 : i32
    %scan3A_137 = arith.constant 20 : i32
    %scan3A_138 = arith.addi %scan3A_136, %scan3A_137 : i32
    %scan3A_139 = arith.constant 1 : i32
    scf.for %scan3A_206 = %scan3A_136 to %scan3A_138 step %scan3A_139  : i32 {
      %mul3A_207 = arith.constant 4 : i32
      %mul3A_208 = arith.muli %mul3A_207, %scan3A_206 : i32
      %add3A_209 = arith.constant 0 : i32
      %add3A_210 = arith.addi %mul3A_208, %add3A_209 : i32
      %add3A_211 = arith.constant 1 : i32
      %add3A_212 = arith.addi %add3A_210, %add3A_211 : i32
      %lt3A = arith.constant 80 : i32
      %lt3A_213 = arith.cmpi slt, %add3A_212, %lt3A : i32
      %convert_element_type3A = arith.extui %lt3A_213 : i1 to i32
      %cond3A = arith.constant 0 : i32
      %cond3A_214 = arith.cmpi ne, %convert_element_type3A, %cond3A : i32
      scf.if %cond3A_214 {
        %add3A_454 = arith.constant 1 : i32
        %add3A_455 = arith.addi %add3A_210, %add3A_454 : i32
        %dma_wait3A_456 = arith.constant 1 : i32
        %dma_wait3A_457 = arith.constant 0 : i32
        %dma_wait3A_458 = tpu.memref_slice %arg6[%dma_wait3A_456, %dma_wait3A_457] : memref<2x128xi32, #tpu.memory_space<vmem>> -> memref<1x128xi32, #tpu.memory_space<vmem>>
        %dma_wait3A_459 = tpu.memref_squeeze %dma_wait3A_458 : memref<1x128xi32, #tpu.memory_space<vmem>> -> memref<128xi32, #tpu.memory_space<vmem>>
        %dma_wait3A_460 = arith.constant 0 : i32
        %dma_wait3A_461 = tpu.memref_slice %arg3[%arg0, %arg1, %add3A_455, %dma_wait3A_460] : memref<2x16x80x128xi32, #tpu.memory_space<hbm>> -> memref<1x1x1x128xi32, #tpu.memory_space<hbm>>
        %dma_wait3A_462 = tpu.memref_squeeze %dma_wait3A_461 : memref<1x1x1x128xi32, #tpu.memory_space<hbm>> -> memref<128xi32, #tpu.memory_space<hbm>>
        %dma_wait3A_463 = arith.constant 0 : i32
        %dma_wait3A_464 = tpu.memref_slice %arg6[%dma_wait3A_456, %dma_wait3A_463] : memref<2x128xi32, #tpu.memory_space<vmem>> -> memref<1x128xi32, #tpu.memory_space<vmem>>
        %dma_wait3A_465 = tpu.memref_squeeze %dma_wait3A_464 : memref<1x128xi32, #tpu.memory_space<vmem>> -> memref<128xi32, #tpu.memory_space<vmem>>
        %dma_wait3A_466 = arith.constant 0 : i32
        %dma_wait3A_467 = tpu.memref_slice %arg3[%arg0, %arg1, %add3A_455, %dma_wait3A_466] : memref<2x16x80x128xi32, #tpu.memory_space<hbm>> -> memref<1x1x1x128xi32, #tpu.memory_space<hbm>>
        %dma_wait3A_468 = tpu.memref_squeeze %dma_wait3A_467 : memref<1x1x1x128xi32, #tpu.memory_space<hbm>> -> memref<128xi32, #tpu.memory_space<hbm>>
        tpu.wait_dma2 semaphore(%arg12 : memref<!tpu.dma_semaphore, #tpu.memory_space<semaphore_mem>>) src(%dma_wait3A_468 : memref<128xi32, #tpu.memory_space<hbm>>) dst(%dma_wait3A_465 : memref<128xi32, #tpu.memory_space<vmem>>)
        %dma_start3A_469 = arith.constant 1 : i32
        %dma_start3A_470 = arith.constant 1 : i32
        %dma_start3A_471 = arith.constant 0 : i32
        %dma_start3A_472 = arith.constant 0 : i32
        %dma_start3A_473 = tpu.memref_slice %arg8[%dma_start3A_470, %dma_start3A_471, %dma_start3A_472] : memref<2x128x64xi32, #tpu.memory_space<vmem>> -> memref<1x128x64xi32, #tpu.memory_space<vmem>>
        %dma_start3A_474 = tpu.memref_squeeze %dma_start3A_473 : memref<1x128x64xi32, #tpu.memory_space<vmem>> -> memref<128x64xi32, #tpu.memory_space<vmem>>
        %dma_start3A_475 = arith.constant 0 : i32
        %dma_start3A_476 = tpu.memref_slice %arg6[%dma_start3A_469, %dma_start3A_475] : memref<2x128xi32, #tpu.memory_space<vmem>> -> memref<1x128xi32, #tpu.memory_space<vmem>>
        %dma_start3A_477 = tpu.memref_squeeze %dma_start3A_476 : memref<1x128xi32, #tpu.memory_space<vmem>> -> memref<128xi32, #tpu.memory_space<vmem>>
        %dma_start3A_478 = arith.constant 0 : i32
        %dma_start3A_479 = arith.constant 0 : i32
        %dma_start3A_480 = tpu.memref_slice %arg2[%dma_start3A_478, %dma_start3A_479] : memref<20000x64xi32, #tpu.memory_space<hbm>> -> memref<20000x64xi32, #tpu.memory_space<hbm>>
        tpu.enqueue_indirect_dma source(%dma_start3A_480 : memref<20000x64xi32, #tpu.memory_space<hbm>>) target(%dma_start3A_474 : memref<128x64xi32, #tpu.memory_space<vmem>>) offsets(%dma_start3A_477 : memref<128xi32, #tpu.memory_space<vmem>>) semaphore(%arg18 : memref<!tpu.dma_semaphore, #tpu.memory_space<semaphore_mem>>)
      } else {
      }
      %dma_wait3A_215 = arith.constant 0 : i32
      %dma_wait3A_216 = arith.constant 0 : i32
      %dma_wait3A_217 = arith.constant 0 : i32
      %dma_wait3A_218 = arith.constant 0 : i32
      %dma_wait3A_219 = tpu.memref_slice %arg8[%dma_wait3A_216, %dma_wait3A_217, %dma_wait3A_218] : memref<2x128x64xi32, #tpu.memory_space<vmem>> -> memref<1x128x64xi32, #tpu.memory_space<vmem>>
      %dma_wait3A_220 = tpu.memref_squeeze %dma_wait3A_219 : memref<1x128x64xi32, #tpu.memory_space<vmem>> -> memref<128x64xi32, #tpu.memory_space<vmem>>
      %dma_wait3A_221 = arith.constant 0 : i32
      %dma_wait3A_222 = tpu.memref_slice %arg6[%dma_wait3A_215, %dma_wait3A_221] : memref<2x128xi32, #tpu.memory_space<vmem>> -> memref<1x128xi32, #tpu.memory_space<vmem>>
      %dma_wait3A_223 = tpu.memref_squeeze %dma_wait3A_222 : memref<1x128xi32, #tpu.memory_space<vmem>> -> memref<128xi32, #tpu.memory_space<vmem>>
      %dma_wait3A_224 = arith.constant 0 : i32
      %dma_wait3A_225 = arith.constant 0 : i32
      %dma_wait3A_226 = tpu.memref_slice %arg2[%dma_wait3A_224, %dma_wait3A_225] : memref<20000x64xi32, #tpu.memory_space<hbm>> -> memref<20000x64xi32, #tpu.memory_space<hbm>>
      tpu.wait_indirect_dma semaphore(%arg17 : memref<!tpu.dma_semaphore, #tpu.memory_space<semaphore_mem>>) src(%dma_wait3A_226 : memref<20000x64xi32, #tpu.memory_space<hbm>>) dst(%dma_wait3A_220 : memref<128x64xi32, #tpu.memory_space<vmem>>)
      %add3A_227 = arith.constant 2 : i32
      %add3A_228 = arith.addi %add3A_210, %add3A_227 : i32
      %lt3A_229 = arith.constant 80 : i32
      %lt3A_230 = arith.cmpi slt, %add3A_228, %lt3A_229 : i32
      %convert_element_type3A_231 = arith.extui %lt3A_230 : i1 to i32
      %cond3A_232 = arith.constant 0 : i32
      %cond3A_233 = arith.cmpi ne, %convert_element_type3A_231, %cond3A_232 : i32
      scf.if %cond3A_233 {
        %add3A_454 = arith.constant 2 : i32
        %add3A_455 = arith.addi %add3A_210, %add3A_454 : i32
        %dma_start3A_456 = arith.constant 0 : i32
        %dma_start3A_457 = arith.constant 0 : i32
        %dma_start3A_458 = tpu.memref_slice %arg6[%dma_start3A_456, %dma_start3A_457] : memref<2x128xi32, #tpu.memory_space<vmem>> -> memref<1x128xi32, #tpu.memory_space<vmem>>
        %dma_start3A_459 = tpu.memref_squeeze %dma_start3A_458 : memref<1x128xi32, #tpu.memory_space<vmem>> -> memref<128xi32, #tpu.memory_space<vmem>>
        %dma_start3A_460 = arith.constant 0 : i32
        %dma_start3A_461 = tpu.memref_slice %arg3[%arg0, %arg1, %add3A_455, %dma_start3A_460] : memref<2x16x80x128xi32, #tpu.memory_space<hbm>> -> memref<1x1x1x128xi32, #tpu.memory_space<hbm>>
        %dma_start3A_462 = tpu.memref_squeeze %dma_start3A_461 : memref<1x1x1x128xi32, #tpu.memory_space<hbm>> -> memref<128xi32, #tpu.memory_space<hbm>>
        %dma_start3A_463 = arith.constant 0 : i32
        %dma_start3A_464 = tpu.memref_slice %arg6[%dma_start3A_456, %dma_start3A_463] : memref<2x128xi32, #tpu.memory_space<vmem>> -> memref<1x128xi32, #tpu.memory_space<vmem>>
        %dma_start3A_465 = tpu.memref_squeeze %dma_start3A_464 : memref<1x128xi32, #tpu.memory_space<vmem>> -> memref<128xi32, #tpu.memory_space<vmem>>
        %dma_start3A_466 = arith.constant 0 : i32
        %dma_start3A_467 = tpu.memref_slice %arg3[%arg0, %arg1, %add3A_455, %dma_start3A_466] : memref<2x16x80x128xi32, #tpu.memory_space<hbm>> -> memref<1x1x1x128xi32, #tpu.memory_space<hbm>>
        %dma_start3A_468 = tpu.memref_squeeze %dma_start3A_467 : memref<1x1x1x128xi32, #tpu.memory_space<hbm>> -> memref<128xi32, #tpu.memory_space<hbm>>
        tpu.enqueue_dma source(%dma_start3A_468 : memref<128xi32, #tpu.memory_space<hbm>>) target(%dma_start3A_465 : memref<128xi32, #tpu.memory_space<vmem>>) target_semaphore(%arg11 : memref<!tpu.dma_semaphore, #tpu.memory_space<semaphore_mem>>)
      } else {
      }
      %ge3A = arith.constant 2 : i32
      %ge3A_234 = arith.cmpi sge, %add3A_210, %ge3A : i32
      %convert_element_type3A_235 = arith.extui %ge3A_234 : i1 to i32
      %cond3A_236 = arith.constant 0 : i32
      %cond3A_237 = arith.cmpi ne, %convert_element_type3A_235, %cond3A_236 : i32
      scf.if %cond3A_237 {
        %dma_wait3A_454 = arith.constant 0 : i32
        %dma_wait3A_455 = arith.constant 2 : i32
        %dma_wait3A_456 = arith.constant 0 : i32
        %dma_wait3A_457 = arith.constant 0 : i32
        %dma_wait3A_458 = tpu.memref_slice %arg9[%dma_wait3A_454, %dma_wait3A_456, %dma_wait3A_457] : memref<2x128x128xf32, #tpu.memory_space<vmem>> -> memref<1x128x128xf32, #tpu.memory_space<vmem>>
        %dma_wait3A_459 = tpu.memref_squeeze %dma_wait3A_458 : memref<1x128x128xf32, #tpu.memory_space<vmem>> -> memref<128x128xf32, #tpu.memory_space<vmem>>
        %dma_wait3A_460 = arith.constant 0 : i32
        %dma_wait3A_461 = tpu.memref_slice %arg7[%dma_wait3A_455, %dma_wait3A_460] : memref<4x128xi32, #tpu.memory_space<vmem>> -> memref<1x128xi32, #tpu.memory_space<vmem>>
        %dma_wait3A_462 = tpu.memref_squeeze %dma_wait3A_461 : memref<1x128xi32, #tpu.memory_space<vmem>> -> memref<128xi32, #tpu.memory_space<vmem>>
        %dma_wait3A_463 = arith.constant 0 : i32
        %dma_wait3A_464 = arith.constant 0 : i32
        %dma_wait3A_465 = tpu.memref_slice %arg10[%dma_wait3A_463, %dma_wait3A_464] : memref<10112x128xf32, #tpu.memory_space<vmem_shared>> -> memref<10112x128xf32, #tpu.memory_space<vmem_shared>>
        tpu.wait_indirect_dma semaphore(%arg19 : memref<!tpu.dma_semaphore, #tpu.memory_space<semaphore_mem>>) src(%dma_wait3A_459 : memref<128x128xf32, #tpu.memory_space<vmem>>) dst(%dma_wait3A_465 : memref<10112x128xf32, #tpu.memory_space<vmem_shared>>)
        %add3A_466 = arith.constant 2 : i32
        %add3A_467 = arith.addi %add3A_210, %add3A_466 : i32
        %lt3A_468 = arith.constant 80 : i32
        %lt3A_469 = arith.cmpi slt, %add3A_467, %lt3A_468 : i32
        %convert_element_type3A_470 = arith.extui %lt3A_469 : i1 to i32
        %cond3A_471 = arith.constant 0 : i32
        %cond3A_472 = arith.cmpi ne, %convert_element_type3A_470, %cond3A_471 : i32
        scf.if %cond3A_472 {
          %add3A_473 = arith.constant 2 : i32
          %add3A_474 = arith.addi %add3A_210, %add3A_473 : i32
          %dma_start3A_475 = arith.constant 2 : i32
          %dma_start3A_476 = arith.constant 0 : i32
          %dma_start3A_477 = tpu.memref_slice %arg7[%dma_start3A_475, %dma_start3A_476] : memref<4x128xi32, #tpu.memory_space<vmem>> -> memref<1x128xi32, #tpu.memory_space<vmem>>
          %dma_start3A_478 = tpu.memref_squeeze %dma_start3A_477 : memref<1x128xi32, #tpu.memory_space<vmem>> -> memref<128xi32, #tpu.memory_space<vmem>>
          %dma_start3A_479 = arith.constant 0 : i32
          %dma_start3A_480 = tpu.memref_slice %arg4[%arg1, %add3A_474, %dma_start3A_479] : memref<16x80x128xi32, #tpu.memory_space<hbm>> -> memref<1x1x128xi32, #tpu.memory_space<hbm>>
          %dma_start3A_481 = tpu.memref_squeeze %dma_start3A_480 : memref<1x1x128xi32, #tpu.memory_space<hbm>> -> memref<128xi32, #tpu.memory_space<hbm>>
          %dma_start3A_482 = arith.constant 0 : i32
          %dma_start3A_483 = tpu.memref_slice %arg7[%dma_start3A_475, %dma_start3A_482] : memref<4x128xi32, #tpu.memory_space<vmem>> -> memref<1x128xi32, #tpu.memory_space<vmem>>
          %dma_start3A_484 = tpu.memref_squeeze %dma_start3A_483 : memref<1x128xi32, #tpu.memory_space<vmem>> -> memref<128xi32, #tpu.memory_space<vmem>>
          %dma_start3A_485 = arith.constant 0 : i32
          %dma_start3A_486 = tpu.memref_slice %arg4[%arg1, %add3A_474, %dma_start3A_485] : memref<16x80x128xi32, #tpu.memory_space<hbm>> -> memref<1x1x128xi32, #tpu.memory_space<hbm>>
          %dma_start3A_487 = tpu.memref_squeeze %dma_start3A_486 : memref<1x1x128xi32, #tpu.memory_space<hbm>> -> memref<128xi32, #tpu.memory_space<hbm>>
          tpu.enqueue_dma source(%dma_start3A_487 : memref<128xi32, #tpu.memory_space<hbm>>) target(%dma_start3A_484 : memref<128xi32, #tpu.memory_space<vmem>>) target_semaphore(%arg15 : memref<!tpu.dma_semaphore, #tpu.memory_space<semaphore_mem>>)
        } else {
        }
      } else {
      }
      %parallel_loop3A = arith.constant 0 : i32
      %parallel_loop3A_238 = arith.constant 128 : i32
      %parallel_loop3A_239 = arith.constant 1 : i32
      scf.for %parallel_loop3A_454 = %parallel_loop3A to %parallel_loop3A_238 step %parallel_loop3A_239  : i32 {
        %parallel_loop3A_455 = arith.constant 0 : i32
        %parallel_loop3A_456 = arith.index_cast %parallel_loop3A_455 : i32 to index
        %parallel_loop3A_457 = arith.index_cast %parallel_loop3A_454 : i32 to index
        %parallel_loop3A_458 = arith.constant 0 : index
        %parallel_loop3A_459 = tpu.vector_load %arg8[%parallel_loop3A_456, %parallel_loop3A_457, %parallel_loop3A_458] {strides = array<i32>} : memref<2x128x64xi32, #tpu.memory_space<vmem>>, vector<16xi32>,
        %parallel_loop3A_460 = vector.bitcast %parallel_loop3A_459 : vector<16xi32> to vector<32xbf16>
        %parallel_loop3A_461 = tpu.unpack_subelements %parallel_loop3A_460, 0 {pack_format = #tpu.pack_format<interleaved>} : vector<32xbf16> -> vector<16xf32>
        %parallel_loop3A_462 = tpu.unpack_subelements %parallel_loop3A_460, 1 {pack_format = #tpu.pack_format<interleaved>} : vector<32xbf16> -> vector<16xf32>
        %parallel_loop3A_463 = arith.constant 0 : i32
        %parallel_loop3A_464 = arith.index_cast %parallel_loop3A_463 : i32 to index
        %parallel_loop3A_465 = arith.index_cast %parallel_loop3A_454 : i32 to index
        %parallel_loop3A_466 = arith.constant 0 : index
        %parallel_loop3A_467 = tpu.vector_load %arg9[%parallel_loop3A_464, %parallel_loop3A_465, %parallel_loop3A_466] {strides = array<i32>} : memref<2x128x128xf32, #tpu.memory_space<vmem>>, vector<16xf32>,
        tpu.vector_store %arg9[%parallel_loop3A_464, %parallel_loop3A_465, %parallel_loop3A_466], %parallel_loop3A_461 {strides = array<i32>} : memref<2x128x128xf32, #tpu.memory_space<vmem>>, vector<16xf32>,
        %parallel_loop3A_468 = arith.constant 0 : i32
        %parallel_loop3A_469 = arith.index_cast %parallel_loop3A_468 : i32 to index
        %parallel_loop3A_470 = arith.index_cast %parallel_loop3A_454 : i32 to index
        %parallel_loop3A_471 = arith.constant 16 : index
        %parallel_loop3A_472 = tpu.vector_load %arg9[%parallel_loop3A_469, %parallel_loop3A_470, %parallel_loop3A_471] {strides = array<i32>} : memref<2x128x128xf32, #tpu.memory_space<vmem>>, vector<16xf32>,
        tpu.vector_store %arg9[%parallel_loop3A_469, %parallel_loop3A_470, %parallel_loop3A_471], %parallel_loop3A_462 {strides = array<i32>} : memref<2x128x128xf32, #tpu.memory_space<vmem>>, vector<16xf32>,
        %parallel_loop3A_473 = arith.constant 0 : i32
        %parallel_loop3A_474 = arith.index_cast %parallel_loop3A_473 : i32 to index
        %parallel_loop3A_475 = arith.index_cast %parallel_loop3A_454 : i32 to index
        %parallel_loop3A_476 = arith.constant 16 : index
        %parallel_loop3A_477 = tpu.vector_load %arg8[%parallel_loop3A_474, %parallel_loop3A_475, %parallel_loop3A_476] {strides = array<i32>} : memref<2x128x64xi32, #tpu.memory_space<vmem>>, vector<16xi32>,
        %parallel_loop3A_478 = vector.bitcast %parallel_loop3A_477 : vector<16xi32> to vector<32xbf16>
        %parallel_loop3A_479 = tpu.unpack_subelements %parallel_loop3A_478, 0 {pack_format = #tpu.pack_format<interleaved>} : vector<32xbf16> -> vector<16xf32>
        %parallel_loop3A_480 = tpu.unpack_subelements %parallel_loop3A_478, 1 {pack_format = #tpu.pack_format<interleaved>} : vector<32xbf16> -> vector<16xf32>
        %parallel_loop3A_481 = arith.constant 0 : i32
        %parallel_loop3A_482 = arith.index_cast %parallel_loop3A_481 : i32 to index
        %parallel_loop3A_483 = arith.index_cast %parallel_loop3A_454 : i32 to index
        %parallel_loop3A_484 = arith.constant 32 : index
        %parallel_loop3A_485 = tpu.vector_load %arg9[%parallel_loop3A_482, %parallel_loop3A_483, %parallel_loop3A_484] {strides = array<i32>} : memref<2x128x128xf32, #tpu.memory_space<vmem>>, vector<16xf32>,
        tpu.vector_store %arg9[%parallel_loop3A_482, %parallel_loop3A_483, %parallel_loop3A_484], %parallel_loop3A_479 {strides = array<i32>} : memref<2x128x128xf32, #tpu.memory_space<vmem>>, vector<16xf32>,
        %parallel_loop3A_486 = arith.constant 0 : i32
        %parallel_loop3A_487 = arith.index_cast %parallel_loop3A_486 : i32 to index
        %parallel_loop3A_488 = arith.index_cast %parallel_loop3A_454 : i32 to index
        %parallel_loop3A_489 = arith.constant 48 : index
        %parallel_loop3A_490 = tpu.vector_load %arg9[%parallel_loop3A_487, %parallel_loop3A_488, %parallel_loop3A_489] {strides = array<i32>} : memref<2x128x128xf32, #tpu.memory_space<vmem>>, vector<16xf32>,
        tpu.vector_store %arg9[%parallel_loop3A_487, %parallel_loop3A_488, %parallel_loop3A_489], %parallel_loop3A_480 {strides = array<i32>} : memref<2x128x128xf32, #tpu.memory_space<vmem>>, vector<16xf32>,
        %parallel_loop3A_491 = arith.constant 0 : i32
        %parallel_loop3A_492 = arith.index_cast %parallel_loop3A_491 : i32 to index
        %parallel_loop3A_493 = arith.index_cast %parallel_loop3A_454 : i32 to index
        %parallel_loop3A_494 = arith.constant 32 : index
        %parallel_loop3A_495 = tpu.vector_load %arg8[%parallel_loop3A_492, %parallel_loop3A_493, %parallel_loop3A_494] {strides = array<i32>} : memref<2x128x64xi32, #tpu.memory_space<vmem>>, vector<16xi32>,
        %parallel_loop3A_496 = vector.bitcast %parallel_loop3A_495 : vector<16xi32> to vector<32xbf16>
        %parallel_loop3A_497 = tpu.unpack_subelements %parallel_loop3A_496, 0 {pack_format = #tpu.pack_format<interleaved>} : vector<32xbf16> -> vector<16xf32>
        %parallel_loop3A_498 = tpu.unpack_subelements %parallel_loop3A_496, 1 {pack_format = #tpu.pack_format<interleaved>} : vector<32xbf16> -> vector<16xf32>
        %parallel_loop3A_499 = arith.constant 0 : i32
        %parallel_loop3A_500 = arith.index_cast %parallel_loop3A_499 : i32 to index
        %parallel_loop3A_501 = arith.index_cast %parallel_loop3A_454 : i32 to index
        %parallel_loop3A_502 = arith.constant 64 : index
        %parallel_loop3A_503 = tpu.vector_load %arg9[%parallel_loop3A_500, %parallel_loop3A_501, %parallel_loop3A_502] {strides = array<i32>} : memref<2x128x128xf32, #tpu.memory_space<vmem>>, vector<16xf32>,
        tpu.vector_store %arg9[%parallel_loop3A_500, %parallel_loop3A_501, %parallel_loop3A_502], %parallel_loop3A_497 {strides = array<i32>} : memref<2x128x128xf32, #tpu.memory_space<vmem>>, vector<16xf32>,
        %parallel_loop3A_504 = arith.constant 0 : i32
        %parallel_loop3A_505 = arith.index_cast %parallel_loop3A_504 : i32 to index
        %parallel_loop3A_506 = arith.index_cast %parallel_loop3A_454 : i32 to index
        %parallel_loop3A_507 = arith.constant 80 : index
        %parallel_loop3A_508 = tpu.vector_load %arg9[%parallel_loop3A_505, %parallel_loop3A_506, %parallel_loop3A_507] {strides = array<i32>} : memref<2x128x128xf32, #tpu.memory_space<vmem>>, vector<16xf32>,
        tpu.vector_store %arg9[%parallel_loop3A_505, %parallel_loop3A_506, %parallel_loop3A_507], %parallel_loop3A_498 {strides = array<i32>} : memref<2x128x128xf32, #tpu.memory_space<vmem>>, vector<16xf32>,
        %parallel_loop3A_509 = arith.constant 0 : i32
        %parallel_loop3A_510 = arith.index_cast %parallel_loop3A_509 : i32 to index
        %parallel_loop3A_511 = arith.index_cast %parallel_loop3A_454 : i32 to index
        %parallel_loop3A_512 = arith.constant 48 : index
        %parallel_loop3A_513 = tpu.vector_load %arg8[%parallel_loop3A_510, %parallel_loop3A_511, %parallel_loop3A_512] {strides = array<i32>} : memref<2x128x64xi32, #tpu.memory_space<vmem>>, vector<16xi32>,
        %parallel_loop3A_514 = vector.bitcast %parallel_loop3A_513 : vector<16xi32> to vector<32xbf16>
        %parallel_loop3A_515 = tpu.unpack_subelements %parallel_loop3A_514, 0 {pack_format = #tpu.pack_format<interleaved>} : vector<32xbf16> -> vector<16xf32>
        %parallel_loop3A_516 = tpu.unpack_subelements %parallel_loop3A_514, 1 {pack_format = #tpu.pack_format<interleaved>} : vector<32xbf16> -> vector<16xf32>
        %parallel_loop3A_517 = arith.constant 0 : i32
        %parallel_loop3A_518 = arith.index_cast %parallel_loop3A_517 : i32 to index
        %parallel_loop3A_519 = arith.index_cast %parallel_loop3A_454 : i32 to index
        %parallel_loop3A_520 = arith.constant 96 : index
        %parallel_loop3A_521 = tpu.vector_load %arg9[%parallel_loop3A_518, %parallel_loop3A_519, %parallel_loop3A_520] {strides = array<i32>} : memref<2x128x128xf32, #tpu.memory_space<vmem>>, vector<16xf32>,
        tpu.vector_store %arg9[%parallel_loop3A_518, %parallel_loop3A_519, %parallel_loop3A_520], %parallel_loop3A_515 {strides = array<i32>} : memref<2x128x128xf32, #tpu.memory_space<vmem>>, vector<16xf32>,
        %parallel_loop3A_522 = arith.constant 0 : i32
        %parallel_loop3A_523 = arith.index_cast %parallel_loop3A_522 : i32 to index
        %parallel_loop3A_524 = arith.index_cast %parallel_loop3A_454 : i32 to index
        %parallel_loop3A_525 = arith.constant 112 : index
        %parallel_loop3A_526 = tpu.vector_load %arg9[%parallel_loop3A_523, %parallel_loop3A_524, %parallel_loop3A_525] {strides = array<i32>} : memref<2x128x128xf32, #tpu.memory_space<vmem>>, vector<16xf32>,
        tpu.vector_store %arg9[%parallel_loop3A_523, %parallel_loop3A_524, %parallel_loop3A_525], %parallel_loop3A_516 {strides = array<i32>} : memref<2x128x128xf32, #tpu.memory_space<vmem>>, vector<16xf32>,
      } {sc.loop_unroll_factor = 4 : i64, sc.parallel_access}
      %dma_wait3A_240 = arith.constant 0 : i32
      %dma_wait3A_241 = arith.constant 0 : i32
      %dma_wait3A_242 = tpu.memref_slice %arg7[%dma_wait3A_240, %dma_wait3A_241] : memref<4x128xi32, #tpu.memory_space<vmem>> -> memref<1x128xi32, #tpu.memory_space<vmem>>
      %dma_wait3A_243 = tpu.memref_squeeze %dma_wait3A_242 : memref<1x128xi32, #tpu.memory_space<vmem>> -> memref<128xi32, #tpu.memory_space<vmem>>
      %dma_wait3A_244 = arith.constant 0 : i32
      %dma_wait3A_245 = tpu.memref_slice %arg4[%arg1, %add3A_210, %dma_wait3A_244] : memref<16x80x128xi32, #tpu.memory_space<hbm>> -> memref<1x1x128xi32, #tpu.memory_space<hbm>>
      %dma_wait3A_246 = tpu.memref_squeeze %dma_wait3A_245 : memref<1x1x128xi32, #tpu.memory_space<hbm>> -> memref<128xi32, #tpu.memory_space<hbm>>
      %dma_wait3A_247 = arith.constant 0 : i32
      %dma_wait3A_248 = tpu.memref_slice %arg7[%dma_wait3A_240, %dma_wait3A_247] : memref<4x128xi32, #tpu.memory_space<vmem>> -> memref<1x128xi32, #tpu.memory_space<vmem>>
      %dma_wait3A_249 = tpu.memref_squeeze %dma_wait3A_248 : memref<1x128xi32, #tpu.memory_space<vmem>> -> memref<128xi32, #tpu.memory_space<vmem>>
      %dma_wait3A_250 = arith.constant 0 : i32
      %dma_wait3A_251 = tpu.memref_slice %arg4[%arg1, %add3A_210, %dma_wait3A_250] : memref<16x80x128xi32, #tpu.memory_space<hbm>> -> memref<1x1x128xi32, #tpu.memory_space<hbm>>
      %dma_wait3A_252 = tpu.memref_squeeze %dma_wait3A_251 : memref<1x1x128xi32, #tpu.memory_space<hbm>> -> memref<128xi32, #tpu.memory_space<hbm>>
      tpu.wait_dma2 semaphore(%arg13 : memref<!tpu.dma_semaphore, #tpu.memory_space<semaphore_mem>>) src(%dma_wait3A_252 : memref<128xi32, #tpu.memory_space<hbm>>) dst(%dma_wait3A_249 : memref<128xi32, #tpu.memory_space<vmem>>)
      %dma_start3A_253 = arith.constant 0 : i32
      %dma_start3A_254 = arith.constant 0 : i32
      %dma_start3A_255 = arith.constant 0 : i32
      %dma_start3A_256 = arith.constant 0 : i32
      %dma_start3A_257 = tpu.memref_slice %arg9[%dma_start3A_253, %dma_start3A_255, %dma_start3A_256] : memref<2x128x128xf32, #tpu.memory_space<vmem>> -> memref<1x128x128xf32, #tpu.memory_space<vmem>>
      %dma_start3A_258 = tpu.memref_squeeze %dma_start3A_257 : memref<1x128x128xf32, #tpu.memory_space<vmem>> -> memref<128x128xf32, #tpu.memory_space<vmem>>
      %dma_start3A_259 = arith.constant 0 : i32
      %dma_start3A_260 = tpu.memref_slice %arg7[%dma_start3A_254, %dma_start3A_259] : memref<4x128xi32, #tpu.memory_space<vmem>> -> memref<1x128xi32, #tpu.memory_space<vmem>>
      %dma_start3A_261 = tpu.memref_squeeze %dma_start3A_260 : memref<1x128xi32, #tpu.memory_space<vmem>> -> memref<128xi32, #tpu.memory_space<vmem>>
      %dma_start3A_262 = arith.constant 0 : i32
      %dma_start3A_263 = arith.constant 0 : i32
      %dma_start3A_264 = tpu.memref_slice %arg10[%dma_start3A_262, %dma_start3A_263] : memref<10112x128xf32, #tpu.memory_space<vmem_shared>> -> memref<10112x128xf32, #tpu.memory_space<vmem_shared>>
      tpu.enqueue_indirect_dma source(%dma_start3A_258 : memref<128x128xf32, #tpu.memory_space<vmem>>) target(%dma_start3A_264 : memref<10112x128xf32, #tpu.memory_space<vmem_shared>>) offsets(%dma_start3A_261 : memref<128xi32, #tpu.memory_space<vmem>>) semaphore(%arg19 : memref<!tpu.dma_semaphore, #tpu.memory_space<semaphore_mem>>) {add = true}
      %mul3A_265 = arith.constant 4 : i32
      %mul3A_266 = arith.muli %mul3A_265, %scan3A_206 : i32
      %add3A_267 = arith.constant 1 : i32
      %add3A_268 = arith.addi %mul3A_266, %add3A_267 : i32
      %add3A_269 = arith.constant 1 : i32
      %add3A_270 = arith.addi %add3A_268, %add3A_269 : i32
      %lt3A_271 = arith.constant 80 : i32
      %lt3A_272 = arith.cmpi slt, %add3A_270, %lt3A_271 : i32
      %convert_element_type3A_273 = arith.extui %lt3A_272 : i1 to i32
      %cond3A_274 = arith.constant 0 : i32
      %cond3A_275 = arith.cmpi ne, %convert_element_type3A_273, %cond3A_274 : i32
      scf.if %cond3A_275 {
        %add3A_454 = arith.constant 1 : i32
        %add3A_455 = arith.addi %add3A_268, %add3A_454 : i32
        %dma_wait3A_456 = arith.constant 0 : i32
        %dma_wait3A_457 = arith.constant 0 : i32
        %dma_wait3A_458 = tpu.memref_slice %arg6[%dma_wait3A_456, %dma_wait3A_457] : memref<2x128xi32, #tpu.memory_space<vmem>> -> memref<1x128xi32, #tpu.memory_space<vmem>>
        %dma_wait3A_459 = tpu.memref_squeeze %dma_wait3A_458 : memref<1x128xi32, #tpu.memory_space<vmem>> -> memref<128xi32, #tpu.memory_space<vmem>>
        %dma_wait3A_460 = arith.constant 0 : i32
        %dma_wait3A_461 = tpu.memref_slice %arg3[%arg0, %arg1, %add3A_455, %dma_wait3A_460] : memref<2x16x80x128xi32, #tpu.memory_space<hbm>> -> memref<1x1x1x128xi32, #tpu.memory_space<hbm>>
        %dma_wait3A_462 = tpu.memref_squeeze %dma_wait3A_461 : memref<1x1x1x128xi32, #tpu.memory_space<hbm>> -> memref<128xi32, #tpu.memory_space<hbm>>
        %dma_wait3A_463 = arith.constant 0 : i32
        %dma_wait3A_464 = tpu.memref_slice %arg6[%dma_wait3A_456, %dma_wait3A_463] : memref<2x128xi32, #tpu.memory_space<vmem>> -> memref<1x128xi32, #tpu.memory_space<vmem>>
        %dma_wait3A_465 = tpu.memref_squeeze %dma_wait3A_464 : memref<1x128xi32, #tpu.memory_space<vmem>> -> memref<128xi32, #tpu.memory_space<vmem>>
        %dma_wait3A_466 = arith.constant 0 : i32
        %dma_wait3A_467 = tpu.memref_slice %arg3[%arg0, %arg1, %add3A_455, %dma_wait3A_466] : memref<2x16x80x128xi32, #tpu.memory_space<hbm>> -> memref<1x1x1x128xi32, #tpu.memory_space<hbm>>
        %dma_wait3A_468 = tpu.memref_squeeze %dma_wait3A_467 : memref<1x1x1x128xi32, #tpu.memory_space<hbm>> -> memref<128xi32, #tpu.memory_space<hbm>>
        tpu.wait_dma2 semaphore(%arg11 : memref<!tpu.dma_semaphore, #tpu.memory_space<semaphore_mem>>) src(%dma_wait3A_468 : memref<128xi32, #tpu.memory_space<hbm>>) dst(%dma_wait3A_465 : memref<128xi32, #tpu.memory_space<vmem>>)
        %dma_start3A_469 = arith.constant 0 : i32
        %dma_start3A_470 = arith.constant 0 : i32
        %dma_start3A_471 = arith.constant 0 : i32
        %dma_start3A_472 = arith.constant 0 : i32
        %dma_start3A_473 = tpu.memref_slice %arg8[%dma_start3A_470, %dma_start3A_471, %dma_start3A_472] : memref<2x128x64xi32, #tpu.memory_space<vmem>> -> memref<1x128x64xi32, #tpu.memory_space<vmem>>
        %dma_start3A_474 = tpu.memref_squeeze %dma_start3A_473 : memref<1x128x64xi32, #tpu.memory_space<vmem>> -> memref<128x64xi32, #tpu.memory_space<vmem>>
        %dma_start3A_475 = arith.constant 0 : i32
        %dma_start3A_476 = tpu.memref_slice %arg6[%dma_start3A_469, %dma_start3A_475] : memref<2x128xi32, #tpu.memory_space<vmem>> -> memref<1x128xi32, #tpu.memory_space<vmem>>
        %dma_start3A_477 = tpu.memref_squeeze %dma_start3A_476 : memref<1x128xi32, #tpu.memory_space<vmem>> -> memref<128xi32, #tpu.memory_space<vmem>>
        %dma_start3A_478 = arith.constant 0 : i32
        %dma_start3A_479 = arith.constant 0 : i32
        %dma_start3A_480 = tpu.memref_slice %arg2[%dma_start3A_478, %dma_start3A_479] : memref<20000x64xi32, #tpu.memory_space<hbm>> -> memref<20000x64xi32, #tpu.memory_space<hbm>>
        tpu.enqueue_indirect_dma source(%dma_start3A_480 : memref<20000x64xi32, #tpu.memory_space<hbm>>) target(%dma_start3A_474 : memref<128x64xi32, #tpu.memory_space<vmem>>) offsets(%dma_start3A_477 : memref<128xi32, #tpu.memory_space<vmem>>) semaphore(%arg17 : memref<!tpu.dma_semaphore, #tpu.memory_space<semaphore_mem>>)
      } else {
      }
      %dma_wait3A_276 = arith.constant 1 : i32
      %dma_wait3A_277 = arith.constant 1 : i32
      %dma_wait3A_278 = arith.constant 0 : i32
      %dma_wait3A_279 = arith.constant 0 : i32
      %dma_wait3A_280 = tpu.memref_slice %arg8[%dma_wait3A_277, %dma_wait3A_278, %dma_wait3A_279] : memref<2x128x64xi32, #tpu.memory_space<vmem>> -> memref<1x128x64xi32, #tpu.memory_space<vmem>>
      %dma_wait3A_281 = tpu.memref_squeeze %dma_wait3A_280 : memref<1x128x64xi32, #tpu.memory_space<vmem>> -> memref<128x64xi32, #tpu.memory_space<vmem>>
      %dma_wait3A_282 = arith.constant 0 : i32
      %dma_wait3A_283 = tpu.memref_slice %arg6[%dma_wait3A_276, %dma_wait3A_282] : memref<2x128xi32, #tpu.memory_space<vmem>> -> memref<1x128xi32, #tpu.memory_space<vmem>>
      %dma_wait3A_284 = tpu.memref_squeeze %dma_wait3A_283 : memref<1x128xi32, #tpu.memory_space<vmem>> -> memref<128xi32, #tpu.memory_space<vmem>>
      %dma_wait3A_285 = arith.constant 0 : i32
      %dma_wait3A_286 = arith.constant 0 : i32
      %dma_wait3A_287 = tpu.memref_slice %arg2[%dma_wait3A_285, %dma_wait3A_286] : memref<20000x64xi32, #tpu.memory_space<hbm>> -> memref<20000x64xi32, #tpu.memory_space<hbm>>
      tpu.wait_indirect_dma semaphore(%arg18 : memref<!tpu.dma_semaphore, #tpu.memory_space<semaphore_mem>>) src(%dma_wait3A_287 : memref<20000x64xi32, #tpu.memory_space<hbm>>) dst(%dma_wait3A_281 : memref<128x64xi32, #tpu.memory_space<vmem>>)
      %add3A_288 = arith.constant 2 : i32
      %add3A_289 = arith.addi %add3A_268, %add3A_288 : i32
      %lt3A_290 = arith.constant 80 : i32
      %lt3A_291 = arith.cmpi slt, %add3A_289, %lt3A_290 : i32
      %convert_element_type3A_292 = arith.extui %lt3A_291 : i1 to i32
      %cond3A_293 = arith.constant 0 : i32
      %cond3A_294 = arith.cmpi ne, %convert_element_type3A_292, %cond3A_293 : i32
      scf.if %cond3A_294 {
        %add3A_454 = arith.constant 2 : i32
        %add3A_455 = arith.addi %add3A_268, %add3A_454 : i32
        %dma_start3A_456 = arith.constant 1 : i32
        %dma_start3A_457 = arith.constant 0 : i32
        %dma_start3A_458 = tpu.memref_slice %arg6[%dma_start3A_456, %dma_start3A_457] : memref<2x128xi32, #tpu.memory_space<vmem>> -> memref<1x128xi32, #tpu.memory_space<vmem>>
        %dma_start3A_459 = tpu.memref_squeeze %dma_start3A_458 : memref<1x128xi32, #tpu.memory_space<vmem>> -> memref<128xi32, #tpu.memory_space<vmem>>
        %dma_start3A_460 = arith.constant 0 : i32
        %dma_start3A_461 = tpu.memref_slice %arg3[%arg0, %arg1, %add3A_455, %dma_start3A_460] : memref<2x16x80x128xi32, #tpu.memory_space<hbm>> -> memref<1x1x1x128xi32, #tpu.memory_space<hbm>>
        %dma_start3A_462 = tpu.memref_squeeze %dma_start3A_461 : memref<1x1x1x128xi32, #tpu.memory_space<hbm>> -> memref<128xi32, #tpu.memory_space<hbm>>
        %dma_start3A_463 = arith.constant 0 : i32
        %dma_start3A_464 = tpu.memref_slice %arg6[%dma_start3A_456, %dma_start3A_463] : memref<2x128xi32, #tpu.memory_space<vmem>> -> memref<1x128xi32, #tpu.memory_space<vmem>>
        %dma_start3A_465 = tpu.memref_squeeze %dma_start3A_464 : memref<1x128xi32, #tpu.memory_space<vmem>> -> memref<128xi32, #tpu.memory_space<vmem>>
        %dma_start3A_466 = arith.constant 0 : i32
        %dma_start3A_467 = tpu.memref_slice %arg3[%arg0, %arg1, %add3A_455, %dma_start3A_466] : memref<2x16x80x128xi32, #tpu.memory_space<hbm>> -> memref<1x1x1x128xi32, #tpu.memory_space<hbm>>
        %dma_start3A_468 = tpu.memref_squeeze %dma_start3A_467 : memref<1x1x1x128xi32, #tpu.memory_space<hbm>> -> memref<128xi32, #tpu.memory_space<hbm>>
        tpu.enqueue_dma source(%dma_start3A_468 : memref<128xi32, #tpu.memory_space<hbm>>) target(%dma_start3A_465 : memref<128xi32, #tpu.memory_space<vmem>>) target_semaphore(%arg12 : memref<!tpu.dma_semaphore, #tpu.memory_space<semaphore_mem>>)
      } else {
      }
      %ge3A_295 = arith.constant 2 : i32
      %ge3A_296 = arith.cmpi sge, %add3A_268, %ge3A_295 : i32
      %convert_element_type3A_297 = arith.extui %ge3A_296 : i1 to i32
      %cond3A_298 = arith.constant 0 : i32
      %cond3A_299 = arith.cmpi ne, %convert_element_type3A_297, %cond3A_298 : i32
      scf.if %cond3A_299 {
        %dma_wait3A_454 = arith.constant 1 : i32
        %dma_wait3A_455 = arith.constant 3 : i32
        %dma_wait3A_456 = arith.constant 0 : i32
        %dma_wait3A_457 = arith.constant 0 : i32
        %dma_wait3A_458 = tpu.memref_slice %arg9[%dma_wait3A_454, %dma_wait3A_456, %dma_wait3A_457] : memref<2x128x128xf32, #tpu.memory_space<vmem>> -> memref<1x128x128xf32, #tpu.memory_space<vmem>>
        %dma_wait3A_459 = tpu.memref_squeeze %dma_wait3A_458 : memref<1x128x128xf32, #tpu.memory_space<vmem>> -> memref<128x128xf32, #tpu.memory_space<vmem>>
        %dma_wait3A_460 = arith.constant 0 : i32
        %dma_wait3A_461 = tpu.memref_slice %arg7[%dma_wait3A_455, %dma_wait3A_460] : memref<4x128xi32, #tpu.memory_space<vmem>> -> memref<1x128xi32, #tpu.memory_space<vmem>>
        %dma_wait3A_462 = tpu.memref_squeeze %dma_wait3A_461 : memref<1x128xi32, #tpu.memory_space<vmem>> -> memref<128xi32, #tpu.memory_space<vmem>>
        %dma_wait3A_463 = arith.constant 0 : i32
        %dma_wait3A_464 = arith.constant 0 : i32
        %dma_wait3A_465 = tpu.memref_slice %arg10[%dma_wait3A_463, %dma_wait3A_464] : memref<10112x128xf32, #tpu.memory_space<vmem_shared>> -> memref<10112x128xf32, #tpu.memory_space<vmem_shared>>
        tpu.wait_indirect_dma semaphore(%arg20 : memref<!tpu.dma_semaphore, #tpu.memory_space<semaphore_mem>>) src(%dma_wait3A_459 : memref<128x128xf32, #tpu.memory_space<vmem>>) dst(%dma_wait3A_465 : memref<10112x128xf32, #tpu.memory_space<vmem_shared>>)
        %add3A_466 = arith.constant 2 : i32
        %add3A_467 = arith.addi %add3A_268, %add3A_466 : i32
        %lt3A_468 = arith.constant 80 : i32
        %lt3A_469 = arith.cmpi slt, %add3A_467, %lt3A_468 : i32
        %convert_element_type3A_470 = arith.extui %lt3A_469 : i1 to i32
        %cond3A_471 = arith.constant 0 : i32
        %cond3A_472 = arith.cmpi ne, %convert_element_type3A_470, %cond3A_471 : i32
        scf.if %cond3A_472 {
          %add3A_473 = arith.constant 2 : i32
          %add3A_474 = arith.addi %add3A_268, %add3A_473 : i32
          %dma_start3A_475 = arith.constant 3 : i32
          %dma_start3A_476 = arith.constant 0 : i32
          %dma_start3A_477 = tpu.memref_slice %arg7[%dma_start3A_475, %dma_start3A_476] : memref<4x128xi32, #tpu.memory_space<vmem>> -> memref<1x128xi32, #tpu.memory_space<vmem>>
          %dma_start3A_478 = tpu.memref_squeeze %dma_start3A_477 : memref<1x128xi32, #tpu.memory_space<vmem>> -> memref<128xi32, #tpu.memory_space<vmem>>
          %dma_start3A_479 = arith.constant 0 : i32
          %dma_start3A_480 = tpu.memref_slice %arg4[%arg1, %add3A_474, %dma_start3A_479] : memref<16x80x128xi32, #tpu.memory_space<hbm>> -> memref<1x1x128xi32, #tpu.memory_space<hbm>>
          %dma_start3A_481 = tpu.memref_squeeze %dma_start3A_480 : memref<1x1x128xi32, #tpu.memory_space<hbm>> -> memref<128xi32, #tpu.memory_space<hbm>>
          %dma_start3A_482 = arith.constant 0 : i32
          %dma_start3A_483 = tpu.memref_slice %arg7[%dma_start3A_475, %dma_start3A_482] : memref<4x128xi32, #tpu.memory_space<vmem>> -> memref<1x128xi32, #tpu.memory_space<vmem>>
          %dma_start3A_484 = tpu.memref_squeeze %dma_start3A_483 : memref<1x128xi32, #tpu.memory_space<vmem>> -> memref<128xi32, #tpu.memory_space<vmem>>
          %dma_start3A_485 = arith.constant 0 : i32
          %dma_start3A_486 = tpu.memref_slice %arg4[%arg1, %add3A_474, %dma_start3A_485] : memref<16x80x128xi32, #tpu.memory_space<hbm>> -> memref<1x1x128xi32, #tpu.memory_space<hbm>>
          %dma_start3A_487 = tpu.memref_squeeze %dma_start3A_486 : memref<1x1x128xi32, #tpu.memory_space<hbm>> -> memref<128xi32, #tpu.memory_space<hbm>>
          tpu.enqueue_dma source(%dma_start3A_487 : memref<128xi32, #tpu.memory_space<hbm>>) target(%dma_start3A_484 : memref<128xi32, #tpu.memory_space<vmem>>) target_semaphore(%arg16 : memref<!tpu.dma_semaphore, #tpu.memory_space<semaphore_mem>>)
        } else {
        }
      } else {
      }
      %parallel_loop3A_300 = arith.constant 0 : i32
      %parallel_loop3A_301 = arith.constant 128 : i32
      %parallel_loop3A_302 = arith.constant 1 : i32
      scf.for %parallel_loop3A_454 = %parallel_loop3A_300 to %parallel_loop3A_301 step %parallel_loop3A_302  : i32 {
        %parallel_loop3A_455 = arith.constant 1 : i32
        %parallel_loop3A_456 = arith.index_cast %parallel_loop3A_455 : i32 to index
        %parallel_loop3A_457 = arith.index_cast %parallel_loop3A_454 : i32 to index
        %parallel_loop3A_458 = arith.constant 0 : index
        %parallel_loop3A_459 = tpu.vector_load %arg8[%parallel_loop3A_456, %parallel_loop3A_457, %parallel_loop3A_458] {strides = array<i32>} : memref<2x128x64xi32, #tpu.memory_space<vmem>>, vector<16xi32>,
        %parallel_loop3A_460 = vector.bitcast %parallel_loop3A_459 : vector<16xi32> to vector<32xbf16>
        %parallel_loop3A_461 = tpu.unpack_subelements %parallel_loop3A_460, 0 {pack_format = #tpu.pack_format<interleaved>} : vector<32xbf16> -> vector<16xf32>
        %parallel_loop3A_462 = tpu.unpack_subelements %parallel_loop3A_460, 1 {pack_format = #tpu.pack_format<interleaved>} : vector<32xbf16> -> vector<16xf32>
        %parallel_loop3A_463 = arith.constant 1 : i32
        %parallel_loop3A_464 = arith.index_cast %parallel_loop3A_463 : i32 to index
        %parallel_loop3A_465 = arith.index_cast %parallel_loop3A_454 : i32 to index
        %parallel_loop3A_466 = arith.constant 0 : index
        %parallel_loop3A_467 = tpu.vector_load %arg9[%parallel_loop3A_464, %parallel_loop3A_465, %parallel_loop3A_466] {strides = array<i32>} : memref<2x128x128xf32, #tpu.memory_space<vmem>>, vector<16xf32>,
        tpu.vector_store %arg9[%parallel_loop3A_464, %parallel_loop3A_465, %parallel_loop3A_466], %parallel_loop3A_461 {strides = array<i32>} : memref<2x128x128xf32, #tpu.memory_space<vmem>>, vector<16xf32>,
        %parallel_loop3A_468 = arith.constant 1 : i32
        %parallel_loop3A_469 = arith.index_cast %parallel_loop3A_468 : i32 to index
        %parallel_loop3A_470 = arith.index_cast %parallel_loop3A_454 : i32 to index
        %parallel_loop3A_471 = arith.constant 16 : index
        %parallel_loop3A_472 = tpu.vector_load %arg9[%parallel_loop3A_469, %parallel_loop3A_470, %parallel_loop3A_471] {strides = array<i32>} : memref<2x128x128xf32, #tpu.memory_space<vmem>>, vector<16xf32>,
        tpu.vector_store %arg9[%parallel_loop3A_469, %parallel_loop3A_470, %parallel_loop3A_471], %parallel_loop3A_462 {strides = array<i32>} : memref<2x128x128xf32, #tpu.memory_space<vmem>>, vector<16xf32>,
        %parallel_loop3A_473 = arith.constant 1 : i32
        %parallel_loop3A_474 = arith.index_cast %parallel_loop3A_473 : i32 to index
        %parallel_loop3A_475 = arith.index_cast %parallel_loop3A_454 : i32 to index
        %parallel_loop3A_476 = arith.constant 16 : index
        %parallel_loop3A_477 = tpu.vector_load %arg8[%parallel_loop3A_474, %parallel_loop3A_475, %parallel_loop3A_476] {strides = array<i32>} : memref<2x128x64xi32, #tpu.memory_space<vmem>>, vector<16xi32>,
        %parallel_loop3A_478 = vector.bitcast %parallel_loop3A_477 : vector<16xi32> to vector<32xbf16>
        %parallel_loop3A_479 = tpu.unpack_subelements %parallel_loop3A_478, 0 {pack_format = #tpu.pack_format<interleaved>} : vector<32xbf16> -> vector<16xf32>
        %parallel_loop3A_480 = tpu.unpack_subelements %parallel_loop3A_478, 1 {pack_format = #tpu.pack_format<interleaved>} : vector<32xbf16> -> vector<16xf32>
        %parallel_loop3A_481 = arith.constant 1 : i32
        %parallel_loop3A_482 = arith.index_cast %parallel_loop3A_481 : i32 to index
        %parallel_loop3A_483 = arith.index_cast %parallel_loop3A_454 : i32 to index
        %parallel_loop3A_484 = arith.constant 32 : index
        %parallel_loop3A_485 = tpu.vector_load %arg9[%parallel_loop3A_482, %parallel_loop3A_483, %parallel_loop3A_484] {strides = array<i32>} : memref<2x128x128xf32, #tpu.memory_space<vmem>>, vector<16xf32>,
        tpu.vector_store %arg9[%parallel_loop3A_482, %parallel_loop3A_483, %parallel_loop3A_484], %parallel_loop3A_479 {strides = array<i32>} : memref<2x128x128xf32, #tpu.memory_space<vmem>>, vector<16xf32>,
        %parallel_loop3A_486 = arith.constant 1 : i32
        %parallel_loop3A_487 = arith.index_cast %parallel_loop3A_486 : i32 to index
        %parallel_loop3A_488 = arith.index_cast %parallel_loop3A_454 : i32 to index
        %parallel_loop3A_489 = arith.constant 48 : index
        %parallel_loop3A_490 = tpu.vector_load %arg9[%parallel_loop3A_487, %parallel_loop3A_488, %parallel_loop3A_489] {strides = array<i32>} : memref<2x128x128xf32, #tpu.memory_space<vmem>>, vector<16xf32>,
        tpu.vector_store %arg9[%parallel_loop3A_487, %parallel_loop3A_488, %parallel_loop3A_489], %parallel_loop3A_480 {strides = array<i32>} : memref<2x128x128xf32, #tpu.memory_space<vmem>>, vector<16xf32>,
        %parallel_loop3A_491 = arith.constant 1 : i32
        %parallel_loop3A_492 = arith.index_cast %parallel_loop3A_491 : i32 to index
        %parallel_loop3A_493 = arith.index_cast %parallel_loop3A_454 : i32 to index
        %parallel_loop3A_494 = arith.constant 32 : index
        %parallel_loop3A_495 = tpu.vector_load %arg8[%parallel_loop3A_492, %parallel_loop3A_493, %parallel_loop3A_494] {strides = array<i32>} : memref<2x128x64xi32, #tpu.memory_space<vmem>>, vector<16xi32>,
        %parallel_loop3A_496 = vector.bitcast %parallel_loop3A_495 : vector<16xi32> to vector<32xbf16>
        %parallel_loop3A_497 = tpu.unpack_subelements %parallel_loop3A_496, 0 {pack_format = #tpu.pack_format<interleaved>} : vector<32xbf16> -> vector<16xf32>
        %parallel_loop3A_498 = tpu.unpack_subelements %parallel_loop3A_496, 1 {pack_format = #tpu.pack_format<interleaved>} : vector<32xbf16> -> vector<16xf32>
        %parallel_loop3A_499 = arith.constant 1 : i32
        %parallel_loop3A_500 = arith.index_cast %parallel_loop3A_499 : i32 to index
        %parallel_loop3A_501 = arith.index_cast %parallel_loop3A_454 : i32 to index
        %parallel_loop3A_502 = arith.constant 64 : index
        %parallel_loop3A_503 = tpu.vector_load %arg9[%parallel_loop3A_500, %parallel_loop3A_501, %parallel_loop3A_502] {strides = array<i32>} : memref<2x128x128xf32, #tpu.memory_space<vmem>>, vector<16xf32>,
        tpu.vector_store %arg9[%parallel_loop3A_500, %parallel_loop3A_501, %parallel_loop3A_502], %parallel_loop3A_497 {strides = array<i32>} : memref<2x128x128xf32, #tpu.memory_space<vmem>>, vector<16xf32>,
        %parallel_loop3A_504 = arith.constant 1 : i32
        %parallel_loop3A_505 = arith.index_cast %parallel_loop3A_504 : i32 to index
        %parallel_loop3A_506 = arith.index_cast %parallel_loop3A_454 : i32 to index
        %parallel_loop3A_507 = arith.constant 80 : index
        %parallel_loop3A_508 = tpu.vector_load %arg9[%parallel_loop3A_505, %parallel_loop3A_506, %parallel_loop3A_507] {strides = array<i32>} : memref<2x128x128xf32, #tpu.memory_space<vmem>>, vector<16xf32>,
        tpu.vector_store %arg9[%parallel_loop3A_505, %parallel_loop3A_506, %parallel_loop3A_507], %parallel_loop3A_498 {strides = array<i32>} : memref<2x128x128xf32, #tpu.memory_space<vmem>>, vector<16xf32>,
        %parallel_loop3A_509 = arith.constant 1 : i32
        %parallel_loop3A_510 = arith.index_cast %parallel_loop3A_509 : i32 to index
        %parallel_loop3A_511 = arith.index_cast %parallel_loop3A_454 : i32 to index
        %parallel_loop3A_512 = arith.constant 48 : index
        %parallel_loop3A_513 = tpu.vector_load %arg8[%parallel_loop3A_510, %parallel_loop3A_511, %parallel_loop3A_512] {strides = array<i32>} : memref<2x128x64xi32, #tpu.memory_space<vmem>>, vector<16xi32>,
        %parallel_loop3A_514 = vector.bitcast %parallel_loop3A_513 : vector<16xi32> to vector<32xbf16>
        %parallel_loop3A_515 = tpu.unpack_subelements %parallel_loop3A_514, 0 {pack_format = #tpu.pack_format<interleaved>} : vector<32xbf16> -> vector<16xf32>
        %parallel_loop3A_516 = tpu.unpack_subelements %parallel_loop3A_514, 1 {pack_format = #tpu.pack_format<interleaved>} : vector<32xbf16> -> vector<16xf32>
        %parallel_loop3A_517 = arith.constant 1 : i32
        %parallel_loop3A_518 = arith.index_cast %parallel_loop3A_517 : i32 to index
        %parallel_loop3A_519 = arith.index_cast %parallel_loop3A_454 : i32 to index
        %parallel_loop3A_520 = arith.constant 96 : index
        %parallel_loop3A_521 = tpu.vector_load %arg9[%parallel_loop3A_518, %parallel_loop3A_519, %parallel_loop3A_520] {strides = array<i32>} : memref<2x128x128xf32, #tpu.memory_space<vmem>>, vector<16xf32>,
        tpu.vector_store %arg9[%parallel_loop3A_518, %parallel_loop3A_519, %parallel_loop3A_520], %parallel_loop3A_515 {strides = array<i32>} : memref<2x128x128xf32, #tpu.memory_space<vmem>>, vector<16xf32>,
        %parallel_loop3A_522 = arith.constant 1 : i32
        %parallel_loop3A_523 = arith.index_cast %parallel_loop3A_522 : i32 to index
        %parallel_loop3A_524 = arith.index_cast %parallel_loop3A_454 : i32 to index
        %parallel_loop3A_525 = arith.constant 112 : index
        %parallel_loop3A_526 = tpu.vector_load %arg9[%parallel_loop3A_523, %parallel_loop3A_524, %parallel_loop3A_525] {strides = array<i32>} : memref<2x128x128xf32, #tpu.memory_space<vmem>>, vector<16xf32>,
        tpu.vector_store %arg9[%parallel_loop3A_523, %parallel_loop3A_524, %parallel_loop3A_525], %parallel_loop3A_516 {strides = array<i32>} : memref<2x128x128xf32, #tpu.memory_space<vmem>>, vector<16xf32>,
      } {sc.loop_unroll_factor = 4 : i64, sc.parallel_access}
      %dma_wait3A_303 = arith.constant 1 : i32
      %dma_wait3A_304 = arith.constant 0 : i32
      %dma_wait3A_305 = tpu.memref_slice %arg7[%dma_wait3A_303, %dma_wait3A_304] : memref<4x128xi32, #tpu.memory_space<vmem>> -> memref<1x128xi32, #tpu.memory_space<vmem>>
      %dma_wait3A_306 = tpu.memref_squeeze %dma_wait3A_305 : memref<1x128xi32, #tpu.memory_space<vmem>> -> memref<128xi32, #tpu.memory_space<vmem>>
      %dma_wait3A_307 = arith.constant 0 : i32
      %dma_wait3A_308 = tpu.memref_slice %arg4[%arg1, %add3A_268, %dma_wait3A_307] : memref<16x80x128xi32, #tpu.memory_space<hbm>> -> memref<1x1x128xi32, #tpu.memory_space<hbm>>
      %dma_wait3A_309 = tpu.memref_squeeze %dma_wait3A_308 : memref<1x1x128xi32, #tpu.memory_space<hbm>> -> memref<128xi32, #tpu.memory_space<hbm>>
      %dma_wait3A_310 = arith.constant 0 : i32
      %dma_wait3A_311 = tpu.memref_slice %arg7[%dma_wait3A_303, %dma_wait3A_310] : memref<4x128xi32, #tpu.memory_space<vmem>> -> memref<1x128xi32, #tpu.memory_space<vmem>>
      %dma_wait3A_312 = tpu.memref_squeeze %dma_wait3A_311 : memref<1x128xi32, #tpu.memory_space<vmem>> -> memref<128xi32, #tpu.memory_space<vmem>>
      %dma_wait3A_313 = arith.constant 0 : i32
      %dma_wait3A_314 = tpu.memref_slice %arg4[%arg1, %add3A_268, %dma_wait3A_313] : memref<16x80x128xi32, #tpu.memory_space<hbm>> -> memref<1x1x128xi32, #tpu.memory_space<hbm>>
      %dma_wait3A_315 = tpu.memref_squeeze %dma_wait3A_314 : memref<1x1x128xi32, #tpu.memory_space<hbm>> -> memref<128xi32, #tpu.memory_space<hbm>>
      tpu.wait_dma2 semaphore(%arg14 : memref<!tpu.dma_semaphore, #tpu.memory_space<semaphore_mem>>) src(%dma_wait3A_315 : memref<128xi32, #tpu.memory_space<hbm>>) dst(%dma_wait3A_312 : memref<128xi32, #tpu.memory_space<vmem>>)
      %dma_start3A_316 = arith.constant 1 : i32
      %dma_start3A_317 = arith.constant 1 : i32
      %dma_start3A_318 = arith.constant 0 : i32
      %dma_start3A_319 = arith.constant 0 : i32
      %dma_start3A_320 = tpu.memref_slice %arg9[%dma_start3A_316, %dma_start3A_318, %dma_start3A_319] : memref<2x128x128xf32, #tpu.memory_space<vmem>> -> memref<1x128x128xf32, #tpu.memory_space<vmem>>
      %dma_start3A_321 = tpu.memref_squeeze %dma_start3A_320 : memref<1x128x128xf32, #tpu.memory_space<vmem>> -> memref<128x128xf32, #tpu.memory_space<vmem>>
      %dma_start3A_322 = arith.constant 0 : i32
      %dma_start3A_323 = tpu.memref_slice %arg7[%dma_start3A_317, %dma_start3A_322] : memref<4x128xi32, #tpu.memory_space<vmem>> -> memref<1x128xi32, #tpu.memory_space<vmem>>
      %dma_start3A_324 = tpu.memref_squeeze %dma_start3A_323 : memref<1x128xi32, #tpu.memory_space<vmem>> -> memref<128xi32, #tpu.memory_space<vmem>>
      %dma_start3A_325 = arith.constant 0 : i32
      %dma_start3A_326 = arith.constant 0 : i32
      %dma_start3A_327 = tpu.memref_slice %arg10[%dma_start3A_325, %dma_start3A_326] : memref<10112x128xf32, #tpu.memory_space<vmem_shared>> -> memref<10112x128xf32, #tpu.memory_space<vmem_shared>>
      tpu.enqueue_indirect_dma source(%dma_start3A_321 : memref<128x128xf32, #tpu.memory_space<vmem>>) target(%dma_start3A_327 : memref<10112x128xf32, #tpu.memory_space<vmem_shared>>) offsets(%dma_start3A_324 : memref<128xi32, #tpu.memory_space<vmem>>) semaphore(%arg20 : memref<!tpu.dma_semaphore, #tpu.memory_space<semaphore_mem>>) {add = true}
      %mul3A_328 = arith.constant 4 : i32
      %mul3A_329 = arith.muli %mul3A_328, %scan3A_206 : i32
      %add3A_330 = arith.constant 2 : i32
      %add3A_331 = arith.addi %mul3A_329, %add3A_330 : i32
      %add3A_332 = arith.constant 1 : i32
      %add3A_333 = arith.addi %add3A_331, %add3A_332 : i32
      %lt3A_334 = arith.constant 80 : i32
      %lt3A_335 = arith.cmpi slt, %add3A_333, %lt3A_334 : i32
      %convert_element_type3A_336 = arith.extui %lt3A_335 : i1 to i32
      %cond3A_337 = arith.constant 0 : i32
      %cond3A_338 = arith.cmpi ne, %convert_element_type3A_336, %cond3A_337 : i32
      scf.if %cond3A_338 {
        %add3A_454 = arith.constant 1 : i32
        %add3A_455 = arith.addi %add3A_331, %add3A_454 : i32
        %dma_wait3A_456 = arith.constant 1 : i32
        %dma_wait3A_457 = arith.constant 0 : i32
        %dma_wait3A_458 = tpu.memref_slice %arg6[%dma_wait3A_456, %dma_wait3A_457] : memref<2x128xi32, #tpu.memory_space<vmem>> -> memref<1x128xi32, #tpu.memory_space<vmem>>
        %dma_wait3A_459 = tpu.memref_squeeze %dma_wait3A_458 : memref<1x128xi32, #tpu.memory_space<vmem>> -> memref<128xi32, #tpu.memory_space<vmem>>
        %dma_wait3A_460 = arith.constant 0 : i32
        %dma_wait3A_461 = tpu.memref_slice %arg3[%arg0, %arg1, %add3A_455, %dma_wait3A_460] : memref<2x16x80x128xi32, #tpu.memory_space<hbm>> -> memref<1x1x1x128xi32, #tpu.memory_space<hbm>>
        %dma_wait3A_462 = tpu.memref_squeeze %dma_wait3A_461 : memref<1x1x1x128xi32, #tpu.memory_space<hbm>> -> memref<128xi32, #tpu.memory_space<hbm>>
        %dma_wait3A_463 = arith.constant 0 : i32
        %dma_wait3A_464 = tpu.memref_slice %arg6[%dma_wait3A_456, %dma_wait3A_463] : memref<2x128xi32, #tpu.memory_space<vmem>> -> memref<1x128xi32, #tpu.memory_space<vmem>>
        %dma_wait3A_465 = tpu.memref_squeeze %dma_wait3A_464 : memref<1x128xi32, #tpu.memory_space<vmem>> -> memref<128xi32, #tpu.memory_space<vmem>>
        %dma_wait3A_466 = arith.constant 0 : i32
        %dma_wait3A_467 = tpu.memref_slice %arg3[%arg0, %arg1, %add3A_455, %dma_wait3A_466] : memref<2x16x80x128xi32, #tpu.memory_space<hbm>> -> memref<1x1x1x128xi32, #tpu.memory_space<hbm>>
        %dma_wait3A_468 = tpu.memref_squeeze %dma_wait3A_467 : memref<1x1x1x128xi32, #tpu.memory_space<hbm>> -> memref<128xi32, #tpu.memory_space<hbm>>
        tpu.wait_dma2 semaphore(%arg12 : memref<!tpu.dma_semaphore, #tpu.memory_space<semaphore_mem>>) src(%dma_wait3A_468 : memref<128xi32, #tpu.memory_space<hbm>>) dst(%dma_wait3A_465 : memref<128xi32, #tpu.memory_space<vmem>>)
        %dma_start3A_469 = arith.constant 1 : i32
        %dma_start3A_470 = arith.constant 1 : i32
        %dma_start3A_471 = arith.constant 0 : i32
        %dma_start3A_472 = arith.constant 0 : i32
        %dma_start3A_473 = tpu.memref_slice %arg8[%dma_start3A_470, %dma_start3A_471, %dma_start3A_472] : memref<2x128x64xi32, #tpu.memory_space<vmem>> -> memref<1x128x64xi32, #tpu.memory_space<vmem>>
        %dma_start3A_474 = tpu.memref_squeeze %dma_start3A_473 : memref<1x128x64xi32, #tpu.memory_space<vmem>> -> memref<128x64xi32, #tpu.memory_space<vmem>>
        %dma_start3A_475 = arith.constant 0 : i32
        %dma_start3A_476 = tpu.memref_slice %arg6[%dma_start3A_469, %dma_start3A_475] : memref<2x128xi32, #tpu.memory_space<vmem>> -> memref<1x128xi32, #tpu.memory_space<vmem>>
        %dma_start3A_477 = tpu.memref_squeeze %dma_start3A_476 : memref<1x128xi32, #tpu.memory_space<vmem>> -> memref<128xi32, #tpu.memory_space<vmem>>
        %dma_start3A_478 = arith.constant 0 : i32
        %dma_start3A_479 = arith.constant 0 : i32
        %dma_start3A_480 = tpu.memref_slice %arg2[%dma_start3A_478, %dma_start3A_479] : memref<20000x64xi32, #tpu.memory_space<hbm>> -> memref<20000x64xi32, #tpu.memory_space<hbm>>
        tpu.enqueue_indirect_dma source(%dma_start3A_480 : memref<20000x64xi32, #tpu.memory_space<hbm>>) target(%dma_start3A_474 : memref<128x64xi32, #tpu.memory_space<vmem>>) offsets(%dma_start3A_477 : memref<128xi32, #tpu.memory_space<vmem>>) semaphore(%arg18 : memref<!tpu.dma_semaphore, #tpu.memory_space<semaphore_mem>>)
      } else {
      }
      %dma_wait3A_339 = arith.constant 0 : i32
      %dma_wait3A_340 = arith.constant 0 : i32
      %dma_wait3A_341 = arith.constant 0 : i32
      %dma_wait3A_342 = arith.constant 0 : i32
      %dma_wait3A_343 = tpu.memref_slice %arg8[%dma_wait3A_340, %dma_wait3A_341, %dma_wait3A_342] : memref<2x128x64xi32, #tpu.memory_space<vmem>> -> memref<1x128x64xi32, #tpu.memory_space<vmem>>
      %dma_wait3A_344 = tpu.memref_squeeze %dma_wait3A_343 : memref<1x128x64xi32, #tpu.memory_space<vmem>> -> memref<128x64xi32, #tpu.memory_space<vmem>>
      %dma_wait3A_345 = arith.constant 0 : i32
      %dma_wait3A_346 = tpu.memref_slice %arg6[%dma_wait3A_339, %dma_wait3A_345] : memref<2x128xi32, #tpu.memory_space<vmem>> -> memref<1x128xi32, #tpu.memory_space<vmem>>
      %dma_wait3A_347 = tpu.memref_squeeze %dma_wait3A_346 : memref<1x128xi32, #tpu.memory_space<vmem>> -> memref<128xi32, #tpu.memory_space<vmem>>
      %dma_wait3A_348 = arith.constant 0 : i32
      %dma_wait3A_349 = arith.constant 0 : i32
      %dma_wait3A_350 = tpu.memref_slice %arg2[%dma_wait3A_348, %dma_wait3A_349] : memref<20000x64xi32, #tpu.memory_space<hbm>> -> memref<20000x64xi32, #tpu.memory_space<hbm>>
      tpu.wait_indirect_dma semaphore(%arg17 : memref<!tpu.dma_semaphore, #tpu.memory_space<semaphore_mem>>) src(%dma_wait3A_350 : memref<20000x64xi32, #tpu.memory_space<hbm>>) dst(%dma_wait3A_344 : memref<128x64xi32, #tpu.memory_space<vmem>>)
      %add3A_351 = arith.constant 2 : i32
      %add3A_352 = arith.addi %add3A_331, %add3A_351 : i32
      %lt3A_353 = arith.constant 80 : i32
      %lt3A_354 = arith.cmpi slt, %add3A_352, %lt3A_353 : i32
      %convert_element_type3A_355 = arith.extui %lt3A_354 : i1 to i32
      %cond3A_356 = arith.constant 0 : i32
      %cond3A_357 = arith.cmpi ne, %convert_element_type3A_355, %cond3A_356 : i32
      scf.if %cond3A_357 {
        %add3A_454 = arith.constant 2 : i32
        %add3A_455 = arith.addi %add3A_331, %add3A_454 : i32
        %dma_start3A_456 = arith.constant 0 : i32
        %dma_start3A_457 = arith.constant 0 : i32
        %dma_start3A_458 = tpu.memref_slice %arg6[%dma_start3A_456, %dma_start3A_457] : memref<2x128xi32, #tpu.memory_space<vmem>> -> memref<1x128xi32, #tpu.memory_space<vmem>>
        %dma_start3A_459 = tpu.memref_squeeze %dma_start3A_458 : memref<1x128xi32, #tpu.memory_space<vmem>> -> memref<128xi32, #tpu.memory_space<vmem>>
        %dma_start3A_460 = arith.constant 0 : i32
        %dma_start3A_461 = tpu.memref_slice %arg3[%arg0, %arg1, %add3A_455, %dma_start3A_460] : memref<2x16x80x128xi32, #tpu.memory_space<hbm>> -> memref<1x1x1x128xi32, #tpu.memory_space<hbm>>
        %dma_start3A_462 = tpu.memref_squeeze %dma_start3A_461 : memref<1x1x1x128xi32, #tpu.memory_space<hbm>> -> memref<128xi32, #tpu.memory_space<hbm>>
        %dma_start3A_463 = arith.constant 0 : i32
        %dma_start3A_464 = tpu.memref_slice %arg6[%dma_start3A_456, %dma_start3A_463] : memref<2x128xi32, #tpu.memory_space<vmem>> -> memref<1x128xi32, #tpu.memory_space<vmem>>
        %dma_start3A_465 = tpu.memref_squeeze %dma_start3A_464 : memref<1x128xi32, #tpu.memory_space<vmem>> -> memref<128xi32, #tpu.memory_space<vmem>>
        %dma_start3A_466 = arith.constant 0 : i32
        %dma_start3A_467 = tpu.memref_slice %arg3[%arg0, %arg1, %add3A_455, %dma_start3A_466] : memref<2x16x80x128xi32, #tpu.memory_space<hbm>> -> memref<1x1x1x128xi32, #tpu.memory_space<hbm>>
        %dma_start3A_468 = tpu.memref_squeeze %dma_start3A_467 : memref<1x1x1x128xi32, #tpu.memory_space<hbm>> -> memref<128xi32, #tpu.memory_space<hbm>>
        tpu.enqueue_dma source(%dma_start3A_468 : memref<128xi32, #tpu.memory_space<hbm>>) target(%dma_start3A_465 : memref<128xi32, #tpu.memory_space<vmem>>) target_semaphore(%arg11 : memref<!tpu.dma_semaphore, #tpu.memory_space<semaphore_mem>>)
      } else {
      }
      %ge3A_358 = arith.constant 2 : i32
      %ge3A_359 = arith.cmpi sge, %add3A_331, %ge3A_358 : i32
      %convert_element_type3A_360 = arith.extui %ge3A_359 : i1 to i32
      %cond3A_361 = arith.constant 0 : i32
      %cond3A_362 = arith.cmpi ne, %convert_element_type3A_360, %cond3A_361 : i32
      scf.if %cond3A_362 {
        %dma_wait3A_454 = arith.constant 0 : i32
        %dma_wait3A_455 = arith.constant 0 : i32
        %dma_wait3A_456 = arith.constant 0 : i32
        %dma_wait3A_457 = arith.constant 0 : i32
        %dma_wait3A_458 = tpu.memref_slice %arg9[%dma_wait3A_454, %dma_wait3A_456, %dma_wait3A_457] : memref<2x128x128xf32, #tpu.memory_space<vmem>> -> memref<1x128x128xf32, #tpu.memory_space<vmem>>
        %dma_wait3A_459 = tpu.memref_squeeze %dma_wait3A_458 : memref<1x128x128xf32, #tpu.memory_space<vmem>> -> memref<128x128xf32, #tpu.memory_space<vmem>>
        %dma_wait3A_460 = arith.constant 0 : i32
        %dma_wait3A_461 = tpu.memref_slice %arg7[%dma_wait3A_455, %dma_wait3A_460] : memref<4x128xi32, #tpu.memory_space<vmem>> -> memref<1x128xi32, #tpu.memory_space<vmem>>
        %dma_wait3A_462 = tpu.memref_squeeze %dma_wait3A_461 : memref<1x128xi32, #tpu.memory_space<vmem>> -> memref<128xi32, #tpu.memory_space<vmem>>
        %dma_wait3A_463 = arith.constant 0 : i32
        %dma_wait3A_464 = arith.constant 0 : i32
        %dma_wait3A_465 = tpu.memref_slice %arg10[%dma_wait3A_463, %dma_wait3A_464] : memref<10112x128xf32, #tpu.memory_space<vmem_shared>> -> memref<10112x128xf32, #tpu.memory_space<vmem_shared>>
        tpu.wait_indirect_dma semaphore(%arg19 : memref<!tpu.dma_semaphore, #tpu.memory_space<semaphore_mem>>) src(%dma_wait3A_459 : memref<128x128xf32, #tpu.memory_space<vmem>>) dst(%dma_wait3A_465 : memref<10112x128xf32, #tpu.memory_space<vmem_shared>>)
        %add3A_466 = arith.constant 2 : i32
        %add3A_467 = arith.addi %add3A_331, %add3A_466 : i32
        %lt3A_468 = arith.constant 80 : i32
        %lt3A_469 = arith.cmpi slt, %add3A_467, %lt3A_468 : i32
        %convert_element_type3A_470 = arith.extui %lt3A_469 : i1 to i32
        %cond3A_471 = arith.constant 0 : i32
        %cond3A_472 = arith.cmpi ne, %convert_element_type3A_470, %cond3A_471 : i32
        scf.if %cond3A_472 {
          %add3A_473 = arith.constant 2 : i32
          %add3A_474 = arith.addi %add3A_331, %add3A_473 : i32
          %dma_start3A_475 = arith.constant 0 : i32
          %dma_start3A_476 = arith.constant 0 : i32
          %dma_start3A_477 = tpu.memref_slice %arg7[%dma_start3A_475, %dma_start3A_476] : memref<4x128xi32, #tpu.memory_space<vmem>> -> memref<1x128xi32, #tpu.memory_space<vmem>>
          %dma_start3A_478 = tpu.memref_squeeze %dma_start3A_477 : memref<1x128xi32, #tpu.memory_space<vmem>> -> memref<128xi32, #tpu.memory_space<vmem>>
          %dma_start3A_479 = arith.constant 0 : i32
          %dma_start3A_480 = tpu.memref_slice %arg4[%arg1, %add3A_474, %dma_start3A_479] : memref<16x80x128xi32, #tpu.memory_space<hbm>> -> memref<1x1x128xi32, #tpu.memory_space<hbm>>
          %dma_start3A_481 = tpu.memref_squeeze %dma_start3A_480 : memref<1x1x128xi32, #tpu.memory_space<hbm>> -> memref<128xi32, #tpu.memory_space<hbm>>
          %dma_start3A_482 = arith.constant 0 : i32
          %dma_start3A_483 = tpu.memref_slice %arg7[%dma_start3A_475, %dma_start3A_482] : memref<4x128xi32, #tpu.memory_space<vmem>> -> memref<1x128xi32, #tpu.memory_space<vmem>>
          %dma_start3A_484 = tpu.memref_squeeze %dma_start3A_483 : memref<1x128xi32, #tpu.memory_space<vmem>> -> memref<128xi32, #tpu.memory_space<vmem>>
          %dma_start3A_485 = arith.constant 0 : i32
          %dma_start3A_486 = tpu.memref_slice %arg4[%arg1, %add3A_474, %dma_start3A_485] : memref<16x80x128xi32, #tpu.memory_space<hbm>> -> memref<1x1x128xi32, #tpu.memory_space<hbm>>
          %dma_start3A_487 = tpu.memref_squeeze %dma_start3A_486 : memref<1x1x128xi32, #tpu.memory_space<hbm>> -> memref<128xi32, #tpu.memory_space<hbm>>
          tpu.enqueue_dma source(%dma_start3A_487 : memref<128xi32, #tpu.memory_space<hbm>>) target(%dma_start3A_484 : memref<128xi32, #tpu.memory_space<vmem>>) target_semaphore(%arg13 : memref<!tpu.dma_semaphore, #tpu.memory_space<semaphore_mem>>)
        } else {
        }
      } else {
      }
      %parallel_loop3A_363 = arith.constant 0 : i32
      %parallel_loop3A_364 = arith.constant 128 : i32
      %parallel_loop3A_365 = arith.constant 1 : i32
      scf.for %parallel_loop3A_454 = %parallel_loop3A_363 to %parallel_loop3A_364 step %parallel_loop3A_365  : i32 {
        %parallel_loop3A_455 = arith.constant 0 : i32
        %parallel_loop3A_456 = arith.index_cast %parallel_loop3A_455 : i32 to index
        %parallel_loop3A_457 = arith.index_cast %parallel_loop3A_454 : i32 to index
        %parallel_loop3A_458 = arith.constant 0 : index
        %parallel_loop3A_459 = tpu.vector_load %arg8[%parallel_loop3A_456, %parallel_loop3A_457, %parallel_loop3A_458] {strides = array<i32>} : memref<2x128x64xi32, #tpu.memory_space<vmem>>, vector<16xi32>,
        %parallel_loop3A_460 = vector.bitcast %parallel_loop3A_459 : vector<16xi32> to vector<32xbf16>
        %parallel_loop3A_461 = tpu.unpack_subelements %parallel_loop3A_460, 0 {pack_format = #tpu.pack_format<interleaved>} : vector<32xbf16> -> vector<16xf32>
        %parallel_loop3A_462 = tpu.unpack_subelements %parallel_loop3A_460, 1 {pack_format = #tpu.pack_format<interleaved>} : vector<32xbf16> -> vector<16xf32>
        %parallel_loop3A_463 = arith.constant 0 : i32
        %parallel_loop3A_464 = arith.index_cast %parallel_loop3A_463 : i32 to index
        %parallel_loop3A_465 = arith.index_cast %parallel_loop3A_454 : i32 to index
        %parallel_loop3A_466 = arith.constant 0 : index
        %parallel_loop3A_467 = tpu.vector_load %arg9[%parallel_loop3A_464, %parallel_loop3A_465, %parallel_loop3A_466] {strides = array<i32>} : memref<2x128x128xf32, #tpu.memory_space<vmem>>, vector<16xf32>,
        tpu.vector_store %arg9[%parallel_loop3A_464, %parallel_loop3A_465, %parallel_loop3A_466], %parallel_loop3A_461 {strides = array<i32>} : memref<2x128x128xf32, #tpu.memory_space<vmem>>, vector<16xf32>,
        %parallel_loop3A_468 = arith.constant 0 : i32
        %parallel_loop3A_469 = arith.index_cast %parallel_loop3A_468 : i32 to index
        %parallel_loop3A_470 = arith.index_cast %parallel_loop3A_454 : i32 to index
        %parallel_loop3A_471 = arith.constant 16 : index
        %parallel_loop3A_472 = tpu.vector_load %arg9[%parallel_loop3A_469, %parallel_loop3A_470, %parallel_loop3A_471] {strides = array<i32>} : memref<2x128x128xf32, #tpu.memory_space<vmem>>, vector<16xf32>,
        tpu.vector_store %arg9[%parallel_loop3A_469, %parallel_loop3A_470, %parallel_loop3A_471], %parallel_loop3A_462 {strides = array<i32>} : memref<2x128x128xf32, #tpu.memory_space<vmem>>, vector<16xf32>,
        %parallel_loop3A_473 = arith.constant 0 : i32
        %parallel_loop3A_474 = arith.index_cast %parallel_loop3A_473 : i32 to index
        %parallel_loop3A_475 = arith.index_cast %parallel_loop3A_454 : i32 to index
        %parallel_loop3A_476 = arith.constant 16 : index
        %parallel_loop3A_477 = tpu.vector_load %arg8[%parallel_loop3A_474, %parallel_loop3A_475, %parallel_loop3A_476] {strides = array<i32>} : memref<2x128x64xi32, #tpu.memory_space<vmem>>, vector<16xi32>,
        %parallel_loop3A_478 = vector.bitcast %parallel_loop3A_477 : vector<16xi32> to vector<32xbf16>
        %parallel_loop3A_479 = tpu.unpack_subelements %parallel_loop3A_478, 0 {pack_format = #tpu.pack_format<interleaved>} : vector<32xbf16> -> vector<16xf32>
        %parallel_loop3A_480 = tpu.unpack_subelements %parallel_loop3A_478, 1 {pack_format = #tpu.pack_format<interleaved>} : vector<32xbf16> -> vector<16xf32>
        %parallel_loop3A_481 = arith.constant 0 : i32
        %parallel_loop3A_482 = arith.index_cast %parallel_loop3A_481 : i32 to index
        %parallel_loop3A_483 = arith.index_cast %parallel_loop3A_454 : i32 to index
        %parallel_loop3A_484 = arith.constant 32 : index
        %parallel_loop3A_485 = tpu.vector_load %arg9[%parallel_loop3A_482, %parallel_loop3A_483, %parallel_loop3A_484] {strides = array<i32>} : memref<2x128x128xf32, #tpu.memory_space<vmem>>, vector<16xf32>,
        tpu.vector_store %arg9[%parallel_loop3A_482, %parallel_loop3A_483, %parallel_loop3A_484], %parallel_loop3A_479 {strides = array<i32>} : memref<2x128x128xf32, #tpu.memory_space<vmem>>, vector<16xf32>,
        %parallel_loop3A_486 = arith.constant 0 : i32
        %parallel_loop3A_487 = arith.index_cast %parallel_loop3A_486 : i32 to index
        %parallel_loop3A_488 = arith.index_cast %parallel_loop3A_454 : i32 to index
        %parallel_loop3A_489 = arith.constant 48 : index
        %parallel_loop3A_490 = tpu.vector_load %arg9[%parallel_loop3A_487, %parallel_loop3A_488, %parallel_loop3A_489] {strides = array<i32>} : memref<2x128x128xf32, #tpu.memory_space<vmem>>, vector<16xf32>,
        tpu.vector_store %arg9[%parallel_loop3A_487, %parallel_loop3A_488, %parallel_loop3A_489], %parallel_loop3A_480 {strides = array<i32>} : memref<2x128x128xf32, #tpu.memory_space<vmem>>, vector<16xf32>,
        %parallel_loop3A_491 = arith.constant 0 : i32
        %parallel_loop3A_492 = arith.index_cast %parallel_loop3A_491 : i32 to index
        %parallel_loop3A_493 = arith.index_cast %parallel_loop3A_454 : i32 to index
        %parallel_loop3A_494 = arith.constant 32 : index
        %parallel_loop3A_495 = tpu.vector_load %arg8[%parallel_loop3A_492, %parallel_loop3A_493, %parallel_loop3A_494] {strides = array<i32>} : memref<2x128x64xi32, #tpu.memory_space<vmem>>, vector<16xi32>,
        %parallel_loop3A_496 = vector.bitcast %parallel_loop3A_495 : vector<16xi32> to vector<32xbf16>
        %parallel_loop3A_497 = tpu.unpack_subelements %parallel_loop3A_496, 0 {pack_format = #tpu.pack_format<interleaved>} : vector<32xbf16> -> vector<16xf32>
        %parallel_loop3A_498 = tpu.unpack_subelements %parallel_loop3A_496, 1 {pack_format = #tpu.pack_format<interleaved>} : vector<32xbf16> -> vector<16xf32>
        %parallel_loop3A_499 = arith.constant 0 : i32
        %parallel_loop3A_500 = arith.index_cast %parallel_loop3A_499 : i32 to index
        %parallel_loop3A_501 = arith.index_cast %parallel_loop3A_454 : i32 to index
        %parallel_loop3A_502 = arith.constant 64 : index
        %parallel_loop3A_503 = tpu.vector_load %arg9[%parallel_loop3A_500, %parallel_loop3A_501, %parallel_loop3A_502] {strides = array<i32>} : memref<2x128x128xf32, #tpu.memory_space<vmem>>, vector<16xf32>,
        tpu.vector_store %arg9[%parallel_loop3A_500, %parallel_loop3A_501, %parallel_loop3A_502], %parallel_loop3A_497 {strides = array<i32>} : memref<2x128x128xf32, #tpu.memory_space<vmem>>, vector<16xf32>,
        %parallel_loop3A_504 = arith.constant 0 : i32
        %parallel_loop3A_505 = arith.index_cast %parallel_loop3A_504 : i32 to index
        %parallel_loop3A_506 = arith.index_cast %parallel_loop3A_454 : i32 to index
        %parallel_loop3A_507 = arith.constant 80 : index
        %parallel_loop3A_508 = tpu.vector_load %arg9[%parallel_loop3A_505, %parallel_loop3A_506, %parallel_loop3A_507] {strides = array<i32>} : memref<2x128x128xf32, #tpu.memory_space<vmem>>, vector<16xf32>,
        tpu.vector_store %arg9[%parallel_loop3A_505, %parallel_loop3A_506, %parallel_loop3A_507], %parallel_loop3A_498 {strides = array<i32>} : memref<2x128x128xf32, #tpu.memory_space<vmem>>, vector<16xf32>,
        %parallel_loop3A_509 = arith.constant 0 : i32
        %parallel_loop3A_510 = arith.index_cast %parallel_loop3A_509 : i32 to index
        %parallel_loop3A_511 = arith.index_cast %parallel_loop3A_454 : i32 to index
        %parallel_loop3A_512 = arith.constant 48 : index
        %parallel_loop3A_513 = tpu.vector_load %arg8[%parallel_loop3A_510, %parallel_loop3A_511, %parallel_loop3A_512] {strides = array<i32>} : memref<2x128x64xi32, #tpu.memory_space<vmem>>, vector<16xi32>,
        %parallel_loop3A_514 = vector.bitcast %parallel_loop3A_513 : vector<16xi32> to vector<32xbf16>
        %parallel_loop3A_515 = tpu.unpack_subelements %parallel_loop3A_514, 0 {pack_format = #tpu.pack_format<interleaved>} : vector<32xbf16> -> vector<16xf32>
        %parallel_loop3A_516 = tpu.unpack_subelements %parallel_loop3A_514, 1 {pack_format = #tpu.pack_format<interleaved>} : vector<32xbf16> -> vector<16xf32>
        %parallel_loop3A_517 = arith.constant 0 : i32
        %parallel_loop3A_518 = arith.index_cast %parallel_loop3A_517 : i32 to index
        %parallel_loop3A_519 = arith.index_cast %parallel_loop3A_454 : i32 to index
        %parallel_loop3A_520 = arith.constant 96 : index
        %parallel_loop3A_521 = tpu.vector_load %arg9[%parallel_loop3A_518, %parallel_loop3A_519, %parallel_loop3A_520] {strides = array<i32>} : memref<2x128x128xf32, #tpu.memory_space<vmem>>, vector<16xf32>,
        tpu.vector_store %arg9[%parallel_loop3A_518, %parallel_loop3A_519, %parallel_loop3A_520], %parallel_loop3A_515 {strides = array<i32>} : memref<2x128x128xf32, #tpu.memory_space<vmem>>, vector<16xf32>,
        %parallel_loop3A_522 = arith.constant 0 : i32
        %parallel_loop3A_523 = arith.index_cast %parallel_loop3A_522 : i32 to index
        %parallel_loop3A_524 = arith.index_cast %parallel_loop3A_454 : i32 to index
        %parallel_loop3A_525 = arith.constant 112 : index
        %parallel_loop3A_526 = tpu.vector_load %arg9[%parallel_loop3A_523, %parallel_loop3A_524, %parallel_loop3A_525] {strides = array<i32>} : memref<2x128x128xf32, #tpu.memory_space<vmem>>, vector<16xf32>,
        tpu.vector_store %arg9[%parallel_loop3A_523, %parallel_loop3A_524, %parallel_loop3A_525], %parallel_loop3A_516 {strides = array<i32>} : memref<2x128x128xf32, #tpu.memory_space<vmem>>, vector<16xf32>,
      } {sc.loop_unroll_factor = 4 : i64, sc.parallel_access}
      %dma_wait3A_366 = arith.constant 2 : i32
      %dma_wait3A_367 = arith.constant 0 : i32
      %dma_wait3A_368 = tpu.memref_slice %arg7[%dma_wait3A_366, %dma_wait3A_367] : memref<4x128xi32, #tpu.memory_space<vmem>> -> memref<1x128xi32, #tpu.memory_space<vmem>>
      %dma_wait3A_369 = tpu.memref_squeeze %dma_wait3A_368 : memref<1x128xi32, #tpu.memory_space<vmem>> -> memref<128xi32, #tpu.memory_space<vmem>>
      %dma_wait3A_370 = arith.constant 0 : i32
      %dma_wait3A_371 = tpu.memref_slice %arg4[%arg1, %add3A_331, %dma_wait3A_370] : memref<16x80x128xi32, #tpu.memory_space<hbm>> -> memref<1x1x128xi32, #tpu.memory_space<hbm>>
      %dma_wait3A_372 = tpu.memref_squeeze %dma_wait3A_371 : memref<1x1x128xi32, #tpu.memory_space<hbm>> -> memref<128xi32, #tpu.memory_space<hbm>>
      %dma_wait3A_373 = arith.constant 0 : i32
      %dma_wait3A_374 = tpu.memref_slice %arg7[%dma_wait3A_366, %dma_wait3A_373] : memref<4x128xi32, #tpu.memory_space<vmem>> -> memref<1x128xi32, #tpu.memory_space<vmem>>
      %dma_wait3A_375 = tpu.memref_squeeze %dma_wait3A_374 : memref<1x128xi32, #tpu.memory_space<vmem>> -> memref<128xi32, #tpu.memory_space<vmem>>
      %dma_wait3A_376 = arith.constant 0 : i32
      %dma_wait3A_377 = tpu.memref_slice %arg4[%arg1, %add3A_331, %dma_wait3A_376] : memref<16x80x128xi32, #tpu.memory_space<hbm>> -> memref<1x1x128xi32, #tpu.memory_space<hbm>>
      %dma_wait3A_378 = tpu.memref_squeeze %dma_wait3A_377 : memref<1x1x128xi32, #tpu.memory_space<hbm>> -> memref<128xi32, #tpu.memory_space<hbm>>
      tpu.wait_dma2 semaphore(%arg15 : memref<!tpu.dma_semaphore, #tpu.memory_space<semaphore_mem>>) src(%dma_wait3A_378 : memref<128xi32, #tpu.memory_space<hbm>>) dst(%dma_wait3A_375 : memref<128xi32, #tpu.memory_space<vmem>>)
      %dma_start3A_379 = arith.constant 0 : i32
      %dma_start3A_380 = arith.constant 2 : i32
      %dma_start3A_381 = arith.constant 0 : i32
      %dma_start3A_382 = arith.constant 0 : i32
      %dma_start3A_383 = tpu.memref_slice %arg9[%dma_start3A_379, %dma_start3A_381, %dma_start3A_382] : memref<2x128x128xf32, #tpu.memory_space<vmem>> -> memref<1x128x128xf32, #tpu.memory_space<vmem>>
      %dma_start3A_384 = tpu.memref_squeeze %dma_start3A_383 : memref<1x128x128xf32, #tpu.memory_space<vmem>> -> memref<128x128xf32, #tpu.memory_space<vmem>>
      %dma_start3A_385 = arith.constant 0 : i32
      %dma_start3A_386 = tpu.memref_slice %arg7[%dma_start3A_380, %dma_start3A_385] : memref<4x128xi32, #tpu.memory_space<vmem>> -> memref<1x128xi32, #tpu.memory_space<vmem>>
      %dma_start3A_387 = tpu.memref_squeeze %dma_start3A_386 : memref<1x128xi32, #tpu.memory_space<vmem>> -> memref<128xi32, #tpu.memory_space<vmem>>
      %dma_start3A_388 = arith.constant 0 : i32
      %dma_start3A_389 = arith.constant 0 : i32
      %dma_start3A_390 = tpu.memref_slice %arg10[%dma_start3A_388, %dma_start3A_389] : memref<10112x128xf32, #tpu.memory_space<vmem_shared>> -> memref<10112x128xf32, #tpu.memory_space<vmem_shared>>
      tpu.enqueue_indirect_dma source(%dma_start3A_384 : memref<128x128xf32, #tpu.memory_space<vmem>>) target(%dma_start3A_390 : memref<10112x128xf32, #tpu.memory_space<vmem_shared>>) offsets(%dma_start3A_387 : memref<128xi32, #tpu.memory_space<vmem>>) semaphore(%arg19 : memref<!tpu.dma_semaphore, #tpu.memory_space<semaphore_mem>>) {add = true}
      %mul3A_391 = arith.constant 4 : i32
      %mul3A_392 = arith.muli %mul3A_391, %scan3A_206 : i32
      %add3A_393 = arith.constant 3 : i32
      %add3A_394 = arith.addi %mul3A_392, %add3A_393 : i32
      %add3A_395 = arith.constant 1 : i32
      %add3A_396 = arith.addi %add3A_394, %add3A_395 : i32
      %lt3A_397 = arith.constant 80 : i32
      %lt3A_398 = arith.cmpi slt, %add3A_396, %lt3A_397 : i32
      %convert_element_type3A_399 = arith.extui %lt3A_398 : i1 to i32
      %cond3A_400 = arith.constant 0 : i32
      %cond3A_401 = arith.cmpi ne, %convert_element_type3A_399, %cond3A_400 : i32
      scf.if %cond3A_401 {
        %add3A_454 = arith.constant 1 : i32
        %add3A_455 = arith.addi %add3A_394, %add3A_454 : i32
        %dma_wait3A_456 = arith.constant 0 : i32
        %dma_wait3A_457 = arith.constant 0 : i32
        %dma_wait3A_458 = tpu.memref_slice %arg6[%dma_wait3A_456, %dma_wait3A_457] : memref<2x128xi32, #tpu.memory_space<vmem>> -> memref<1x128xi32, #tpu.memory_space<vmem>>
        %dma_wait3A_459 = tpu.memref_squeeze %dma_wait3A_458 : memref<1x128xi32, #tpu.memory_space<vmem>> -> memref<128xi32, #tpu.memory_space<vmem>>
        %dma_wait3A_460 = arith.constant 0 : i32
        %dma_wait3A_461 = tpu.memref_slice %arg3[%arg0, %arg1, %add3A_455, %dma_wait3A_460] : memref<2x16x80x128xi32, #tpu.memory_space<hbm>> -> memref<1x1x1x128xi32, #tpu.memory_space<hbm>>
        %dma_wait3A_462 = tpu.memref_squeeze %dma_wait3A_461 : memref<1x1x1x128xi32, #tpu.memory_space<hbm>> -> memref<128xi32, #tpu.memory_space<hbm>>
        %dma_wait3A_463 = arith.constant 0 : i32
        %dma_wait3A_464 = tpu.memref_slice %arg6[%dma_wait3A_456, %dma_wait3A_463] : memref<2x128xi32, #tpu.memory_space<vmem>> -> memref<1x128xi32, #tpu.memory_space<vmem>>
        %dma_wait3A_465 = tpu.memref_squeeze %dma_wait3A_464 : memref<1x128xi32, #tpu.memory_space<vmem>> -> memref<128xi32, #tpu.memory_space<vmem>>
        %dma_wait3A_466 = arith.constant 0 : i32
        %dma_wait3A_467 = tpu.memref_slice %arg3[%arg0, %arg1, %add3A_455, %dma_wait3A_466] : memref<2x16x80x128xi32, #tpu.memory_space<hbm>> -> memref<1x1x1x128xi32, #tpu.memory_space<hbm>>
        %dma_wait3A_468 = tpu.memref_squeeze %dma_wait3A_467 : memref<1x1x1x128xi32, #tpu.memory_space<hbm>> -> memref<128xi32, #tpu.memory_space<hbm>>
        tpu.wait_dma2 semaphore(%arg11 : memref<!tpu.dma_semaphore, #tpu.memory_space<semaphore_mem>>) src(%dma_wait3A_468 : memref<128xi32, #tpu.memory_space<hbm>>) dst(%dma_wait3A_465 : memref<128xi32, #tpu.memory_space<vmem>>)
        %dma_start3A_469 = arith.constant 0 : i32
        %dma_start3A_470 = arith.constant 0 : i32
        %dma_start3A_471 = arith.constant 0 : i32
        %dma_start3A_472 = arith.constant 0 : i32
        %dma_start3A_473 = tpu.memref_slice %arg8[%dma_start3A_470, %dma_start3A_471, %dma_start3A_472] : memref<2x128x64xi32, #tpu.memory_space<vmem>> -> memref<1x128x64xi32, #tpu.memory_space<vmem>>
        %dma_start3A_474 = tpu.memref_squeeze %dma_start3A_473 : memref<1x128x64xi32, #tpu.memory_space<vmem>> -> memref<128x64xi32, #tpu.memory_space<vmem>>
        %dma_start3A_475 = arith.constant 0 : i32
        %dma_start3A_476 = tpu.memref_slice %arg6[%dma_start3A_469, %dma_start3A_475] : memref<2x128xi32, #tpu.memory_space<vmem>> -> memref<1x128xi32, #tpu.memory_space<vmem>>
        %dma_start3A_477 = tpu.memref_squeeze %dma_start3A_476 : memref<1x128xi32, #tpu.memory_space<vmem>> -> memref<128xi32, #tpu.memory_space<vmem>>
        %dma_start3A_478 = arith.constant 0 : i32
        %dma_start3A_479 = arith.constant 0 : i32
        %dma_start3A_480 = tpu.memref_slice %arg2[%dma_start3A_478, %dma_start3A_479] : memref<20000x64xi32, #tpu.memory_space<hbm>> -> memref<20000x64xi32, #tpu.memory_space<hbm>>
        tpu.enqueue_indirect_dma source(%dma_start3A_480 : memref<20000x64xi32, #tpu.memory_space<hbm>>) target(%dma_start3A_474 : memref<128x64xi32, #tpu.memory_space<vmem>>) offsets(%dma_start3A_477 : memref<128xi32, #tpu.memory_space<vmem>>) semaphore(%arg17 : memref<!tpu.dma_semaphore, #tpu.memory_space<semaphore_mem>>)
      } else {
      }
      %dma_wait3A_402 = arith.constant 1 : i32
      %dma_wait3A_403 = arith.constant 1 : i32
      %dma_wait3A_404 = arith.constant 0 : i32
      %dma_wait3A_405 = arith.constant 0 : i32
      %dma_wait3A_406 = tpu.memref_slice %arg8[%dma_wait3A_403, %dma_wait3A_404, %dma_wait3A_405] : memref<2x128x64xi32, #tpu.memory_space<vmem>> -> memref<1x128x64xi32, #tpu.memory_space<vmem>>
      %dma_wait3A_407 = tpu.memref_squeeze %dma_wait3A_406 : memref<1x128x64xi32, #tpu.memory_space<vmem>> -> memref<128x64xi32, #tpu.memory_space<vmem>>
      %dma_wait3A_408 = arith.constant 0 : i32
      %dma_wait3A_409 = tpu.memref_slice %arg6[%dma_wait3A_402, %dma_wait3A_408] : memref<2x128xi32, #tpu.memory_space<vmem>> -> memref<1x128xi32, #tpu.memory_space<vmem>>
      %dma_wait3A_410 = tpu.memref_squeeze %dma_wait3A_409 : memref<1x128xi32, #tpu.memory_space<vmem>> -> memref<128xi32, #tpu.memory_space<vmem>>
      %dma_wait3A_411 = arith.constant 0 : i32
      %dma_wait3A_412 = arith.constant 0 : i32
      %dma_wait3A_413 = tpu.memref_slice %arg2[%dma_wait3A_411, %dma_wait3A_412] : memref<20000x64xi32, #tpu.memory_space<hbm>> -> memref<20000x64xi32, #tpu.memory_space<hbm>>
      tpu.wait_indirect_dma semaphore(%arg18 : memref<!tpu.dma_semaphore, #tpu.memory_space<semaphore_mem>>) src(%dma_wait3A_413 : memref<20000x64xi32, #tpu.memory_space<hbm>>) dst(%dma_wait3A_407 : memref<128x64xi32, #tpu.memory_space<vmem>>)
      %add3A_414 = arith.constant 2 : i32
      %add3A_415 = arith.addi %add3A_394, %add3A_414 : i32
      %lt3A_416 = arith.constant 80 : i32
      %lt3A_417 = arith.cmpi slt, %add3A_415, %lt3A_416 : i32
      %convert_element_type3A_418 = arith.extui %lt3A_417 : i1 to i32
      %cond3A_419 = arith.constant 0 : i32
      %cond3A_420 = arith.cmpi ne, %convert_element_type3A_418, %cond3A_419 : i32
      scf.if %cond3A_420 {
        %add3A_454 = arith.constant 2 : i32
        %add3A_455 = arith.addi %add3A_394, %add3A_454 : i32
        %dma_start3A_456 = arith.constant 1 : i32
        %dma_start3A_457 = arith.constant 0 : i32
        %dma_start3A_458 = tpu.memref_slice %arg6[%dma_start3A_456, %dma_start3A_457] : memref<2x128xi32, #tpu.memory_space<vmem>> -> memref<1x128xi32, #tpu.memory_space<vmem>>
        %dma_start3A_459 = tpu.memref_squeeze %dma_start3A_458 : memref<1x128xi32, #tpu.memory_space<vmem>> -> memref<128xi32, #tpu.memory_space<vmem>>
        %dma_start3A_460 = arith.constant 0 : i32
        %dma_start3A_461 = tpu.memref_slice %arg3[%arg0, %arg1, %add3A_455, %dma_start3A_460] : memref<2x16x80x128xi32, #tpu.memory_space<hbm>> -> memref<1x1x1x128xi32, #tpu.memory_space<hbm>>
        %dma_start3A_462 = tpu.memref_squeeze %dma_start3A_461 : memref<1x1x1x128xi32, #tpu.memory_space<hbm>> -> memref<128xi32, #tpu.memory_space<hbm>>
        %dma_start3A_463 = arith.constant 0 : i32
        %dma_start3A_464 = tpu.memref_slice %arg6[%dma_start3A_456, %dma_start3A_463] : memref<2x128xi32, #tpu.memory_space<vmem>> -> memref<1x128xi32, #tpu.memory_space<vmem>>
        %dma_start3A_465 = tpu.memref_squeeze %dma_start3A_464 : memref<1x128xi32, #tpu.memory_space<vmem>> -> memref<128xi32, #tpu.memory_space<vmem>>
        %dma_start3A_466 = arith.constant 0 : i32
        %dma_start3A_467 = tpu.memref_slice %arg3[%arg0, %arg1, %add3A_455, %dma_start3A_466] : memref<2x16x80x128xi32, #tpu.memory_space<hbm>> -> memref<1x1x1x128xi32, #tpu.memory_space<hbm>>
        %dma_start3A_468 = tpu.memref_squeeze %dma_start3A_467 : memref<1x1x1x128xi32, #tpu.memory_space<hbm>> -> memref<128xi32, #tpu.memory_space<hbm>>
        tpu.enqueue_dma source(%dma_start3A_468 : memref<128xi32, #tpu.memory_space<hbm>>) target(%dma_start3A_465 : memref<128xi32, #tpu.memory_space<vmem>>) target_semaphore(%arg12 : memref<!tpu.dma_semaphore, #tpu.memory_space<semaphore_mem>>)
      } else {
      }
      %ge3A_421 = arith.constant 2 : i32
      %ge3A_422 = arith.cmpi sge, %add3A_394, %ge3A_421 : i32
      %convert_element_type3A_423 = arith.extui %ge3A_422 : i1 to i32
      %cond3A_424 = arith.constant 0 : i32
      %cond3A_425 = arith.cmpi ne, %convert_element_type3A_423, %cond3A_424 : i32
      scf.if %cond3A_425 {
        %dma_wait3A_454 = arith.constant 1 : i32
        %dma_wait3A_455 = arith.constant 1 : i32
        %dma_wait3A_456 = arith.constant 0 : i32
        %dma_wait3A_457 = arith.constant 0 : i32
        %dma_wait3A_458 = tpu.memref_slice %arg9[%dma_wait3A_454, %dma_wait3A_456, %dma_wait3A_457] : memref<2x128x128xf32, #tpu.memory_space<vmem>> -> memref<1x128x128xf32, #tpu.memory_space<vmem>>
        %dma_wait3A_459 = tpu.memref_squeeze %dma_wait3A_458 : memref<1x128x128xf32, #tpu.memory_space<vmem>> -> memref<128x128xf32, #tpu.memory_space<vmem>>
        %dma_wait3A_460 = arith.constant 0 : i32
        %dma_wait3A_461 = tpu.memref_slice %arg7[%dma_wait3A_455, %dma_wait3A_460] : memref<4x128xi32, #tpu.memory_space<vmem>> -> memref<1x128xi32, #tpu.memory_space<vmem>>
        %dma_wait3A_462 = tpu.memref_squeeze %dma_wait3A_461 : memref<1x128xi32, #tpu.memory_space<vmem>> -> memref<128xi32, #tpu.memory_space<vmem>>
        %dma_wait3A_463 = arith.constant 0 : i32
        %dma_wait3A_464 = arith.constant 0 : i32
        %dma_wait3A_465 = tpu.memref_slice %arg10[%dma_wait3A_463, %dma_wait3A_464] : memref<10112x128xf32, #tpu.memory_space<vmem_shared>> -> memref<10112x128xf32, #tpu.memory_space<vmem_shared>>
        tpu.wait_indirect_dma semaphore(%arg20 : memref<!tpu.dma_semaphore, #tpu.memory_space<semaphore_mem>>) src(%dma_wait3A_459 : memref<128x128xf32, #tpu.memory_space<vmem>>) dst(%dma_wait3A_465 : memref<10112x128xf32, #tpu.memory_space<vmem_shared>>)
        %add3A_466 = arith.constant 2 : i32
        %add3A_467 = arith.addi %add3A_394, %add3A_466 : i32
        %lt3A_468 = arith.constant 80 : i32
        %lt3A_469 = arith.cmpi slt, %add3A_467, %lt3A_468 : i32
        %convert_element_type3A_470 = arith.extui %lt3A_469 : i1 to i32
        %cond3A_471 = arith.constant 0 : i32
        %cond3A_472 = arith.cmpi ne, %convert_element_type3A_470, %cond3A_471 : i32
        scf.if %cond3A_472 {
          %add3A_473 = arith.constant 2 : i32
          %add3A_474 = arith.addi %add3A_394, %add3A_473 : i32
          %dma_start3A_475 = arith.constant 1 : i32
          %dma_start3A_476 = arith.constant 0 : i32
          %dma_start3A_477 = tpu.memref_slice %arg7[%dma_start3A_475, %dma_start3A_476] : memref<4x128xi32, #tpu.memory_space<vmem>> -> memref<1x128xi32, #tpu.memory_space<vmem>>
          %dma_start3A_478 = tpu.memref_squeeze %dma_start3A_477 : memref<1x128xi32, #tpu.memory_space<vmem>> -> memref<128xi32, #tpu.memory_space<vmem>>
          %dma_start3A_479 = arith.constant 0 : i32
          %dma_start3A_480 = tpu.memref_slice %arg4[%arg1, %add3A_474, %dma_start3A_479] : memref<16x80x128xi32, #tpu.memory_space<hbm>> -> memref<1x1x128xi32, #tpu.memory_space<hbm>>
          %dma_start3A_481 = tpu.memref_squeeze %dma_start3A_480 : memref<1x1x128xi32, #tpu.memory_space<hbm>> -> memref<128xi32, #tpu.memory_space<hbm>>
          %dma_start3A_482 = arith.constant 0 : i32
          %dma_start3A_483 = tpu.memref_slice %arg7[%dma_start3A_475, %dma_start3A_482] : memref<4x128xi32, #tpu.memory_space<vmem>> -> memref<1x128xi32, #tpu.memory_space<vmem>>
          %dma_start3A_484 = tpu.memref_squeeze %dma_start3A_483 : memref<1x128xi32, #tpu.memory_space<vmem>> -> memref<128xi32, #tpu.memory_space<vmem>>
          %dma_start3A_485 = arith.constant 0 : i32
          %dma_start3A_486 = tpu.memref_slice %arg4[%arg1, %add3A_474, %dma_start3A_485] : memref<16x80x128xi32, #tpu.memory_space<hbm>> -> memref<1x1x128xi32, #tpu.memory_space<hbm>>
          %dma_start3A_487 = tpu.memref_squeeze %dma_start3A_486 : memref<1x1x128xi32, #tpu.memory_space<hbm>> -> memref<128xi32, #tpu.memory_space<hbm>>
          tpu.enqueue_dma source(%dma_start3A_487 : memref<128xi32, #tpu.memory_space<hbm>>) target(%dma_start3A_484 : memref<128xi32, #tpu.memory_space<vmem>>) target_semaphore(%arg14 : memref<!tpu.dma_semaphore, #tpu.memory_space<semaphore_mem>>)
        } else {
        }
      } else {
      }
      %parallel_loop3A_426 = arith.constant 0 : i32
      %parallel_loop3A_427 = arith.constant 128 : i32
      %parallel_loop3A_428 = arith.constant 1 : i32
      scf.for %parallel_loop3A_454 = %parallel_loop3A_426 to %parallel_loop3A_427 step %parallel_loop3A_428  : i32 {
        %parallel_loop3A_455 = arith.constant 1 : i32
        %parallel_loop3A_456 = arith.index_cast %parallel_loop3A_455 : i32 to index
        %parallel_loop3A_457 = arith.index_cast %parallel_loop3A_454 : i32 to index
        %parallel_loop3A_458 = arith.constant 0 : index
        %parallel_loop3A_459 = tpu.vector_load %arg8[%parallel_loop3A_456, %parallel_loop3A_457, %parallel_loop3A_458] {strides = array<i32>} : memref<2x128x64xi32, #tpu.memory_space<vmem>>, vector<16xi32>,
        %parallel_loop3A_460 = vector.bitcast %parallel_loop3A_459 : vector<16xi32> to vector<32xbf16>
        %parallel_loop3A_461 = tpu.unpack_subelements %parallel_loop3A_460, 0 {pack_format = #tpu.pack_format<interleaved>} : vector<32xbf16> -> vector<16xf32>
        %parallel_loop3A_462 = tpu.unpack_subelements %parallel_loop3A_460, 1 {pack_format = #tpu.pack_format<interleaved>} : vector<32xbf16> -> vector<16xf32>
        %parallel_loop3A_463 = arith.constant 1 : i32
        %parallel_loop3A_464 = arith.index_cast %parallel_loop3A_463 : i32 to index
        %parallel_loop3A_465 = arith.index_cast %parallel_loop3A_454 : i32 to index
        %parallel_loop3A_466 = arith.constant 0 : index
        %parallel_loop3A_467 = tpu.vector_load %arg9[%parallel_loop3A_464, %parallel_loop3A_465, %parallel_loop3A_466] {strides = array<i32>} : memref<2x128x128xf32, #tpu.memory_space<vmem>>, vector<16xf32>,
        tpu.vector_store %arg9[%parallel_loop3A_464, %parallel_loop3A_465, %parallel_loop3A_466], %parallel_loop3A_461 {strides = array<i32>} : memref<2x128x128xf32, #tpu.memory_space<vmem>>, vector<16xf32>,
        %parallel_loop3A_468 = arith.constant 1 : i32
        %parallel_loop3A_469 = arith.index_cast %parallel_loop3A_468 : i32 to index
        %parallel_loop3A_470 = arith.index_cast %parallel_loop3A_454 : i32 to index
        %parallel_loop3A_471 = arith.constant 16 : index
        %parallel_loop3A_472 = tpu.vector_load %arg9[%parallel_loop3A_469, %parallel_loop3A_470, %parallel_loop3A_471] {strides = array<i32>} : memref<2x128x128xf32, #tpu.memory_space<vmem>>, vector<16xf32>,
        tpu.vector_store %arg9[%parallel_loop3A_469, %parallel_loop3A_470, %parallel_loop3A_471], %parallel_loop3A_462 {strides = array<i32>} : memref<2x128x128xf32, #tpu.memory_space<vmem>>, vector<16xf32>,
        %parallel_loop3A_473 = arith.constant 1 : i32
        %parallel_loop3A_474 = arith.index_cast %parallel_loop3A_473 : i32 to index
        %parallel_loop3A_475 = arith.index_cast %parallel_loop3A_454 : i32 to index
        %parallel_loop3A_476 = arith.constant 16 : index
        %parallel_loop3A_477 = tpu.vector_load %arg8[%parallel_loop3A_474, %parallel_loop3A_475, %parallel_loop3A_476] {strides = array<i32>} : memref<2x128x64xi32, #tpu.memory_space<vmem>>, vector<16xi32>,
        %parallel_loop3A_478 = vector.bitcast %parallel_loop3A_477 : vector<16xi32> to vector<32xbf16>
        %parallel_loop3A_479 = tpu.unpack_subelements %parallel_loop3A_478, 0 {pack_format = #tpu.pack_format<interleaved>} : vector<32xbf16> -> vector<16xf32>
        %parallel_loop3A_480 = tpu.unpack_subelements %parallel_loop3A_478, 1 {pack_format = #tpu.pack_format<interleaved>} : vector<32xbf16> -> vector<16xf32>
        %parallel_loop3A_481 = arith.constant 1 : i32
        %parallel_loop3A_482 = arith.index_cast %parallel_loop3A_481 : i32 to index
        %parallel_loop3A_483 = arith.index_cast %parallel_loop3A_454 : i32 to index
        %parallel_loop3A_484 = arith.constant 32 : index
        %parallel_loop3A_485 = tpu.vector_load %arg9[%parallel_loop3A_482, %parallel_loop3A_483, %parallel_loop3A_484] {strides = array<i32>} : memref<2x128x128xf32, #tpu.memory_space<vmem>>, vector<16xf32>,
        tpu.vector_store %arg9[%parallel_loop3A_482, %parallel_loop3A_483, %parallel_loop3A_484], %parallel_loop3A_479 {strides = array<i32>} : memref<2x128x128xf32, #tpu.memory_space<vmem>>, vector<16xf32>,
        %parallel_loop3A_486 = arith.constant 1 : i32
        %parallel_loop3A_487 = arith.index_cast %parallel_loop3A_486 : i32 to index
        %parallel_loop3A_488 = arith.index_cast %parallel_loop3A_454 : i32 to index
        %parallel_loop3A_489 = arith.constant 48 : index
        %parallel_loop3A_490 = tpu.vector_load %arg9[%parallel_loop3A_487, %parallel_loop3A_488, %parallel_loop3A_489] {strides = array<i32>} : memref<2x128x128xf32, #tpu.memory_space<vmem>>, vector<16xf32>,
        tpu.vector_store %arg9[%parallel_loop3A_487, %parallel_loop3A_488, %parallel_loop3A_489], %parallel_loop3A_480 {strides = array<i32>} : memref<2x128x128xf32, #tpu.memory_space<vmem>>, vector<16xf32>,
        %parallel_loop3A_491 = arith.constant 1 : i32
        %parallel_loop3A_492 = arith.index_cast %parallel_loop3A_491 : i32 to index
        %parallel_loop3A_493 = arith.index_cast %parallel_loop3A_454 : i32 to index
        %parallel_loop3A_494 = arith.constant 32 : index
        %parallel_loop3A_495 = tpu.vector_load %arg8[%parallel_loop3A_492, %parallel_loop3A_493, %parallel_loop3A_494] {strides = array<i32>} : memref<2x128x64xi32, #tpu.memory_space<vmem>>, vector<16xi32>,
        %parallel_loop3A_496 = vector.bitcast %parallel_loop3A_495 : vector<16xi32> to vector<32xbf16>
        %parallel_loop3A_497 = tpu.unpack_subelements %parallel_loop3A_496, 0 {pack_format = #tpu.pack_format<interleaved>} : vector<32xbf16> -> vector<16xf32>
        %parallel_loop3A_498 = tpu.unpack_subelements %parallel_loop3A_496, 1 {pack_format = #tpu.pack_format<interleaved>} : vector<32xbf16> -> vector<16xf32>
        %parallel_loop3A_499 = arith.constant 1 : i32
        %parallel_loop3A_500 = arith.index_cast %parallel_loop3A_499 : i32 to index
        %parallel_loop3A_501 = arith.index_cast %parallel_loop3A_454 : i32 to index
        %parallel_loop3A_502 = arith.constant 64 : index
        %parallel_loop3A_503 = tpu.vector_load %arg9[%parallel_loop3A_500, %parallel_loop3A_501, %parallel_loop3A_502] {strides = array<i32>} : memref<2x128x128xf32, #tpu.memory_space<vmem>>, vector<16xf32>,
        tpu.vector_store %arg9[%parallel_loop3A_500, %parallel_loop3A_501, %parallel_loop3A_502], %parallel_loop3A_497 {strides = array<i32>} : memref<2x128x128xf32, #tpu.memory_space<vmem>>, vector<16xf32>,
        %parallel_loop3A_504 = arith.constant 1 : i32
        %parallel_loop3A_505 = arith.index_cast %parallel_loop3A_504 : i32 to index
        %parallel_loop3A_506 = arith.index_cast %parallel_loop3A_454 : i32 to index
        %parallel_loop3A_507 = arith.constant 80 : index
        %parallel_loop3A_508 = tpu.vector_load %arg9[%parallel_loop3A_505, %parallel_loop3A_506, %parallel_loop3A_507] {strides = array<i32>} : memref<2x128x128xf32, #tpu.memory_space<vmem>>, vector<16xf32>,
        tpu.vector_store %arg9[%parallel_loop3A_505, %parallel_loop3A_506, %parallel_loop3A_507], %parallel_loop3A_498 {strides = array<i32>} : memref<2x128x128xf32, #tpu.memory_space<vmem>>, vector<16xf32>,
        %parallel_loop3A_509 = arith.constant 1 : i32
        %parallel_loop3A_510 = arith.index_cast %parallel_loop3A_509 : i32 to index
        %parallel_loop3A_511 = arith.index_cast %parallel_loop3A_454 : i32 to index
        %parallel_loop3A_512 = arith.constant 48 : index
        %parallel_loop3A_513 = tpu.vector_load %arg8[%parallel_loop3A_510, %parallel_loop3A_511, %parallel_loop3A_512] {strides = array<i32>} : memref<2x128x64xi32, #tpu.memory_space<vmem>>, vector<16xi32>,
        %parallel_loop3A_514 = vector.bitcast %parallel_loop3A_513 : vector<16xi32> to vector<32xbf16>
        %parallel_loop3A_515 = tpu.unpack_subelements %parallel_loop3A_514, 0 {pack_format = #tpu.pack_format<interleaved>} : vector<32xbf16> -> vector<16xf32>
        %parallel_loop3A_516 = tpu.unpack_subelements %parallel_loop3A_514, 1 {pack_format = #tpu.pack_format<interleaved>} : vector<32xbf16> -> vector<16xf32>
        %parallel_loop3A_517 = arith.constant 1 : i32
        %parallel_loop3A_518 = arith.index_cast %parallel_loop3A_517 : i32 to index
        %parallel_loop3A_519 = arith.index_cast %parallel_loop3A_454 : i32 to index
        %parallel_loop3A_520 = arith.constant 96 : index
        %parallel_loop3A_521 = tpu.vector_load %arg9[%parallel_loop3A_518, %parallel_loop3A_519, %parallel_loop3A_520] {strides = array<i32>} : memref<2x128x128xf32, #tpu.memory_space<vmem>>, vector<16xf32>,
        tpu.vector_store %arg9[%parallel_loop3A_518, %parallel_loop3A_519, %parallel_loop3A_520], %parallel_loop3A_515 {strides = array<i32>} : memref<2x128x128xf32, #tpu.memory_space<vmem>>, vector<16xf32>,
        %parallel_loop3A_522 = arith.constant 1 : i32
        %parallel_loop3A_523 = arith.index_cast %parallel_loop3A_522 : i32 to index
        %parallel_loop3A_524 = arith.index_cast %parallel_loop3A_454 : i32 to index
        %parallel_loop3A_525 = arith.constant 112 : index
        %parallel_loop3A_526 = tpu.vector_load %arg9[%parallel_loop3A_523, %parallel_loop3A_524, %parallel_loop3A_525] {strides = array<i32>} : memref<2x128x128xf32, #tpu.memory_space<vmem>>, vector<16xf32>,
        tpu.vector_store %arg9[%parallel_loop3A_523, %parallel_loop3A_524, %parallel_loop3A_525], %parallel_loop3A_516 {strides = array<i32>} : memref<2x128x128xf32, #tpu.memory_space<vmem>>, vector<16xf32>,
      } {sc.loop_unroll_factor = 4 : i64, sc.parallel_access}
      %dma_wait3A_429 = arith.constant 3 : i32
      %dma_wait3A_430 = arith.constant 0 : i32
      %dma_wait3A_431 = tpu.memref_slice %arg7[%dma_wait3A_429, %dma_wait3A_430] : memref<4x128xi32, #tpu.memory_space<vmem>> -> memref<1x128xi32, #tpu.memory_space<vmem>>
      %dma_wait3A_432 = tpu.memref_squeeze %dma_wait3A_431 : memref<1x128xi32, #tpu.memory_space<vmem>> -> memref<128xi32, #tpu.memory_space<vmem>>
      %dma_wait3A_433 = arith.constant 0 : i32
      %dma_wait3A_434 = tpu.memref_slice %arg4[%arg1, %add3A_394, %dma_wait3A_433] : memref<16x80x128xi32, #tpu.memory_space<hbm>> -> memref<1x1x128xi32, #tpu.memory_space<hbm>>
      %dma_wait3A_435 = tpu.memref_squeeze %dma_wait3A_434 : memref<1x1x128xi32, #tpu.memory_space<hbm>> -> memref<128xi32, #tpu.memory_space<hbm>>
      %dma_wait3A_436 = arith.constant 0 : i32
      %dma_wait3A_437 = tpu.memref_slice %arg7[%dma_wait3A_429, %dma_wait3A_436] : memref<4x128xi32, #tpu.memory_space<vmem>> -> memref<1x128xi32, #tpu.memory_space<vmem>>
      %dma_wait3A_438 = tpu.memref_squeeze %dma_wait3A_437 : memref<1x128xi32, #tpu.memory_space<vmem>> -> memref<128xi32, #tpu.memory_space<vmem>>
      %dma_wait3A_439 = arith.constant 0 : i32
      %dma_wait3A_440 = tpu.memref_slice %arg4[%arg1, %add3A_394, %dma_wait3A_439] : memref<16x80x128xi32, #tpu.memory_space<hbm>> -> memref<1x1x128xi32, #tpu.memory_space<hbm>>
      %dma_wait3A_441 = tpu.memref_squeeze %dma_wait3A_440 : memref<1x1x128xi32, #tpu.memory_space<hbm>> -> memref<128xi32, #tpu.memory_space<hbm>>
      tpu.wait_dma2 semaphore(%arg16 : memref<!tpu.dma_semaphore, #tpu.memory_space<semaphore_mem>>) src(%dma_wait3A_441 : memref<128xi32, #tpu.memory_space<hbm>>) dst(%dma_wait3A_438 : memref<128xi32, #tpu.memory_space<vmem>>)
      %dma_start3A_442 = arith.constant 1 : i32
      %dma_start3A_443 = arith.constant 3 : i32
      %dma_start3A_444 = arith.constant 0 : i32
      %dma_start3A_445 = arith.constant 0 : i32
      %dma_start3A_446 = tpu.memref_slice %arg9[%dma_start3A_442, %dma_start3A_444, %dma_start3A_445] : memref<2x128x128xf32, #tpu.memory_space<vmem>> -> memref<1x128x128xf32, #tpu.memory_space<vmem>>
      %dma_start3A_447 = tpu.memref_squeeze %dma_start3A_446 : memref<1x128x128xf32, #tpu.memory_space<vmem>> -> memref<128x128xf32, #tpu.memory_space<vmem>>
      %dma_start3A_448 = arith.constant 0 : i32
      %dma_start3A_449 = tpu.memref_slice %arg7[%dma_start3A_443, %dma_start3A_448] : memref<4x128xi32, #tpu.memory_space<vmem>> -> memref<1x128xi32, #tpu.memory_space<vmem>>
      %dma_start3A_450 = tpu.memref_squeeze %dma_start3A_449 : memref<1x128xi32, #tpu.memory_space<vmem>> -> memref<128xi32, #tpu.memory_space<vmem>>
      %dma_start3A_451 = arith.constant 0 : i32
      %dma_start3A_452 = arith.constant 0 : i32
      %dma_start3A_453 = tpu.memref_slice %arg10[%dma_start3A_451, %dma_start3A_452] : memref<10112x128xf32, #tpu.memory_space<vmem_shared>> -> memref<10112x128xf32, #tpu.memory_space<vmem_shared>>
      tpu.enqueue_indirect_dma source(%dma_start3A_447 : memref<128x128xf32, #tpu.memory_space<vmem>>) target(%dma_start3A_453 : memref<10112x128xf32, #tpu.memory_space<vmem_shared>>) offsets(%dma_start3A_450 : memref<128xi32, #tpu.memory_space<vmem>>) semaphore(%arg20 : memref<!tpu.dma_semaphore, #tpu.memory_space<semaphore_mem>>) {add = true}
    }
    %scan3A_140 = arith.constant 20 : i32
    %dma_wait3A_141 = arith.constant 0 : i32
    %dma_wait3A_142 = arith.constant 2 : i32
    %dma_wait3A_143 = arith.constant 0 : i32
    %dma_wait3A_144 = arith.constant 0 : i32
    %dma_wait3A_145 = tpu.memref_slice %arg9[%dma_wait3A_141, %dma_wait3A_143, %dma_wait3A_144] : memref<2x128x128xf32, #tpu.memory_space<vmem>> -> memref<1x128x128xf32, #tpu.memory_space<vmem>>
    %dma_wait3A_146 = tpu.memref_squeeze %dma_wait3A_145 : memref<1x128x128xf32, #tpu.memory_space<vmem>> -> memref<128x128xf32, #tpu.memory_space<vmem>>
    %dma_wait3A_147 = arith.constant 0 : i32
    %dma_wait3A_148 = tpu.memref_slice %arg7[%dma_wait3A_142, %dma_wait3A_147] : memref<4x128xi32, #tpu.memory_space<vmem>> -> memref<1x128xi32, #tpu.memory_space<vmem>>
    %dma_wait3A_149 = tpu.memref_squeeze %dma_wait3A_148 : memref<1x128xi32, #tpu.memory_space<vmem>> -> memref<128xi32, #tpu.memory_space<vmem>>
    %dma_wait3A_150 = arith.constant 0 : i32
    %dma_wait3A_151 = arith.constant 0 : i32
    %dma_wait3A_152 = tpu.memref_slice %arg10[%dma_wait3A_150, %dma_wait3A_151] : memref<10112x128xf32, #tpu.memory_space<vmem_shared>> -> memref<10112x128xf32, #tpu.memory_space<vmem_shared>>
    tpu.wait_indirect_dma semaphore(%arg19 : memref<!tpu.dma_semaphore, #tpu.memory_space<semaphore_mem>>) src(%dma_wait3A_146 : memref<128x128xf32, #tpu.memory_space<vmem>>) dst(%dma_wait3A_152 : memref<10112x128xf32, #tpu.memory_space<vmem_shared>>)
    %dma_wait3A_153 = arith.constant 1 : i32
    %dma_wait3A_154 = arith.constant 3 : i32
    %dma_wait3A_155 = arith.constant 0 : i32
    %dma_wait3A_156 = arith.constant 0 : i32
    %dma_wait3A_157 = tpu.memref_slice %arg9[%dma_wait3A_153, %dma_wait3A_155, %dma_wait3A_156] : memref<2x128x128xf32, #tpu.memory_space<vmem>> -> memref<1x128x128xf32, #tpu.memory_space<vmem>>
    %dma_wait3A_158 = tpu.memref_squeeze %dma_wait3A_157 : memref<1x128x128xf32, #tpu.memory_space<vmem>> -> memref<128x128xf32, #tpu.memory_space<vmem>>
    %dma_wait3A_159 = arith.constant 0 : i32
    %dma_wait3A_160 = tpu.memref_slice %arg7[%dma_wait3A_154, %dma_wait3A_159] : memref<4x128xi32, #tpu.memory_space<vmem>> -> memref<1x128xi32, #tpu.memory_space<vmem>>
    %dma_wait3A_161 = tpu.memref_squeeze %dma_wait3A_160 : memref<1x128xi32, #tpu.memory_space<vmem>> -> memref<128xi32, #tpu.memory_space<vmem>>
    %dma_wait3A_162 = arith.constant 0 : i32
    %dma_wait3A_163 = arith.constant 0 : i32
    %dma_wait3A_164 = tpu.memref_slice %arg10[%dma_wait3A_162, %dma_wait3A_163] : memref<10112x128xf32, #tpu.memory_space<vmem_shared>> -> memref<10112x128xf32, #tpu.memory_space<vmem_shared>>
    tpu.wait_indirect_dma semaphore(%arg20 : memref<!tpu.dma_semaphore, #tpu.memory_space<semaphore_mem>>) src(%dma_wait3A_158 : memref<128x128xf32, #tpu.memory_space<vmem>>) dst(%dma_wait3A_164 : memref<10112x128xf32, #tpu.memory_space<vmem_shared>>)
    %barrier3A_165 = arith.constant 0 : index
    tpu.barrier barrier_id(%barrier3A_165)
    %mul3A_166 = arith.constant 632 : i32
    %mul3A_167 = arith.muli %arg1, %mul3A_166 : i32
    %add3A_168 = arith.constant 0 : i32
    %add3A_169 = arith.addi %mul3A_167, %add3A_168 : i32
    %mul3A_170 = arith.constant 632 : i32
    %mul3A_171 = arith.muli %arg1, %mul3A_170 : i32
    %add3A_172 = arith.constant 0 : i32
    %add3A_173 = arith.addi %mul3A_171, %add3A_172 : i32
    "tpu.region"() ({
      %run_scoped3A_206 = tpu.sem_alloc : memref<!tpu.dma_semaphore, #tpu.memory_space<semaphore_mem>>
      %dma_start3A_207 = arith.constant 0 : i32
      %dma_start3A_208 = tpu.memref_slice %arg5[%arg0, %add3A_173, %dma_start3A_207] : memref<2x10112x128xf32, #tpu.memory_space<hbm>> -> memref<1x128x128xf32, #tpu.memory_space<hbm>>
      %dma_start3A_209 = tpu.memref_squeeze %dma_start3A_208 : memref<1x128x128xf32, #tpu.memory_space<hbm>> -> memref<128x128xf32, #tpu.memory_space<hbm>>
      %dma_start3A_210 = arith.constant 0 : i32
      %dma_start3A_211 = tpu.memref_slice %arg10[%add3A_169, %dma_start3A_210] : memref<10112x128xf32, #tpu.memory_space<vmem_shared>> -> memref<128x128xf32, #tpu.memory_space<vmem_shared>>
      tpu.enqueue_dma source(%dma_start3A_211 : memref<128x128xf32, #tpu.memory_space<vmem_shared>>) target(%dma_start3A_209 : memref<128x128xf32, #tpu.memory_space<hbm>>) target_semaphore(%run_scoped3A_206 : memref<!tpu.dma_semaphore, #tpu.memory_space<semaphore_mem>>)
      %dma_wait3A_212 = arith.constant 0 : i32
      %dma_wait3A_213 = tpu.memref_slice %arg5[%arg0, %add3A_173, %dma_wait3A_212] : memref<2x10112x128xf32, #tpu.memory_space<hbm>> -> memref<1x128x128xf32, #tpu.memory_space<hbm>>
      %dma_wait3A_214 = tpu.memref_squeeze %dma_wait3A_213 : memref<1x128x128xf32, #tpu.memory_space<hbm>> -> memref<128x128xf32, #tpu.memory_space<hbm>>
      %dma_wait3A_215 = arith.constant 0 : i32
      %dma_wait3A_216 = tpu.memref_slice %arg10[%add3A_169, %dma_wait3A_215] : memref<10112x128xf32, #tpu.memory_space<vmem_shared>> -> memref<128x128xf32, #tpu.memory_space<vmem_shared>>
      tpu.wait_dma2 semaphore(%run_scoped3A_206 : memref<!tpu.dma_semaphore, #tpu.memory_space<semaphore_mem>>) src(%dma_wait3A_216 : memref<128x128xf32, #tpu.memory_space<vmem_shared>>) dst(%dma_wait3A_214 : memref<128x128xf32, #tpu.memory_space<hbm>>)
      tpu.yield
    }) : () -> ()
    %mul3A_174 = arith.constant 632 : i32
    %mul3A_175 = arith.muli %arg1, %mul3A_174 : i32
    %add3A_176 = arith.constant 128 : i32
    %add3A_177 = arith.addi %mul3A_175, %add3A_176 : i32
    %mul3A_178 = arith.constant 632 : i32
    %mul3A_179 = arith.muli %arg1, %mul3A_178 : i32
    %add3A_180 = arith.constant 128 : i32
    %add3A_181 = arith.addi %mul3A_179, %add3A_180 : i32
    "tpu.region"() ({
      %run_scoped3A_206 = tpu.sem_alloc : memref<!tpu.dma_semaphore, #tpu.memory_space<semaphore_mem>>
      %dma_start3A_207 = arith.constant 0 : i32
      %dma_start3A_208 = tpu.memref_slice %arg5[%arg0, %add3A_181, %dma_start3A_207] : memref<2x10112x128xf32, #tpu.memory_space<hbm>> -> memref<1x128x128xf32, #tpu.memory_space<hbm>>
      %dma_start3A_209 = tpu.memref_squeeze %dma_start3A_208 : memref<1x128x128xf32, #tpu.memory_space<hbm>> -> memref<128x128xf32, #tpu.memory_space<hbm>>
      %dma_start3A_210 = arith.constant 0 : i32
      %dma_start3A_211 = tpu.memref_slice %arg10[%add3A_177, %dma_start3A_210] : memref<10112x128xf32, #tpu.memory_space<vmem_shared>> -> memref<128x128xf32, #tpu.memory_space<vmem_shared>>
      tpu.enqueue_dma source(%dma_start3A_211 : memref<128x128xf32, #tpu.memory_space<vmem_shared>>) target(%dma_start3A_209 : memref<128x128xf32, #tpu.memory_space<hbm>>) target_semaphore(%run_scoped3A_206 : memref<!tpu.dma_semaphore, #tpu.memory_space<semaphore_mem>>)
      %dma_wait3A_212 = arith.constant 0 : i32
      %dma_wait3A_213 = tpu.memref_slice %arg5[%arg0, %add3A_181, %dma_wait3A_212] : memref<2x10112x128xf32, #tpu.memory_space<hbm>> -> memref<1x128x128xf32, #tpu.memory_space<hbm>>
      %dma_wait3A_214 = tpu.memref_squeeze %dma_wait3A_213 : memref<1x128x128xf32, #tpu.memory_space<hbm>> -> memref<128x128xf32, #tpu.memory_space<hbm>>
      %dma_wait3A_215 = arith.constant 0 : i32
      %dma_wait3A_216 = tpu.memref_slice %arg10[%add3A_177, %dma_wait3A_215] : memref<10112x128xf32, #tpu.memory_space<vmem_shared>> -> memref<128x128xf32, #tpu.memory_space<vmem_shared>>
      tpu.wait_dma2 semaphore(%run_scoped3A_206 : memref<!tpu.dma_semaphore, #tpu.memory_space<semaphore_mem>>) src(%dma_wait3A_216 : memref<128x128xf32, #tpu.memory_space<vmem_shared>>) dst(%dma_wait3A_214 : memref<128x128xf32, #tpu.memory_space<hbm>>)
      tpu.yield
    }) : () -> ()
    %mul3A_182 = arith.constant 632 : i32
    %mul3A_183 = arith.muli %arg1, %mul3A_182 : i32
    %add3A_184 = arith.constant 256 : i32
    %add3A_185 = arith.addi %mul3A_183, %add3A_184 : i32
    %mul3A_186 = arith.constant 632 : i32
    %mul3A_187 = arith.muli %arg1, %mul3A_186 : i32
    %add3A_188 = arith.constant 256 : i32
    %add3A_189 = arith.addi %mul3A_187, %add3A_188 : i32
    "tpu.region"() ({
      %run_scoped3A_206 = tpu.sem_alloc : memref<!tpu.dma_semaphore, #tpu.memory_space<semaphore_mem>>
      %dma_start3A_207 = arith.constant 0 : i32
      %dma_start3A_208 = tpu.memref_slice %arg5[%arg0, %add3A_189, %dma_start3A_207] : memref<2x10112x128xf32, #tpu.memory_space<hbm>> -> memref<1x128x128xf32, #tpu.memory_space<hbm>>
      %dma_start3A_209 = tpu.memref_squeeze %dma_start3A_208 : memref<1x128x128xf32, #tpu.memory_space<hbm>> -> memref<128x128xf32, #tpu.memory_space<hbm>>
      %dma_start3A_210 = arith.constant 0 : i32
      %dma_start3A_211 = tpu.memref_slice %arg10[%add3A_185, %dma_start3A_210] : memref<10112x128xf32, #tpu.memory_space<vmem_shared>> -> memref<128x128xf32, #tpu.memory_space<vmem_shared>>
      tpu.enqueue_dma source(%dma_start3A_211 : memref<128x128xf32, #tpu.memory_space<vmem_shared>>) target(%dma_start3A_209 : memref<128x128xf32, #tpu.memory_space<hbm>>) target_semaphore(%run_scoped3A_206 : memref<!tpu.dma_semaphore, #tpu.memory_space<semaphore_mem>>)
      %dma_wait3A_212 = arith.constant 0 : i32
      %dma_wait3A_213 = tpu.memref_slice %arg5[%arg0, %add3A_189, %dma_wait3A_212] : memref<2x10112x128xf32, #tpu.memory_space<hbm>> -> memref<1x128x128xf32, #tpu.memory_space<hbm>>
      %dma_wait3A_214 = tpu.memref_squeeze %dma_wait3A_213 : memref<1x128x128xf32, #tpu.memory_space<hbm>> -> memref<128x128xf32, #tpu.memory_space<hbm>>
      %dma_wait3A_215 = arith.constant 0 : i32
      %dma_wait3A_216 = tpu.memref_slice %arg10[%add3A_185, %dma_wait3A_215] : memref<10112x128xf32, #tpu.memory_space<vmem_shared>> -> memref<128x128xf32, #tpu.memory_space<vmem_shared>>
      tpu.wait_dma2 semaphore(%run_scoped3A_206 : memref<!tpu.dma_semaphore, #tpu.memory_space<semaphore_mem>>) src(%dma_wait3A_216 : memref<128x128xf32, #tpu.memory_space<vmem_shared>>) dst(%dma_wait3A_214 : memref<128x128xf32, #tpu.memory_space<hbm>>)
      tpu.yield
    }) : () -> ()
    %mul3A_190 = arith.constant 632 : i32
    %mul3A_191 = arith.muli %arg1, %mul3A_190 : i32
    %add3A_192 = arith.constant 384 : i32
    %add3A_193 = arith.addi %mul3A_191, %add3A_192 : i32
    %mul3A_194 = arith.constant 632 : i32
    %mul3A_195 = arith.muli %arg1, %mul3A_194 : i32
    %add3A_196 = arith.constant 384 : i32
    %add3A_197 = arith.addi %mul3A_195, %add3A_196 : i32
    "tpu.region"() ({
      %run_scoped3A_206 = tpu.sem_alloc : memref<!tpu.dma_semaphore, #tpu.memory_space<semaphore_mem>>
      %dma_start3A_207 = arith.constant 0 : i32
      %dma_start3A_208 = tpu.memref_slice %arg5[%arg0, %add3A_197, %dma_start3A_207] : memref<2x10112x128xf32, #tpu.memory_space<hbm>> -> memref<1x128x128xf32, #tpu.memory_space<hbm>>
      %dma_start3A_209 = tpu.memref_squeeze %dma_start3A_208 : memref<1x128x128xf32, #tpu.memory_space<hbm>> -> memref<128x128xf32, #tpu.memory_space<hbm>>
      %dma_start3A_210 = arith.constant 0 : i32
      %dma_start3A_211 = tpu.memref_slice %arg10[%add3A_193, %dma_start3A_210] : memref<10112x128xf32, #tpu.memory_space<vmem_shared>> -> memref<128x128xf32, #tpu.memory_space<vmem_shared>>
      tpu.enqueue_dma source(%dma_start3A_211 : memref<128x128xf32, #tpu.memory_space<vmem_shared>>) target(%dma_start3A_209 : memref<128x128xf32, #tpu.memory_space<hbm>>) target_semaphore(%run_scoped3A_206 : memref<!tpu.dma_semaphore, #tpu.memory_space<semaphore_mem>>)
      %dma_wait3A_212 = arith.constant 0 : i32
      %dma_wait3A_213 = tpu.memref_slice %arg5[%arg0, %add3A_197, %dma_wait3A_212] : memref<2x10112x128xf32, #tpu.memory_space<hbm>> -> memref<1x128x128xf32, #tpu.memory_space<hbm>>
      %dma_wait3A_214 = tpu.memref_squeeze %dma_wait3A_213 : memref<1x128x128xf32, #tpu.memory_space<hbm>> -> memref<128x128xf32, #tpu.memory_space<hbm>>
      %dma_wait3A_215 = arith.constant 0 : i32
      %dma_wait3A_216 = tpu.memref_slice %arg10[%add3A_193, %dma_wait3A_215] : memref<10112x128xf32, #tpu.memory_space<vmem_shared>> -> memref<128x128xf32, #tpu.memory_space<vmem_shared>>
      tpu.wait_dma2 semaphore(%run_scoped3A_206 : memref<!tpu.dma_semaphore, #tpu.memory_space<semaphore_mem>>) src(%dma_wait3A_216 : memref<128x128xf32, #tpu.memory_space<vmem_shared>>) dst(%dma_wait3A_214 : memref<128x128xf32, #tpu.memory_space<hbm>>)
      tpu.yield
    }) : () -> ()
    %mul3A_198 = arith.constant 632 : i32
    %mul3A_199 = arith.muli %arg1, %mul3A_198 : i32
    %add3A_200 = arith.constant 512 : i32
    %add3A_201 = arith.addi %mul3A_199, %add3A_200 : i32
    %mul3A_202 = arith.constant 632 : i32
    %mul3A_203 = arith.muli %arg1, %mul3A_202 : i32
    %add3A_204 = arith.constant 512 : i32
    %add3A_205 = arith.addi %mul3A_203, %add3A_204 : i32
    "tpu.region"() ({
      %run_scoped3A_206 = tpu.sem_alloc : memref<!tpu.dma_semaphore, #tpu.memory_space<semaphore_mem>>
      %dma_start3A_207 = arith.constant 0 : i32
      %dma_start3A_208 = tpu.memref_slice %arg5[%arg0, %add3A_205, %dma_start3A_207] : memref<2x10112x128xf32, #tpu.memory_space<hbm>> -> memref<1x120x128xf32, #tpu.memory_space<hbm>>
      %dma_start3A_209 = tpu.memref_squeeze %dma_start3A_208 : memref<1x120x128xf32, #tpu.memory_space<hbm>> -> memref<120x128xf32, #tpu.memory_space<hbm>>
      %dma_start3A_210 = arith.constant 0 : i32
      %dma_start3A_211 = tpu.memref_slice %arg10[%add3A_201, %dma_start3A_210] : memref<10112x128xf32, #tpu.memory_space<vmem_shared>> -> memref<120x128xf32, #tpu.memory_space<vmem_shared>>
      tpu.enqueue_dma source(%dma_start3A_211 : memref<120x128xf32, #tpu.memory_space<vmem_shared>>) target(%dma_start3A_209 : memref<120x128xf32, #tpu.memory_space<hbm>>) target_semaphore(%run_scoped3A_206 : memref<!tpu.dma_semaphore, #tpu.memory_space<semaphore_mem>>)
      %dma_wait3A_212 = arith.constant 0 : i32
      %dma_wait3A_213 = tpu.memref_slice %arg5[%arg0, %add3A_205, %dma_wait3A_212] : memref<2x10112x128xf32, #tpu.memory_space<hbm>> -> memref<1x120x128xf32, #tpu.memory_space<hbm>>
      %dma_wait3A_214 = tpu.memref_squeeze %dma_wait3A_213 : memref<1x120x128xf32, #tpu.memory_space<hbm>> -> memref<120x128xf32, #tpu.memory_space<hbm>>
      %dma_wait3A_215 = arith.constant 0 : i32
      %dma_wait3A_216 = tpu.memref_slice %arg10[%add3A_201, %dma_wait3A_215] : memref<10112x128xf32, #tpu.memory_space<vmem_shared>> -> memref<120x128xf32, #tpu.memory_space<vmem_shared>>
      tpu.wait_dma2 semaphore(%run_scoped3A_206 : memref<!tpu.dma_semaphore, #tpu.memory_space<semaphore_mem>>) src(%dma_wait3A_216 : memref<120x128xf32, #tpu.memory_space<vmem_shared>>) dst(%dma_wait3A_214 : memref<120x128xf32, #tpu.memory_space<hbm>>)
      tpu.yield
    }) : () -> ()
    return
  }
}

#map = affine_map<(d0, d1) -> (0, 0, 0)>
#map1 = affine_map<(d0, d1) -> (0, 0)>
module attributes {stable_mosaic.version = 14 : i64} {
  func.func @_deg_body(%arg0: i32, %arg1: i32, %arg2: memref<32x40x128xi32, #tpu.memory_space<hbm>>, %arg3: memref<2x10112xf32, #tpu.memory_space<hbm>>, %arg4: memref<40x128xi32, #tpu.memory_space<vmem>>, %arg5: memref<128xf32, #tpu.memory_space<vmem>>, %arg6: memref<640xf32, #tpu.memory_space<vmem>>, %arg7: memref<10112xf32, #tpu.memory_space<vmem_shared>>) attributes {dimension_semantics = [#tpu.dimension_semantics<core_parallel>, #tpu.dimension_semantics<subcore_parallel>], iteration_bounds = array<i64: 2, 16>, scalar_prefetch = 0 : i64, scratch_operands = 4 : i64, tpu.core_type = #tpu.core_type<sc_vector_subcore>, window_params = [{transform_indices = #map}, {transform_indices = #map1}]} {
    %mul3A = arith.constant 16 : i32
    %mul3A_0 = arith.muli %arg0, %mul3A : i32
    %add3A = arith.addi %mul3A_0, %arg1 : i32
    %broadcast_in_dim3A = arith.constant 1.000000e+00 : f32
    %broadcast_in_dim3A_1 = vector.broadcast %broadcast_in_dim3A : f32 to vector<16xf32>
    %swap3A = arith.constant 0 : index
    %swap3A_2 = tpu.vector_load %arg5[%swap3A] {strides = array<i32>} : memref<128xf32, #tpu.memory_space<vmem>>, vector<16xf32>,
    %swap3A_3 = vector.shape_cast %swap3A_2 : vector<16xf32> to vector<16xf32>
    %swap3A_4 = vector.shape_cast %broadcast_in_dim3A_1 : vector<16xf32> to vector<16xf32>
    tpu.vector_store %arg5[%swap3A], %swap3A_4 {strides = array<i32>} : memref<128xf32, #tpu.memory_space<vmem>>, vector<16xf32>,
    %broadcast_in_dim3A_5 = arith.constant 1.000000e+00 : f32
    %broadcast_in_dim3A_6 = vector.broadcast %broadcast_in_dim3A_5 : f32 to vector<16xf32>
    %swap3A_7 = arith.constant 16 : index
    %swap3A_8 = tpu.vector_load %arg5[%swap3A_7] {strides = array<i32>} : memref<128xf32, #tpu.memory_space<vmem>>, vector<16xf32>,
    %swap3A_9 = vector.shape_cast %swap3A_8 : vector<16xf32> to vector<16xf32>
    %swap3A_10 = vector.shape_cast %broadcast_in_dim3A_6 : vector<16xf32> to vector<16xf32>
    tpu.vector_store %arg5[%swap3A_7], %swap3A_10 {strides = array<i32>} : memref<128xf32, #tpu.memory_space<vmem>>, vector<16xf32>,
    %broadcast_in_dim3A_11 = arith.constant 1.000000e+00 : f32
    %broadcast_in_dim3A_12 = vector.broadcast %broadcast_in_dim3A_11 : f32 to vector<16xf32>
    %swap3A_13 = arith.constant 32 : index
    %swap3A_14 = tpu.vector_load %arg5[%swap3A_13] {strides = array<i32>} : memref<128xf32, #tpu.memory_space<vmem>>, vector<16xf32>,
    %swap3A_15 = vector.shape_cast %swap3A_14 : vector<16xf32> to vector<16xf32>
    %swap3A_16 = vector.shape_cast %broadcast_in_dim3A_12 : vector<16xf32> to vector<16xf32>
    tpu.vector_store %arg5[%swap3A_13], %swap3A_16 {strides = array<i32>} : memref<128xf32, #tpu.memory_space<vmem>>, vector<16xf32>,
    %broadcast_in_dim3A_17 = arith.constant 1.000000e+00 : f32
    %broadcast_in_dim3A_18 = vector.broadcast %broadcast_in_dim3A_17 : f32 to vector<16xf32>
    %swap3A_19 = arith.constant 48 : index
    %swap3A_20 = tpu.vector_load %arg5[%swap3A_19] {strides = array<i32>} : memref<128xf32, #tpu.memory_space<vmem>>, vector<16xf32>,
    %swap3A_21 = vector.shape_cast %swap3A_20 : vector<16xf32> to vector<16xf32>
    %swap3A_22 = vector.shape_cast %broadcast_in_dim3A_18 : vector<16xf32> to vector<16xf32>
    tpu.vector_store %arg5[%swap3A_19], %swap3A_22 {strides = array<i32>} : memref<128xf32, #tpu.memory_space<vmem>>, vector<16xf32>,
    %broadcast_in_dim3A_23 = arith.constant 1.000000e+00 : f32
    %broadcast_in_dim3A_24 = vector.broadcast %broadcast_in_dim3A_23 : f32 to vector<16xf32>
    %swap3A_25 = arith.constant 64 : index
    %swap3A_26 = tpu.vector_load %arg5[%swap3A_25] {strides = array<i32>} : memref<128xf32, #tpu.memory_space<vmem>>, vector<16xf32>,
    %swap3A_27 = vector.shape_cast %swap3A_26 : vector<16xf32> to vector<16xf32>
    %swap3A_28 = vector.shape_cast %broadcast_in_dim3A_24 : vector<16xf32> to vector<16xf32>
    tpu.vector_store %arg5[%swap3A_25], %swap3A_28 {strides = array<i32>} : memref<128xf32, #tpu.memory_space<vmem>>, vector<16xf32>,
    %broadcast_in_dim3A_29 = arith.constant 1.000000e+00 : f32
    %broadcast_in_dim3A_30 = vector.broadcast %broadcast_in_dim3A_29 : f32 to vector<16xf32>
    %swap3A_31 = arith.constant 80 : index
    %swap3A_32 = tpu.vector_load %arg5[%swap3A_31] {strides = array<i32>} : memref<128xf32, #tpu.memory_space<vmem>>, vector<16xf32>,
    %swap3A_33 = vector.shape_cast %swap3A_32 : vector<16xf32> to vector<16xf32>
    %swap3A_34 = vector.shape_cast %broadcast_in_dim3A_30 : vector<16xf32> to vector<16xf32>
    tpu.vector_store %arg5[%swap3A_31], %swap3A_34 {strides = array<i32>} : memref<128xf32, #tpu.memory_space<vmem>>, vector<16xf32>,
    %broadcast_in_dim3A_35 = arith.constant 1.000000e+00 : f32
    %broadcast_in_dim3A_36 = vector.broadcast %broadcast_in_dim3A_35 : f32 to vector<16xf32>
    %swap3A_37 = arith.constant 96 : index
    %swap3A_38 = tpu.vector_load %arg5[%swap3A_37] {strides = array<i32>} : memref<128xf32, #tpu.memory_space<vmem>>, vector<16xf32>,
    %swap3A_39 = vector.shape_cast %swap3A_38 : vector<16xf32> to vector<16xf32>
    %swap3A_40 = vector.shape_cast %broadcast_in_dim3A_36 : vector<16xf32> to vector<16xf32>
    tpu.vector_store %arg5[%swap3A_37], %swap3A_40 {strides = array<i32>} : memref<128xf32, #tpu.memory_space<vmem>>, vector<16xf32>,
    %broadcast_in_dim3A_41 = arith.constant 1.000000e+00 : f32
    %broadcast_in_dim3A_42 = vector.broadcast %broadcast_in_dim3A_41 : f32 to vector<16xf32>
    %swap3A_43 = arith.constant 112 : index
    %swap3A_44 = tpu.vector_load %arg5[%swap3A_43] {strides = array<i32>} : memref<128xf32, #tpu.memory_space<vmem>>, vector<16xf32>,
    %swap3A_45 = vector.shape_cast %swap3A_44 : vector<16xf32> to vector<16xf32>
    %swap3A_46 = vector.shape_cast %broadcast_in_dim3A_42 : vector<16xf32> to vector<16xf32>
    tpu.vector_store %arg5[%swap3A_43], %swap3A_46 {strides = array<i32>} : memref<128xf32, #tpu.memory_space<vmem>>, vector<16xf32>,
    %broadcast_in_dim3A_47 = arith.constant 0.000000e+00 : f32
    %broadcast_in_dim3A_48 = vector.broadcast %broadcast_in_dim3A_47 : f32 to vector<16xf32>
    %swap3A_49 = arith.constant 0 : index
    %swap3A_50 = tpu.vector_load %arg6[%swap3A_49] {strides = array<i32>} : memref<640xf32, #tpu.memory_space<vmem>>, vector<16xf32>,
    %swap3A_51 = vector.shape_cast %swap3A_50 : vector<16xf32> to vector<16xf32>
    %swap3A_52 = vector.shape_cast %broadcast_in_dim3A_48 : vector<16xf32> to vector<16xf32>
    tpu.vector_store %arg6[%swap3A_49], %swap3A_52 {strides = array<i32>} : memref<640xf32, #tpu.memory_space<vmem>>, vector<16xf32>,
    %broadcast_in_dim3A_53 = arith.constant 0.000000e+00 : f32
    %broadcast_in_dim3A_54 = vector.broadcast %broadcast_in_dim3A_53 : f32 to vector<16xf32>
    %swap3A_55 = arith.constant 16 : index
    %swap3A_56 = tpu.vector_load %arg6[%swap3A_55] {strides = array<i32>} : memref<640xf32, #tpu.memory_space<vmem>>, vector<16xf32>,
    %swap3A_57 = vector.shape_cast %swap3A_56 : vector<16xf32> to vector<16xf32>
    %swap3A_58 = vector.shape_cast %broadcast_in_dim3A_54 : vector<16xf32> to vector<16xf32>
    tpu.vector_store %arg6[%swap3A_55], %swap3A_58 {strides = array<i32>} : memref<640xf32, #tpu.memory_space<vmem>>, vector<16xf32>,
    %broadcast_in_dim3A_59 = arith.constant 0.000000e+00 : f32
    %broadcast_in_dim3A_60 = vector.broadcast %broadcast_in_dim3A_59 : f32 to vector<16xf32>
    %swap3A_61 = arith.constant 32 : index
    %swap3A_62 = tpu.vector_load %arg6[%swap3A_61] {strides = array<i32>} : memref<640xf32, #tpu.memory_space<vmem>>, vector<16xf32>,
    %swap3A_63 = vector.shape_cast %swap3A_62 : vector<16xf32> to vector<16xf32>
    %swap3A_64 = vector.shape_cast %broadcast_in_dim3A_60 : vector<16xf32> to vector<16xf32>
    tpu.vector_store %arg6[%swap3A_61], %swap3A_64 {strides = array<i32>} : memref<640xf32, #tpu.memory_space<vmem>>, vector<16xf32>,
    %broadcast_in_dim3A_65 = arith.constant 0.000000e+00 : f32
    %broadcast_in_dim3A_66 = vector.broadcast %broadcast_in_dim3A_65 : f32 to vector<16xf32>
    %swap3A_67 = arith.constant 48 : index
    %swap3A_68 = tpu.vector_load %arg6[%swap3A_67] {strides = array<i32>} : memref<640xf32, #tpu.memory_space<vmem>>, vector<16xf32>,
    %swap3A_69 = vector.shape_cast %swap3A_68 : vector<16xf32> to vector<16xf32>
    %swap3A_70 = vector.shape_cast %broadcast_in_dim3A_66 : vector<16xf32> to vector<16xf32>
    tpu.vector_store %arg6[%swap3A_67], %swap3A_70 {strides = array<i32>} : memref<640xf32, #tpu.memory_space<vmem>>, vector<16xf32>,
    %broadcast_in_dim3A_71 = arith.constant 0.000000e+00 : f32
    %broadcast_in_dim3A_72 = vector.broadcast %broadcast_in_dim3A_71 : f32 to vector<16xf32>
    %swap3A_73 = arith.constant 64 : index
    %swap3A_74 = tpu.vector_load %arg6[%swap3A_73] {strides = array<i32>} : memref<640xf32, #tpu.memory_space<vmem>>, vector<16xf32>,
    %swap3A_75 = vector.shape_cast %swap3A_74 : vector<16xf32> to vector<16xf32>
    %swap3A_76 = vector.shape_cast %broadcast_in_dim3A_72 : vector<16xf32> to vector<16xf32>
    tpu.vector_store %arg6[%swap3A_73], %swap3A_76 {strides = array<i32>} : memref<640xf32, #tpu.memory_space<vmem>>, vector<16xf32>,
    %broadcast_in_dim3A_77 = arith.constant 0.000000e+00 : f32
    %broadcast_in_dim3A_78 = vector.broadcast %broadcast_in_dim3A_77 : f32 to vector<16xf32>
    %swap3A_79 = arith.constant 80 : index
    %swap3A_80 = tpu.vector_load %arg6[%swap3A_79] {strides = array<i32>} : memref<640xf32, #tpu.memory_space<vmem>>, vector<16xf32>,
    %swap3A_81 = vector.shape_cast %swap3A_80 : vector<16xf32> to vector<16xf32>
    %swap3A_82 = vector.shape_cast %broadcast_in_dim3A_78 : vector<16xf32> to vector<16xf32>
    tpu.vector_store %arg6[%swap3A_79], %swap3A_82 {strides = array<i32>} : memref<640xf32, #tpu.memory_space<vmem>>, vector<16xf32>,
    %broadcast_in_dim3A_83 = arith.constant 0.000000e+00 : f32
    %broadcast_in_dim3A_84 = vector.broadcast %broadcast_in_dim3A_83 : f32 to vector<16xf32>
    %swap3A_85 = arith.constant 96 : index
    %swap3A_86 = tpu.vector_load %arg6[%swap3A_85] {strides = array<i32>} : memref<640xf32, #tpu.memory_space<vmem>>, vector<16xf32>,
    %swap3A_87 = vector.shape_cast %swap3A_86 : vector<16xf32> to vector<16xf32>
    %swap3A_88 = vector.shape_cast %broadcast_in_dim3A_84 : vector<16xf32> to vector<16xf32>
    tpu.vector_store %arg6[%swap3A_85], %swap3A_88 {strides = array<i32>} : memref<640xf32, #tpu.memory_space<vmem>>, vector<16xf32>,
    %broadcast_in_dim3A_89 = arith.constant 0.000000e+00 : f32
    %broadcast_in_dim3A_90 = vector.broadcast %broadcast_in_dim3A_89 : f32 to vector<16xf32>
    %swap3A_91 = arith.constant 112 : index
    %swap3A_92 = tpu.vector_load %arg6[%swap3A_91] {strides = array<i32>} : memref<640xf32, #tpu.memory_space<vmem>>, vector<16xf32>,
    %swap3A_93 = vector.shape_cast %swap3A_92 : vector<16xf32> to vector<16xf32>
    %swap3A_94 = vector.shape_cast %broadcast_in_dim3A_90 : vector<16xf32> to vector<16xf32>
    tpu.vector_store %arg6[%swap3A_91], %swap3A_94 {strides = array<i32>} : memref<640xf32, #tpu.memory_space<vmem>>, vector<16xf32>,
    %broadcast_in_dim3A_95 = arith.constant 0.000000e+00 : f32
    %broadcast_in_dim3A_96 = vector.broadcast %broadcast_in_dim3A_95 : f32 to vector<16xf32>
    %swap3A_97 = arith.constant 128 : index
    %swap3A_98 = tpu.vector_load %arg6[%swap3A_97] {strides = array<i32>} : memref<640xf32, #tpu.memory_space<vmem>>, vector<16xf32>,
    %swap3A_99 = vector.shape_cast %swap3A_98 : vector<16xf32> to vector<16xf32>
    %swap3A_100 = vector.shape_cast %broadcast_in_dim3A_96 : vector<16xf32> to vector<16xf32>
    tpu.vector_store %arg6[%swap3A_97], %swap3A_100 {strides = array<i32>} : memref<640xf32, #tpu.memory_space<vmem>>, vector<16xf32>,
    %broadcast_in_dim3A_101 = arith.constant 0.000000e+00 : f32
    %broadcast_in_dim3A_102 = vector.broadcast %broadcast_in_dim3A_101 : f32 to vector<16xf32>
    %swap3A_103 = arith.constant 144 : index
    %swap3A_104 = tpu.vector_load %arg6[%swap3A_103] {strides = array<i32>} : memref<640xf32, #tpu.memory_space<vmem>>, vector<16xf32>,
    %swap3A_105 = vector.shape_cast %swap3A_104 : vector<16xf32> to vector<16xf32>
    %swap3A_106 = vector.shape_cast %broadcast_in_dim3A_102 : vector<16xf32> to vector<16xf32>
    tpu.vector_store %arg6[%swap3A_103], %swap3A_106 {strides = array<i32>} : memref<640xf32, #tpu.memory_space<vmem>>, vector<16xf32>,
    %broadcast_in_dim3A_107 = arith.constant 0.000000e+00 : f32
    %broadcast_in_dim3A_108 = vector.broadcast %broadcast_in_dim3A_107 : f32 to vector<16xf32>
    %swap3A_109 = arith.constant 160 : index
    %swap3A_110 = tpu.vector_load %arg6[%swap3A_109] {strides = array<i32>} : memref<640xf32, #tpu.memory_space<vmem>>, vector<16xf32>,
    %swap3A_111 = vector.shape_cast %swap3A_110 : vector<16xf32> to vector<16xf32>
    %swap3A_112 = vector.shape_cast %broadcast_in_dim3A_108 : vector<16xf32> to vector<16xf32>
    tpu.vector_store %arg6[%swap3A_109], %swap3A_112 {strides = array<i32>} : memref<640xf32, #tpu.memory_space<vmem>>, vector<16xf32>,
    %broadcast_in_dim3A_113 = arith.constant 0.000000e+00 : f32
    %broadcast_in_dim3A_114 = vector.broadcast %broadcast_in_dim3A_113 : f32 to vector<16xf32>
    %swap3A_115 = arith.constant 176 : index
    %swap3A_116 = tpu.vector_load %arg6[%swap3A_115] {strides = array<i32>} : memref<640xf32, #tpu.memory_space<vmem>>, vector<16xf32>,
    %swap3A_117 = vector.shape_cast %swap3A_116 : vector<16xf32> to vector<16xf32>
    %swap3A_118 = vector.shape_cast %broadcast_in_dim3A_114 : vector<16xf32> to vector<16xf32>
    tpu.vector_store %arg6[%swap3A_115], %swap3A_118 {strides = array<i32>} : memref<640xf32, #tpu.memory_space<vmem>>, vector<16xf32>,
    %broadcast_in_dim3A_119 = arith.constant 0.000000e+00 : f32
    %broadcast_in_dim3A_120 = vector.broadcast %broadcast_in_dim3A_119 : f32 to vector<16xf32>
    %swap3A_121 = arith.constant 192 : index
    %swap3A_122 = tpu.vector_load %arg6[%swap3A_121] {strides = array<i32>} : memref<640xf32, #tpu.memory_space<vmem>>, vector<16xf32>,
    %swap3A_123 = vector.shape_cast %swap3A_122 : vector<16xf32> to vector<16xf32>
    %swap3A_124 = vector.shape_cast %broadcast_in_dim3A_120 : vector<16xf32> to vector<16xf32>
    tpu.vector_store %arg6[%swap3A_121], %swap3A_124 {strides = array<i32>} : memref<640xf32, #tpu.memory_space<vmem>>, vector<16xf32>,
    %broadcast_in_dim3A_125 = arith.constant 0.000000e+00 : f32
    %broadcast_in_dim3A_126 = vector.broadcast %broadcast_in_dim3A_125 : f32 to vector<16xf32>
    %swap3A_127 = arith.constant 208 : index
    %swap3A_128 = tpu.vector_load %arg6[%swap3A_127] {strides = array<i32>} : memref<640xf32, #tpu.memory_space<vmem>>, vector<16xf32>,
    %swap3A_129 = vector.shape_cast %swap3A_128 : vector<16xf32> to vector<16xf32>
    %swap3A_130 = vector.shape_cast %broadcast_in_dim3A_126 : vector<16xf32> to vector<16xf32>
    tpu.vector_store %arg6[%swap3A_127], %swap3A_130 {strides = array<i32>} : memref<640xf32, #tpu.memory_space<vmem>>, vector<16xf32>,
    %broadcast_in_dim3A_131 = arith.constant 0.000000e+00 : f32
    %broadcast_in_dim3A_132 = vector.broadcast %broadcast_in_dim3A_131 : f32 to vector<16xf32>
    %swap3A_133 = arith.constant 224 : index
    %swap3A_134 = tpu.vector_load %arg6[%swap3A_133] {strides = array<i32>} : memref<640xf32, #tpu.memory_space<vmem>>, vector<16xf32>,
    %swap3A_135 = vector.shape_cast %swap3A_134 : vector<16xf32> to vector<16xf32>
    %swap3A_136 = vector.shape_cast %broadcast_in_dim3A_132 : vector<16xf32> to vector<16xf32>
    tpu.vector_store %arg6[%swap3A_133], %swap3A_136 {strides = array<i32>} : memref<640xf32, #tpu.memory_space<vmem>>, vector<16xf32>,
    %broadcast_in_dim3A_137 = arith.constant 0.000000e+00 : f32
    %broadcast_in_dim3A_138 = vector.broadcast %broadcast_in_dim3A_137 : f32 to vector<16xf32>
    %swap3A_139 = arith.constant 240 : index
    %swap3A_140 = tpu.vector_load %arg6[%swap3A_139] {strides = array<i32>} : memref<640xf32, #tpu.memory_space<vmem>>, vector<16xf32>,
    %swap3A_141 = vector.shape_cast %swap3A_140 : vector<16xf32> to vector<16xf32>
    %swap3A_142 = vector.shape_cast %broadcast_in_dim3A_138 : vector<16xf32> to vector<16xf32>
    tpu.vector_store %arg6[%swap3A_139], %swap3A_142 {strides = array<i32>} : memref<640xf32, #tpu.memory_space<vmem>>, vector<16xf32>,
    %broadcast_in_dim3A_143 = arith.constant 0.000000e+00 : f32
    %broadcast_in_dim3A_144 = vector.broadcast %broadcast_in_dim3A_143 : f32 to vector<16xf32>
    %swap3A_145 = arith.constant 256 : index
    %swap3A_146 = tpu.vector_load %arg6[%swap3A_145] {strides = array<i32>} : memref<640xf32, #tpu.memory_space<vmem>>, vector<16xf32>,
    %swap3A_147 = vector.shape_cast %swap3A_146 : vector<16xf32> to vector<16xf32>
    %swap3A_148 = vector.shape_cast %broadcast_in_dim3A_144 : vector<16xf32> to vector<16xf32>
    tpu.vector_store %arg6[%swap3A_145], %swap3A_148 {strides = array<i32>} : memref<640xf32, #tpu.memory_space<vmem>>, vector<16xf32>,
    %broadcast_in_dim3A_149 = arith.constant 0.000000e+00 : f32
    %broadcast_in_dim3A_150 = vector.broadcast %broadcast_in_dim3A_149 : f32 to vector<16xf32>
    %swap3A_151 = arith.constant 272 : index
    %swap3A_152 = tpu.vector_load %arg6[%swap3A_151] {strides = array<i32>} : memref<640xf32, #tpu.memory_space<vmem>>, vector<16xf32>,
    %swap3A_153 = vector.shape_cast %swap3A_152 : vector<16xf32> to vector<16xf32>
    %swap3A_154 = vector.shape_cast %broadcast_in_dim3A_150 : vector<16xf32> to vector<16xf32>
    tpu.vector_store %arg6[%swap3A_151], %swap3A_154 {strides = array<i32>} : memref<640xf32, #tpu.memory_space<vmem>>, vector<16xf32>,
    %broadcast_in_dim3A_155 = arith.constant 0.000000e+00 : f32
    %broadcast_in_dim3A_156 = vector.broadcast %broadcast_in_dim3A_155 : f32 to vector<16xf32>
    %swap3A_157 = arith.constant 288 : index
    %swap3A_158 = tpu.vector_load %arg6[%swap3A_157] {strides = array<i32>} : memref<640xf32, #tpu.memory_space<vmem>>, vector<16xf32>,
    %swap3A_159 = vector.shape_cast %swap3A_158 : vector<16xf32> to vector<16xf32>
    %swap3A_160 = vector.shape_cast %broadcast_in_dim3A_156 : vector<16xf32> to vector<16xf32>
    tpu.vector_store %arg6[%swap3A_157], %swap3A_160 {strides = array<i32>} : memref<640xf32, #tpu.memory_space<vmem>>, vector<16xf32>,
    %broadcast_in_dim3A_161 = arith.constant 0.000000e+00 : f32
    %broadcast_in_dim3A_162 = vector.broadcast %broadcast_in_dim3A_161 : f32 to vector<16xf32>
    %swap3A_163 = arith.constant 304 : index
    %swap3A_164 = tpu.vector_load %arg6[%swap3A_163] {strides = array<i32>} : memref<640xf32, #tpu.memory_space<vmem>>, vector<16xf32>,
    %swap3A_165 = vector.shape_cast %swap3A_164 : vector<16xf32> to vector<16xf32>
    %swap3A_166 = vector.shape_cast %broadcast_in_dim3A_162 : vector<16xf32> to vector<16xf32>
    tpu.vector_store %arg6[%swap3A_163], %swap3A_166 {strides = array<i32>} : memref<640xf32, #tpu.memory_space<vmem>>, vector<16xf32>,
    %broadcast_in_dim3A_167 = arith.constant 0.000000e+00 : f32
    %broadcast_in_dim3A_168 = vector.broadcast %broadcast_in_dim3A_167 : f32 to vector<16xf32>
    %swap3A_169 = arith.constant 320 : index
    %swap3A_170 = tpu.vector_load %arg6[%swap3A_169] {strides = array<i32>} : memref<640xf32, #tpu.memory_space<vmem>>, vector<16xf32>,
    %swap3A_171 = vector.shape_cast %swap3A_170 : vector<16xf32> to vector<16xf32>
    %swap3A_172 = vector.shape_cast %broadcast_in_dim3A_168 : vector<16xf32> to vector<16xf32>
    tpu.vector_store %arg6[%swap3A_169], %swap3A_172 {strides = array<i32>} : memref<640xf32, #tpu.memory_space<vmem>>, vector<16xf32>,
    %broadcast_in_dim3A_173 = arith.constant 0.000000e+00 : f32
    %broadcast_in_dim3A_174 = vector.broadcast %broadcast_in_dim3A_173 : f32 to vector<16xf32>
    %swap3A_175 = arith.constant 336 : index
    %swap3A_176 = tpu.vector_load %arg6[%swap3A_175] {strides = array<i32>} : memref<640xf32, #tpu.memory_space<vmem>>, vector<16xf32>,
    %swap3A_177 = vector.shape_cast %swap3A_176 : vector<16xf32> to vector<16xf32>
    %swap3A_178 = vector.shape_cast %broadcast_in_dim3A_174 : vector<16xf32> to vector<16xf32>
    tpu.vector_store %arg6[%swap3A_175], %swap3A_178 {strides = array<i32>} : memref<640xf32, #tpu.memory_space<vmem>>, vector<16xf32>,
    %broadcast_in_dim3A_179 = arith.constant 0.000000e+00 : f32
    %broadcast_in_dim3A_180 = vector.broadcast %broadcast_in_dim3A_179 : f32 to vector<16xf32>
    %swap3A_181 = arith.constant 352 : index
    %swap3A_182 = tpu.vector_load %arg6[%swap3A_181] {strides = array<i32>} : memref<640xf32, #tpu.memory_space<vmem>>, vector<16xf32>,
    %swap3A_183 = vector.shape_cast %swap3A_182 : vector<16xf32> to vector<16xf32>
    %swap3A_184 = vector.shape_cast %broadcast_in_dim3A_180 : vector<16xf32> to vector<16xf32>
    tpu.vector_store %arg6[%swap3A_181], %swap3A_184 {strides = array<i32>} : memref<640xf32, #tpu.memory_space<vmem>>, vector<16xf32>,
    %broadcast_in_dim3A_185 = arith.constant 0.000000e+00 : f32
    %broadcast_in_dim3A_186 = vector.broadcast %broadcast_in_dim3A_185 : f32 to vector<16xf32>
    %swap3A_187 = arith.constant 368 : index
    %swap3A_188 = tpu.vector_load %arg6[%swap3A_187] {strides = array<i32>} : memref<640xf32, #tpu.memory_space<vmem>>, vector<16xf32>,
    %swap3A_189 = vector.shape_cast %swap3A_188 : vector<16xf32> to vector<16xf32>
    %swap3A_190 = vector.shape_cast %broadcast_in_dim3A_186 : vector<16xf32> to vector<16xf32>
    tpu.vector_store %arg6[%swap3A_187], %swap3A_190 {strides = array<i32>} : memref<640xf32, #tpu.memory_space<vmem>>, vector<16xf32>,
    %broadcast_in_dim3A_191 = arith.constant 0.000000e+00 : f32
    %broadcast_in_dim3A_192 = vector.broadcast %broadcast_in_dim3A_191 : f32 to vector<16xf32>
    %swap3A_193 = arith.constant 384 : index
    %swap3A_194 = tpu.vector_load %arg6[%swap3A_193] {strides = array<i32>} : memref<640xf32, #tpu.memory_space<vmem>>, vector<16xf32>,
    %swap3A_195 = vector.shape_cast %swap3A_194 : vector<16xf32> to vector<16xf32>
    %swap3A_196 = vector.shape_cast %broadcast_in_dim3A_192 : vector<16xf32> to vector<16xf32>
    tpu.vector_store %arg6[%swap3A_193], %swap3A_196 {strides = array<i32>} : memref<640xf32, #tpu.memory_space<vmem>>, vector<16xf32>,
    %broadcast_in_dim3A_197 = arith.constant 0.000000e+00 : f32
    %broadcast_in_dim3A_198 = vector.broadcast %broadcast_in_dim3A_197 : f32 to vector<16xf32>
    %swap3A_199 = arith.constant 400 : index
    %swap3A_200 = tpu.vector_load %arg6[%swap3A_199] {strides = array<i32>} : memref<640xf32, #tpu.memory_space<vmem>>, vector<16xf32>,
    %swap3A_201 = vector.shape_cast %swap3A_200 : vector<16xf32> to vector<16xf32>
    %swap3A_202 = vector.shape_cast %broadcast_in_dim3A_198 : vector<16xf32> to vector<16xf32>
    tpu.vector_store %arg6[%swap3A_199], %swap3A_202 {strides = array<i32>} : memref<640xf32, #tpu.memory_space<vmem>>, vector<16xf32>,
    %broadcast_in_dim3A_203 = arith.constant 0.000000e+00 : f32
    %broadcast_in_dim3A_204 = vector.broadcast %broadcast_in_dim3A_203 : f32 to vector<16xf32>
    %swap3A_205 = arith.constant 416 : index
    %swap3A_206 = tpu.vector_load %arg6[%swap3A_205] {strides = array<i32>} : memref<640xf32, #tpu.memory_space<vmem>>, vector<16xf32>,
    %swap3A_207 = vector.shape_cast %swap3A_206 : vector<16xf32> to vector<16xf32>
    %swap3A_208 = vector.shape_cast %broadcast_in_dim3A_204 : vector<16xf32> to vector<16xf32>
    tpu.vector_store %arg6[%swap3A_205], %swap3A_208 {strides = array<i32>} : memref<640xf32, #tpu.memory_space<vmem>>, vector<16xf32>,
    %broadcast_in_dim3A_209 = arith.constant 0.000000e+00 : f32
    %broadcast_in_dim3A_210 = vector.broadcast %broadcast_in_dim3A_209 : f32 to vector<16xf32>
    %swap3A_211 = arith.constant 432 : index
    %swap3A_212 = tpu.vector_load %arg6[%swap3A_211] {strides = array<i32>} : memref<640xf32, #tpu.memory_space<vmem>>, vector<16xf32>,
    %swap3A_213 = vector.shape_cast %swap3A_212 : vector<16xf32> to vector<16xf32>
    %swap3A_214 = vector.shape_cast %broadcast_in_dim3A_210 : vector<16xf32> to vector<16xf32>
    tpu.vector_store %arg6[%swap3A_211], %swap3A_214 {strides = array<i32>} : memref<640xf32, #tpu.memory_space<vmem>>, vector<16xf32>,
    %broadcast_in_dim3A_215 = arith.constant 0.000000e+00 : f32
    %broadcast_in_dim3A_216 = vector.broadcast %broadcast_in_dim3A_215 : f32 to vector<16xf32>
    %swap3A_217 = arith.constant 448 : index
    %swap3A_218 = tpu.vector_load %arg6[%swap3A_217] {strides = array<i32>} : memref<640xf32, #tpu.memory_space<vmem>>, vector<16xf32>,
    %swap3A_219 = vector.shape_cast %swap3A_218 : vector<16xf32> to vector<16xf32>
    %swap3A_220 = vector.shape_cast %broadcast_in_dim3A_216 : vector<16xf32> to vector<16xf32>
    tpu.vector_store %arg6[%swap3A_217], %swap3A_220 {strides = array<i32>} : memref<640xf32, #tpu.memory_space<vmem>>, vector<16xf32>,
    %broadcast_in_dim3A_221 = arith.constant 0.000000e+00 : f32
    %broadcast_in_dim3A_222 = vector.broadcast %broadcast_in_dim3A_221 : f32 to vector<16xf32>
    %swap3A_223 = arith.constant 464 : index
    %swap3A_224 = tpu.vector_load %arg6[%swap3A_223] {strides = array<i32>} : memref<640xf32, #tpu.memory_space<vmem>>, vector<16xf32>,
    %swap3A_225 = vector.shape_cast %swap3A_224 : vector<16xf32> to vector<16xf32>
    %swap3A_226 = vector.shape_cast %broadcast_in_dim3A_222 : vector<16xf32> to vector<16xf32>
    tpu.vector_store %arg6[%swap3A_223], %swap3A_226 {strides = array<i32>} : memref<640xf32, #tpu.memory_space<vmem>>, vector<16xf32>,
    %broadcast_in_dim3A_227 = arith.constant 0.000000e+00 : f32
    %broadcast_in_dim3A_228 = vector.broadcast %broadcast_in_dim3A_227 : f32 to vector<16xf32>
    %swap3A_229 = arith.constant 480 : index
    %swap3A_230 = tpu.vector_load %arg6[%swap3A_229] {strides = array<i32>} : memref<640xf32, #tpu.memory_space<vmem>>, vector<16xf32>,
    %swap3A_231 = vector.shape_cast %swap3A_230 : vector<16xf32> to vector<16xf32>
    %swap3A_232 = vector.shape_cast %broadcast_in_dim3A_228 : vector<16xf32> to vector<16xf32>
    tpu.vector_store %arg6[%swap3A_229], %swap3A_232 {strides = array<i32>} : memref<640xf32, #tpu.memory_space<vmem>>, vector<16xf32>,
    %broadcast_in_dim3A_233 = arith.constant 0.000000e+00 : f32
    %broadcast_in_dim3A_234 = vector.broadcast %broadcast_in_dim3A_233 : f32 to vector<16xf32>
    %swap3A_235 = arith.constant 496 : index
    %swap3A_236 = tpu.vector_load %arg6[%swap3A_235] {strides = array<i32>} : memref<640xf32, #tpu.memory_space<vmem>>, vector<16xf32>,
    %swap3A_237 = vector.shape_cast %swap3A_236 : vector<16xf32> to vector<16xf32>
    %swap3A_238 = vector.shape_cast %broadcast_in_dim3A_234 : vector<16xf32> to vector<16xf32>
    tpu.vector_store %arg6[%swap3A_235], %swap3A_238 {strides = array<i32>} : memref<640xf32, #tpu.memory_space<vmem>>, vector<16xf32>,
    %broadcast_in_dim3A_239 = arith.constant 0.000000e+00 : f32
    %broadcast_in_dim3A_240 = vector.broadcast %broadcast_in_dim3A_239 : f32 to vector<16xf32>
    %swap3A_241 = arith.constant 512 : index
    %swap3A_242 = tpu.vector_load %arg6[%swap3A_241] {strides = array<i32>} : memref<640xf32, #tpu.memory_space<vmem>>, vector<16xf32>,
    %swap3A_243 = vector.shape_cast %swap3A_242 : vector<16xf32> to vector<16xf32>
    %swap3A_244 = vector.shape_cast %broadcast_in_dim3A_240 : vector<16xf32> to vector<16xf32>
    tpu.vector_store %arg6[%swap3A_241], %swap3A_244 {strides = array<i32>} : memref<640xf32, #tpu.memory_space<vmem>>, vector<16xf32>,
    %broadcast_in_dim3A_245 = arith.constant 0.000000e+00 : f32
    %broadcast_in_dim3A_246 = vector.broadcast %broadcast_in_dim3A_245 : f32 to vector<16xf32>
    %swap3A_247 = arith.constant 528 : index
    %swap3A_248 = tpu.vector_load %arg6[%swap3A_247] {strides = array<i32>} : memref<640xf32, #tpu.memory_space<vmem>>, vector<16xf32>,
    %swap3A_249 = vector.shape_cast %swap3A_248 : vector<16xf32> to vector<16xf32>
    %swap3A_250 = vector.shape_cast %broadcast_in_dim3A_246 : vector<16xf32> to vector<16xf32>
    tpu.vector_store %arg6[%swap3A_247], %swap3A_250 {strides = array<i32>} : memref<640xf32, #tpu.memory_space<vmem>>, vector<16xf32>,
    %broadcast_in_dim3A_251 = arith.constant 0.000000e+00 : f32
    %broadcast_in_dim3A_252 = vector.broadcast %broadcast_in_dim3A_251 : f32 to vector<16xf32>
    %swap3A_253 = arith.constant 544 : index
    %swap3A_254 = tpu.vector_load %arg6[%swap3A_253] {strides = array<i32>} : memref<640xf32, #tpu.memory_space<vmem>>, vector<16xf32>,
    %swap3A_255 = vector.shape_cast %swap3A_254 : vector<16xf32> to vector<16xf32>
    %swap3A_256 = vector.shape_cast %broadcast_in_dim3A_252 : vector<16xf32> to vector<16xf32>
    tpu.vector_store %arg6[%swap3A_253], %swap3A_256 {strides = array<i32>} : memref<640xf32, #tpu.memory_space<vmem>>, vector<16xf32>,
    %broadcast_in_dim3A_257 = arith.constant 0.000000e+00 : f32
    %broadcast_in_dim3A_258 = vector.broadcast %broadcast_in_dim3A_257 : f32 to vector<16xf32>
    %swap3A_259 = arith.constant 560 : index
    %swap3A_260 = tpu.vector_load %arg6[%swap3A_259] {strides = array<i32>} : memref<640xf32, #tpu.memory_space<vmem>>, vector<16xf32>,
    %swap3A_261 = vector.shape_cast %swap3A_260 : vector<16xf32> to vector<16xf32>
    %swap3A_262 = vector.shape_cast %broadcast_in_dim3A_258 : vector<16xf32> to vector<16xf32>
    tpu.vector_store %arg6[%swap3A_259], %swap3A_262 {strides = array<i32>} : memref<640xf32, #tpu.memory_space<vmem>>, vector<16xf32>,
    %broadcast_in_dim3A_263 = arith.constant 0.000000e+00 : f32
    %broadcast_in_dim3A_264 = vector.broadcast %broadcast_in_dim3A_263 : f32 to vector<16xf32>
    %swap3A_265 = arith.constant 576 : index
    %swap3A_266 = tpu.vector_load %arg6[%swap3A_265] {strides = array<i32>} : memref<640xf32, #tpu.memory_space<vmem>>, vector<16xf32>,
    %swap3A_267 = vector.shape_cast %swap3A_266 : vector<16xf32> to vector<16xf32>
    %swap3A_268 = vector.shape_cast %broadcast_in_dim3A_264 : vector<16xf32> to vector<16xf32>
    tpu.vector_store %arg6[%swap3A_265], %swap3A_268 {strides = array<i32>} : memref<640xf32, #tpu.memory_space<vmem>>, vector<16xf32>,
    %broadcast_in_dim3A_269 = arith.constant 0.000000e+00 : f32
    %broadcast_in_dim3A_270 = vector.broadcast %broadcast_in_dim3A_269 : f32 to vector<16xf32>
    %swap3A_271 = arith.constant 592 : index
    %swap3A_272 = tpu.vector_load %arg6[%swap3A_271] {strides = array<i32>} : memref<640xf32, #tpu.memory_space<vmem>>, vector<16xf32>,
    %swap3A_273 = vector.shape_cast %swap3A_272 : vector<16xf32> to vector<16xf32>
    %swap3A_274 = vector.shape_cast %broadcast_in_dim3A_270 : vector<16xf32> to vector<16xf32>
    tpu.vector_store %arg6[%swap3A_271], %swap3A_274 {strides = array<i32>} : memref<640xf32, #tpu.memory_space<vmem>>, vector<16xf32>,
    %broadcast_in_dim3A_275 = arith.constant 0.000000e+00 : f32
    %broadcast_in_dim3A_276 = vector.broadcast %broadcast_in_dim3A_275 : f32 to vector<16xf32>
    %swap3A_277 = arith.constant 608 : index
    %swap3A_278 = tpu.vector_load %arg6[%swap3A_277] {strides = array<i32>} : memref<640xf32, #tpu.memory_space<vmem>>, vector<16xf32>,
    %swap3A_279 = vector.shape_cast %swap3A_278 : vector<16xf32> to vector<16xf32>
    %swap3A_280 = vector.shape_cast %broadcast_in_dim3A_276 : vector<16xf32> to vector<16xf32>
    tpu.vector_store %arg6[%swap3A_277], %swap3A_280 {strides = array<i32>} : memref<640xf32, #tpu.memory_space<vmem>>, vector<16xf32>,
    %broadcast_in_dim3A_281 = arith.constant 0.000000e+00 : f32
    %broadcast_in_dim3A_282 = vector.broadcast %broadcast_in_dim3A_281 : f32 to vector<16xf32>
    %swap3A_283 = arith.constant 624 : index
    %swap3A_284 = tpu.vector_load %arg6[%swap3A_283] {strides = array<i32>} : memref<640xf32, #tpu.memory_space<vmem>>, vector<16xf32>,
    %swap3A_285 = vector.shape_cast %swap3A_284 : vector<16xf32> to vector<16xf32>
    %swap3A_286 = vector.shape_cast %broadcast_in_dim3A_282 : vector<16xf32> to vector<16xf32>
    tpu.vector_store %arg6[%swap3A_283], %swap3A_286 {strides = array<i32>} : memref<640xf32, #tpu.memory_space<vmem>>, vector<16xf32>,
    %mul3A_287 = arith.constant 632 : i32
    %mul3A_288 = arith.muli %arg1, %mul3A_287 : i32
    "tpu.region"() ({
      %run_scoped3A = tpu.sem_alloc : memref<!tpu.dma_semaphore, #tpu.memory_space<semaphore_mem>>
      %dma_start3A = arith.constant 0 : i32
      %dma_start3A_299 = tpu.memref_slice %arg6[%dma_start3A] : memref<640xf32, #tpu.memory_space<vmem>> -> memref<632xf32, #tpu.memory_space<vmem>>
      %dma_start3A_300 = tpu.memref_slice %arg7[%mul3A_288] : memref<10112xf32, #tpu.memory_space<vmem_shared>> -> memref<632xf32, #tpu.memory_space<vmem_shared>>
      %dma_start3A_301 = tpu.memref_slice %arg7[%mul3A_288] : memref<10112xf32, #tpu.memory_space<vmem_shared>> -> memref<632xf32, #tpu.memory_space<vmem_shared>>
      %dma_start3A_302 = arith.constant 0 : i32
      %dma_start3A_303 = tpu.memref_slice %arg6[%dma_start3A_302] : memref<640xf32, #tpu.memory_space<vmem>> -> memref<632xf32, #tpu.memory_space<vmem>>
      tpu.enqueue_dma source(%dma_start3A_303 : memref<632xf32, #tpu.memory_space<vmem>>) target(%dma_start3A_301 : memref<632xf32, #tpu.memory_space<vmem_shared>>) target_semaphore(%run_scoped3A : memref<!tpu.dma_semaphore, #tpu.memory_space<semaphore_mem>>)
      %dma_wait3A = arith.constant 0 : i32
      %dma_wait3A_304 = tpu.memref_slice %arg6[%dma_wait3A] : memref<640xf32, #tpu.memory_space<vmem>> -> memref<632xf32, #tpu.memory_space<vmem>>
      %dma_wait3A_305 = tpu.memref_slice %arg7[%mul3A_288] : memref<10112xf32, #tpu.memory_space<vmem_shared>> -> memref<632xf32, #tpu.memory_space<vmem_shared>>
      %dma_wait3A_306 = tpu.memref_slice %arg7[%mul3A_288] : memref<10112xf32, #tpu.memory_space<vmem_shared>> -> memref<632xf32, #tpu.memory_space<vmem_shared>>
      %dma_wait3A_307 = arith.constant 0 : i32
      %dma_wait3A_308 = tpu.memref_slice %arg6[%dma_wait3A_307] : memref<640xf32, #tpu.memory_space<vmem>> -> memref<632xf32, #tpu.memory_space<vmem>>
      tpu.wait_dma2 semaphore(%run_scoped3A : memref<!tpu.dma_semaphore, #tpu.memory_space<semaphore_mem>>) src(%dma_wait3A_308 : memref<632xf32, #tpu.memory_space<vmem>>) dst(%dma_wait3A_306 : memref<632xf32, #tpu.memory_space<vmem_shared>>)
      tpu.yield
    }) : () -> ()
    %barrier3A = arith.constant 0 : index
    tpu.barrier barrier_id(%barrier3A)
    "tpu.region"() ({
      %run_scoped3A = tpu.sem_alloc : memref<!tpu.dma_semaphore, #tpu.memory_space<semaphore_mem>>
      %dma_start3A = arith.constant 0 : i32
      %dma_start3A_299 = arith.constant 0 : i32
      %dma_start3A_300 = tpu.memref_slice %arg2[%add3A, %dma_start3A, %dma_start3A_299] : memref<32x40x128xi32, #tpu.memory_space<hbm>> -> memref<1x40x128xi32, #tpu.memory_space<hbm>>
      %dma_start3A_301 = tpu.memref_squeeze %dma_start3A_300 : memref<1x40x128xi32, #tpu.memory_space<hbm>> -> memref<40x128xi32, #tpu.memory_space<hbm>>
      %dma_start3A_302 = arith.constant 0 : i32
      %dma_start3A_303 = arith.constant 0 : i32
      %dma_start3A_304 = tpu.memref_slice %arg2[%add3A, %dma_start3A_302, %dma_start3A_303] : memref<32x40x128xi32, #tpu.memory_space<hbm>> -> memref<1x40x128xi32, #tpu.memory_space<hbm>>
      %dma_start3A_305 = tpu.memref_squeeze %dma_start3A_304 : memref<1x40x128xi32, #tpu.memory_space<hbm>> -> memref<40x128xi32, #tpu.memory_space<hbm>>
      tpu.enqueue_dma source(%dma_start3A_305 : memref<40x128xi32, #tpu.memory_space<hbm>>) target(%arg4 : memref<40x128xi32, #tpu.memory_space<vmem>>) target_semaphore(%run_scoped3A : memref<!tpu.dma_semaphore, #tpu.memory_space<semaphore_mem>>)
      %dma_wait3A = arith.constant 0 : i32
      %dma_wait3A_306 = arith.constant 0 : i32
      %dma_wait3A_307 = tpu.memref_slice %arg2[%add3A, %dma_wait3A, %dma_wait3A_306] : memref<32x40x128xi32, #tpu.memory_space<hbm>> -> memref<1x40x128xi32, #tpu.memory_space<hbm>>
      %dma_wait3A_308 = tpu.memref_squeeze %dma_wait3A_307 : memref<1x40x128xi32, #tpu.memory_space<hbm>> -> memref<40x128xi32, #tpu.memory_space<hbm>>
      %dma_wait3A_309 = arith.constant 0 : i32
      %dma_wait3A_310 = arith.constant 0 : i32
      %dma_wait3A_311 = tpu.memref_slice %arg2[%add3A, %dma_wait3A_309, %dma_wait3A_310] : memref<32x40x128xi32, #tpu.memory_space<hbm>> -> memref<1x40x128xi32, #tpu.memory_space<hbm>>
      %dma_wait3A_312 = tpu.memref_squeeze %dma_wait3A_311 : memref<1x40x128xi32, #tpu.memory_space<hbm>> -> memref<40x128xi32, #tpu.memory_space<hbm>>
      tpu.wait_dma2 semaphore(%run_scoped3A : memref<!tpu.dma_semaphore, #tpu.memory_space<semaphore_mem>>) src(%dma_wait3A_312 : memref<40x128xi32, #tpu.memory_space<hbm>>) dst(%arg4 : memref<40x128xi32, #tpu.memory_space<vmem>>)
      tpu.yield
    }) : () -> ()
    %scan3A = arith.constant 0 : i32
    %scan3A_289 = arith.constant 0 : i32
    %scan3A_290 = arith.constant 40 : i32
    %scan3A_291 = arith.addi %scan3A_289, %scan3A_290 : i32
    %scan3A_292 = arith.constant 1 : i32
    scf.for %scan3A_299 = %scan3A_289 to %scan3A_291 step %scan3A_292  : i32 {
      "tpu.region"() ({
        %run_scoped3A = tpu.sem_alloc : memref<!tpu.dma_semaphore, #tpu.memory_space<semaphore_mem>>
        %dma_start3A = arith.constant 0 : i32
        %dma_start3A_300 = tpu.memref_slice %arg4[%scan3A_299, %dma_start3A] : memref<40x128xi32, #tpu.memory_space<vmem>> -> memref<1x128xi32, #tpu.memory_space<vmem>>
        %dma_start3A_301 = tpu.memref_squeeze %dma_start3A_300 : memref<1x128xi32, #tpu.memory_space<vmem>> -> memref<128xi32, #tpu.memory_space<vmem>>
        %dma_start3A_302 = arith.constant 0 : i32
        %dma_start3A_303 = tpu.memref_slice %arg7[%dma_start3A_302] : memref<10112xf32, #tpu.memory_space<vmem_shared>> -> memref<10112xf32, #tpu.memory_space<vmem_shared>>
        tpu.enqueue_indirect_dma source(%arg5 : memref<128xf32, #tpu.memory_space<vmem>>) target(%dma_start3A_303 : memref<10112xf32, #tpu.memory_space<vmem_shared>>) offsets(%dma_start3A_301 : memref<128xi32, #tpu.memory_space<vmem>>) semaphore(%run_scoped3A : memref<!tpu.dma_semaphore, #tpu.memory_space<semaphore_mem>>) {add = true}
        %dma_wait3A = arith.constant 0 : i32
        %dma_wait3A_304 = tpu.memref_slice %arg4[%scan3A_299, %dma_wait3A] : memref<40x128xi32, #tpu.memory_space<vmem>> -> memref<1x128xi32, #tpu.memory_space<vmem>>
        %dma_wait3A_305 = tpu.memref_squeeze %dma_wait3A_304 : memref<1x128xi32, #tpu.memory_space<vmem>> -> memref<128xi32, #tpu.memory_space<vmem>>
        %dma_wait3A_306 = arith.constant 0 : i32
        %dma_wait3A_307 = tpu.memref_slice %arg7[%dma_wait3A_306] : memref<10112xf32, #tpu.memory_space<vmem_shared>> -> memref<10112xf32, #tpu.memory_space<vmem_shared>>
        tpu.wait_indirect_dma semaphore(%run_scoped3A : memref<!tpu.dma_semaphore, #tpu.memory_space<semaphore_mem>>) src(%arg5 : memref<128xf32, #tpu.memory_space<vmem>>) dst(%dma_wait3A_307 : memref<10112xf32, #tpu.memory_space<vmem_shared>>)
        tpu.yield
      }) : () -> ()
    }
    %scan3A_293 = arith.constant 40 : i32
    %barrier3A_294 = arith.constant 0 : index
    tpu.barrier barrier_id(%barrier3A_294)
    %mul3A_295 = arith.constant 632 : i32
    %mul3A_296 = arith.muli %arg1, %mul3A_295 : i32
    %mul3A_297 = arith.constant 632 : i32
    %mul3A_298 = arith.muli %arg1, %mul3A_297 : i32
    "tpu.region"() ({
      %run_scoped3A = tpu.sem_alloc : memref<!tpu.dma_semaphore, #tpu.memory_space<semaphore_mem>>
      %dma_start3A = tpu.memref_slice %arg3[%arg0, %mul3A_298] : memref<2x10112xf32, #tpu.memory_space<hbm>> -> memref<1x632xf32, #tpu.memory_space<hbm>>
      %dma_start3A_299 = tpu.memref_squeeze %dma_start3A : memref<1x632xf32, #tpu.memory_space<hbm>> -> memref<632xf32, #tpu.memory_space<hbm>>
      %dma_start3A_300 = tpu.memref_slice %arg7[%mul3A_296] : memref<10112xf32, #tpu.memory_space<vmem_shared>> -> memref<632xf32, #tpu.memory_space<vmem_shared>>
      tpu.enqueue_dma source(%dma_start3A_300 : memref<632xf32, #tpu.memory_space<vmem_shared>>) target(%dma_start3A_299 : memref<632xf32, #tpu.memory_space<hbm>>) target_semaphore(%run_scoped3A : memref<!tpu.dma_semaphore, #tpu.memory_space<semaphore_mem>>)
      %dma_wait3A = tpu.memref_slice %arg3[%arg0, %mul3A_298] : memref<2x10112xf32, #tpu.memory_space<hbm>> -> memref<1x632xf32, #tpu.memory_space<hbm>>
      %dma_wait3A_301 = tpu.memref_squeeze %dma_wait3A : memref<1x632xf32, #tpu.memory_space<hbm>> -> memref<632xf32, #tpu.memory_space<hbm>>
      %dma_wait3A_302 = tpu.memref_slice %arg7[%mul3A_296] : memref<10112xf32, #tpu.memory_space<vmem_shared>> -> memref<632xf32, #tpu.memory_space<vmem_shared>>
      tpu.wait_dma2 semaphore(%run_scoped3A : memref<!tpu.dma_semaphore, #tpu.memory_space<semaphore_mem>>) src(%dma_wait3A_302 : memref<632xf32, #tpu.memory_space<vmem_shared>>) dst(%dma_wait3A_301 : memref<632xf32, #tpu.memory_space<hbm>>)
      tpu.yield
    }) : () -> ()
    return
  }
}

module attributes {stable_mosaic.version = 14 : i64} {
  func.func @_support_body(%arg0: i32, %arg1: i32, %arg2: memref<2000x256xf32, #tpu.memory_space<vmem>>, %arg3: memref<256x128xf32, #tpu.memory_space<vmem>>, %arg4: memref<2000x2xf32, #tpu.memory_space<vmem>>, %arg5: memref<1x2000x128xbf16, #tpu.memory_space<vmem>>) attributes {dimension_semantics = [#tpu.dimension_semantics<arbitrary>, #tpu.dimension_semantics<arbitrary>], iteration_bounds = array<i64: 5, 2>, scalar_prefetch = 0 : i64, scratch_operands = 0 : i64, tpu.core_type = #tpu.core_type<tc>, window_params = [{transform_indices = @transform_0, window_bounds = array<i64: 2000, 256>}, {transform_indices = @transform_1, window_bounds = array<i64: 256, 128>}, {transform_indices = @transform_2, window_bounds = array<i64: 2000, 2>}, {transform_indices = @transform_3, window_bounds = array<i64: 1, 2000, 128>}]} {
    %get3A = arith.constant 0 : index
    %get3A_0 = arith.constant 0 : index
    %get3A_1 = vector.load %arg4[%get3A, %get3A_0] : memref<2000x2xf32, #tpu.memory_space<vmem>>, vector<2000x1xf32>
    %get3A_2 = vector.shape_cast %get3A_1 : vector<2000x1xf32> to vector<2000xf32>
    %get3A_3 = arith.constant 0 : index
    %get3A_4 = arith.constant 1 : index
    %get3A_5 = vector.load %arg4[%get3A_3, %get3A_4] : memref<2000x2xf32, #tpu.memory_space<vmem>>, vector<2000x1xf32>
    %get3A_6 = vector.shape_cast %get3A_5 : vector<2000x1xf32> to vector<2000xf32>
    %add3A = arith.addf %get3A_2, %get3A_6 : vector<2000xf32>
    %add3A_7 = arith.constant 1.000000e+00 : f32
    %add3A_8 = vector.broadcast %add3A_7 : f32 to vector<2000xf32>
    %add3A_9 = arith.addf %add3A, %add3A_8 : vector<2000xf32>
    %rsqrt3A = math.rsqrt %add3A_9 : vector<2000xf32>
    %get3A_10 = arith.constant 0 : index
    %get3A_11 = arith.constant 0 : index
    %get3A_12 = vector.load %arg2[%get3A_10, %get3A_11] : memref<2000x256xf32, #tpu.memory_space<vmem>>, vector<2000x256xf32>
    %get3A_13 = arith.constant 0 : index
    %get3A_14 = arith.constant 0 : index
    %get3A_15 = vector.load %arg3[%get3A_13, %get3A_14] : memref<256x128xf32, #tpu.memory_space<vmem>>, vector<256x128xf32>
    %dot_general3A = arith.constant dense<0.000000e+00> : vector<2000x128xf32>
    %dot_general3A_16 = tpu.matmul %get3A_12, %get3A_15, %dot_general3A {dimension_numbers = #tpu.dot_dimension_numbers<[1], [0], [0], [1], [0, 0, 1, 1], [], []>, transpose_lhs_hint = false} : vector<2000x256xf32>, vector<256x128xf32>, vector<2000x128xf32> -> vector<2000x128xf32>
    %broadcast_in_dim3A = vector.shape_cast %rsqrt3A : vector<2000xf32> to vector<2000x1xf32>
    %mul3A = vector.broadcast %broadcast_in_dim3A : vector<2000x1xf32> to vector<2000x128xf32>
    %mul3A_17 = arith.mulf %dot_general3A_16, %mul3A : vector<2000x128xf32>
    %convert_element_type3A = arith.truncf %mul3A_17 : vector<2000x128xf32> to vector<2000x128xbf16>
    %swap3A = arith.constant 0 : index
    %swap3A_18 = arith.constant 0 : index
    %swap3A_19 = arith.constant 0 : index
    %swap3A_20 = vector.load %arg5[%swap3A, %swap3A_18, %swap3A_19] : memref<1x2000x128xbf16, #tpu.memory_space<vmem>>, vector<1x2000x128xbf16>
    %swap3A_21 = vector.shape_cast %swap3A_20 : vector<1x2000x128xbf16> to vector<2000x128xbf16>
    %swap3A_22 = vector.shape_cast %convert_element_type3A : vector<2000x128xbf16> to vector<1x2000x128xbf16>
    tpu.vector_store %arg5[%swap3A, %swap3A_18, %swap3A_19], %swap3A_22 {strides = array<i32>} : memref<1x2000x128xbf16, #tpu.memory_space<vmem>>, vector<1x2000x128xbf16>,
    return
  }
  func.func @transform_0(%arg0: i32, %arg1: i32) -> (i32, i32) {
    %c0_i32 = arith.constant 0 : i32
    %c0_i32_0 = arith.constant 0 : i32
    return %arg0, %c0_i32 : i32, i32
  }
  func.func @transform_1(%arg0: i32, %arg1: i32) -> (i32, i32) {
    %c0_i32 = arith.constant 0 : i32
    %c0_i32_0 = arith.constant 0 : i32
    return %c0_i32, %arg1 : i32, i32
  }
  func.func @transform_2(%arg0: i32, %arg1: i32) -> (i32, i32) {
    %c0_i32 = arith.constant 0 : i32
    %c0_i32_0 = arith.constant 0 : i32
    return %arg0, %c0_i32 : i32, i32
  }
  func.func @transform_3(%arg0: i32, %arg1: i32) -> (i32, i32, i32) {
    %c0_i32 = arith.constant 0 : i32
    %c0_i32_0 = arith.constant 0 : i32
    return %arg1, %arg0, %c0_i32 : i32, i32, i32
  }
}

module attributes {stable_mosaic.version = 14 : i64} {
  func.func @_final_body(%arg0: i32, %arg1: i32, %arg2: memref<1x2000x128xf32, #tpu.memory_space<vmem>>, %arg3: memref<1x2000x128xbf16, #tpu.memory_space<vmem>>, %arg4: memref<2000x2xf32, #tpu.memory_space<vmem>>, %arg5: memref<2x128xf32, #tpu.memory_space<vmem>>, %arg6: memref<2000x128xf32, #tpu.memory_space<vmem>>) attributes {dimension_semantics = [#tpu.dimension_semantics<arbitrary>, #tpu.dimension_semantics<arbitrary>], iteration_bounds = array<i64: 5, 2>, scalar_prefetch = 0 : i64, scratch_operands = 0 : i64, tpu.core_type = #tpu.core_type<tc>, window_params = [{transform_indices = @transform_0, window_bounds = array<i64: 1, 2000, 128>}, {transform_indices = @transform_1, window_bounds = array<i64: 1, 2000, 128>}, {transform_indices = @transform_2, window_bounds = array<i64: 2000, 2>}, {pipeline_mode = #tpu.pipeline_mode<synchronous>, transform_indices = @transform_3, window_bounds = array<i64: 2, 128>}, {transform_indices = @transform_4, window_bounds = array<i64: 2000, 128>}]} {
    %get3A = arith.constant 0 : index
    %get3A_0 = arith.constant 0 : index
    %get3A_1 = vector.load %arg4[%get3A, %get3A_0] : memref<2000x2xf32, #tpu.memory_space<vmem>>, vector<2000x1xf32>
    %get3A_2 = vector.shape_cast %get3A_1 : vector<2000x1xf32> to vector<2000xf32>
    %get3A_3 = arith.constant 0 : index
    %get3A_4 = arith.constant 1 : index
    %get3A_5 = vector.load %arg4[%get3A_3, %get3A_4] : memref<2000x2xf32, #tpu.memory_space<vmem>>, vector<2000x1xf32>
    %get3A_6 = vector.shape_cast %get3A_5 : vector<2000x1xf32> to vector<2000xf32>
    %add3A = arith.addf %get3A_2, %get3A_6 : vector<2000xf32>
    %add3A_7 = arith.constant 1.000000e+00 : f32
    %add3A_8 = vector.broadcast %add3A_7 : f32 to vector<2000xf32>
    %add3A_9 = arith.addf %add3A, %add3A_8 : vector<2000xf32>
    %rsqrt3A = math.rsqrt %add3A_9 : vector<2000xf32>
    %get3A_10 = arith.constant 0 : index
    %get3A_11 = arith.constant 0 : index
    %get3A_12 = arith.constant 0 : index
    %get3A_13 = vector.load %arg2[%get3A_10, %get3A_11, %get3A_12] : memref<1x2000x128xf32, #tpu.memory_space<vmem>>, vector<1x2000x128xf32>
    %get3A_14 = vector.shape_cast %get3A_13 : vector<1x2000x128xf32> to vector<2000x128xf32>
    %get3A_15 = arith.constant 0 : index
    %get3A_16 = arith.constant 0 : index
    %get3A_17 = arith.constant 0 : index
    %get3A_18 = vector.load %arg3[%get3A_15, %get3A_16, %get3A_17] : memref<1x2000x128xbf16, #tpu.memory_space<vmem>>, vector<1x2000x128xbf16>
    %get3A_19 = vector.shape_cast %get3A_18 : vector<1x2000x128xbf16> to vector<2000x128xbf16>
    %convert_element_type3A = arith.extf %get3A_19 : vector<2000x128xbf16> to vector<2000x128xf32>
    %add3A_20 = arith.addf %get3A_14, %convert_element_type3A : vector<2000x128xf32>
    %broadcast_in_dim3A = vector.shape_cast %rsqrt3A : vector<2000xf32> to vector<2000x1xf32>
    %mul3A = vector.broadcast %broadcast_in_dim3A : vector<2000x1xf32> to vector<2000x128xf32>
    %mul3A_21 = arith.mulf %add3A_20, %mul3A : vector<2000x128xf32>
    %get3A_22 = arith.index_cast %arg1 : i32 to index
    %get3A_23 = arith.constant 0 : index
    %get3A_24 = vector.load %arg5[%get3A_22, %get3A_23] : memref<2x128xf32, #tpu.memory_space<vmem>>, vector<1x128xf32>
    %get3A_25 = vector.shape_cast %get3A_24 : vector<1x128xf32> to vector<128xf32>
    %broadcast_in_dim3A_26 = vector.shape_cast %get3A_25 : vector<128xf32> to vector<1x128xf32>
    %add3A_27 = vector.broadcast %broadcast_in_dim3A_26 : vector<1x128xf32> to vector<2000x128xf32>
    %add3A_28 = arith.addf %mul3A_21, %add3A_27 : vector<2000x128xf32>
    %swap3A = arith.constant 0 : index
    %swap3A_29 = arith.constant 0 : index
    %swap3A_30 = vector.load %arg6[%swap3A, %swap3A_29] : memref<2000x128xf32, #tpu.memory_space<vmem>>, vector<2000x128xf32>
    tpu.vector_store %arg6[%swap3A, %swap3A_29], %add3A_28 {strides = array<i32>} : memref<2000x128xf32, #tpu.memory_space<vmem>>, vector<2000x128xf32>,
    return
  }
  func.func @transform_0(%arg0: i32, %arg1: i32) -> (i32, i32, i32) {
    %c0_i32 = arith.constant 0 : i32
    %c0_i32_0 = arith.constant 0 : i32
    return %arg1, %arg0, %c0_i32 : i32, i32, i32
  }
  func.func @transform_1(%arg0: i32, %arg1: i32) -> (i32, i32, i32) {
    %c0_i32 = arith.constant 0 : i32
    %c0_i32_0 = arith.constant 0 : i32
    return %arg1, %arg0, %c0_i32 : i32, i32, i32
  }
  func.func @transform_2(%arg0: i32, %arg1: i32) -> (i32, i32) {
    %c0_i32 = arith.constant 0 : i32
    %c0_i32_0 = arith.constant 0 : i32
    return %arg0, %c0_i32 : i32, i32
  }
  func.func @transform_3(%arg0: i32, %arg1: i32) -> (i32, i32) {
    %c0_i32 = arith.constant 0 : i32
    %c0_i32_0 = arith.constant 0 : i32
    %c0_i32_1 = arith.constant 0 : i32
    return %c0_i32, %c0_i32_0 : i32, i32
  }
  func.func @transform_4(%arg0: i32, %arg1: i32) -> (i32, i32) {
    %c0_i32 = arith.constant 0 : i32
    return %arg0, %arg1 : i32, i32
  }
}

</mosaic_0001>

<sc_bundles>
// kernel: kernel.6.cloned.1.call-start
scs
__scs_entry_jumppad:
0x0: {  	(pc) =	sbr.rel $0x88, $3  }
0x1: {  	(tag) =	ssettag $0x0;
	lr =	simm.s32 $0x1  }
0x2: {  	[smem:$0x3F9D] =	sst lr;
	_ =	strace $0xD0000000  }
0x3: {  	_ = 	snop  }
0x4: {  	_ = 	snop  }
0x5: {  	_ = 	snop  }
0x6: {  	_ = 	snop  }
0x7: {  	_ = 	snop  }
__scs_overlays_trampoline_lowered:
0x8: {  	[smem:$0x3FAC] =	sst s0  }
0x9: {  	[smem:$0x3FAD] =	sst s1  }
0xa: {  	[smem:$0x3FAE] =	sst s2  }
0xb: {  	[smem:$0x3FAF] =	sst s3  }
0xc: {  	[smem:$0x3FB0] =	sst s4  }
0xd: {  	[smem:$0x3FB1] =	sst s5  }
0xe: {  	[smem:$0x3FB2] =	sst s6  }
0xf: {  	[smem:$0x3FB3] =	sst s7  }
0x10: {  	[smem:$0x3FB4] =	sst s8  }
0x11: {  	[smem:$0x3FB5] =	sst s9;
	s0 =	simm.s32 @!p0 $0x0  }
0x12: {  	s1 =	sld [smem:$0x3F9B];
	s0 =	simm.s32 @p0 $0x1  }
0x13: {  	[smem:$0x3FB6] =	sst s0;
	s0 =	simm.s32 @!p1 $0x0  }
0x14: {  	s2 =	sld [smem:$0x3F9A];
	s0 =	simm.s32 @p1 $0x1  }
0x15: {  	[smem:$0x3FB7] =	sst s0;
	s0 =	simm.s32 @!p2 $0x0  }
0x16: {  	s3 =	sld [smem:$0x3FDB];
	s0 =	simm.s32 @p2 $0x1  }
0x17: {  	s4 =	simm.s32 $0x1BF5;
	[smem:$0x3FB9] =	sst s0  }
0x18: {  	s0 =	sld [smem:$0x3F9C];
	_ =	swait.ge [sflag:s4], $0x0  }
0x19: {  	s7 =	sld [smem:$0x3F9D]  }
0x1a: {  	s8 =	sadd.s32 $0xFFFFE003, lr  }
0x1b: {  	s9 =	sadd.s32 $0xFFFFFEF7, lr;
	s5 =	simm.s32 $0xFFFFFFFF;
	p2 =	slt.u32 s8, $0xFFFFF086  }
0x1c: {  	p1 =	slt.u32 s9, $0xF7A;
	s5 =	simm.s32 @!p2 $0x0  }
0x1d: {  	s5 =	simm.s32 @p1 $0x1;
	p0 =	seq.s32 s7, s2  }
0x1e: {  	s7 =	smul.u32 @!p0 $0xF7A, s2;
	p2 =	seq.s32 @!p0 s5, $0x0  }
0x1f: {  	s9 =	smul.u32 $0xF7A, s1;
	s8 =	simm.s32 @!p0 $0x1BF5;
	p2 =	por !p2, p0  }
0x20: {  	[sflag:s8] =	ssyncset.s32 @!p0 $0xFFFFF086;
	s6 =	sadd.s32 @!p0 s3, s7;
	s7 =	simm.s32 @!p0 $0x108  }
0x21: {  	s3 =	sadd.s32 s3, s9;
	s6 =	sadd.s32 @!p0 $0x88, s6;
	s7 =	simm.s32 @p2 $0x1082  }
0x22: {  	[simem:s7], [sflag:s8] =	dma.local @!p0 [hbm:s6], $0xF7A  }
0x23: {  	s9 =	sor.u32 $0xD0000000, s2;
	s6 =	simm.s32 $0x108;
	_ =	swait.ge @!p0 [sflag:s8], $0x0  }
0x24: {  	s3 =	sadd.s32 $0x88, s3;
	s6 =	simm.s32 @!p1 $0x1082;
	[sflag:s4] =	ssyncset.s32 $0xFFFFF086  }
0x25: {  	[simem:s6], [sflag:s4] =	dma.local [hbm:s3], $0xF7A  }
0x26: {  	[smem:$0x3F9D] =	sst s1;
	(tag) =	ssettag s2;
	_ =	strace s9  }
0x27: {  	s1 =	sld [smem:$0x3FAD]  }
0x28: {  	s2 =	sld [smem:$0x3FAE]  }
0x29: {  	s4 =	sld [smem:$0x3FB0]  }
0x2a: {  	p0 =	seq.s32 s5, $0x0;
	s5 =	sld [smem:$0x3FB1]  }
0x2b: {  	s6 =	sld [smem:$0x3FB2]  }
0x2c: {  	s7 =	sld [smem:$0x3FB3]  }
0x2d: {  	s3 =	simm.s32 $0x108;
	s8 =	sld [smem:$0x3FB4]  }
0x2e: {  	s3 =	simm.s32 @!p0 $0x1082;
	s9 =	sld [smem:$0x3FB5]  }
0x2f: {  	lr =	sadd.s32 s0, s3;
	s0 =	sld [smem:$0x3FAC]  }
0x30: {  	s3 =	sld [smem:$0x3FAF]  }
0x31: {  	[smem:$0x3FB8] =	sst s10  }
0x32: {  	s10 =	sld [smem:$0x3FB6];
	_ =	sdelay $0x3  }
0x33: {  	p0 =	seq.s32 s10, $0x1;
	s10 =	sld [smem:$0x3FB8];
	_ =	sdelay $0x3  }
0x34: {  	[smem:$0x3FB8] =	sst s10  }
0x35: {  	s10 =	sld [smem:$0x3FB7];
	_ =	sdelay $0x3  }
0x36: {  	p1 =	seq.s32 s10, $0x1;
	s10 =	sld [smem:$0x3FB8];
	_ =	sdelay $0x3  }
0x37: {  	[smem:$0x3FB8] =	sst s10  }
0x38: {  	s10 =	sld [smem:$0x3FB9]  }
0x39: {  	_ = 	snop;
	(pc) =	sbr.ind lr, $3  }
0x3a: {  	_ = 	snop  }
0x3b: {  	_ = 	snop  }
0x3c: {  	p2 =	seq.s32 s10, $0x1;
	s10 =	sld [smem:$0x3FB8]  }
0x3d: {  	_ =	shalt  }
0x3e: {  	_ =	shalt  }
0x3f: {  	_ =	shalt  }
0x40: {  	_ =	shalt  }
0x41: {  	_ =	shalt  }
0x42: {  	_ =	shalt  }
0x43: {  	_ =	shalt  }
0x44: {  	_ =	shalt  }
0x45: {  	_ =	shalt  }
0x46: {  	_ =	shalt  }
0x47: {  	_ =	shalt  }
0x48: {  	_ =	shalt  }
0x49: {  	_ =	shalt  }
0x4a: {  	_ =	shalt  }
0x4b: {  	_ =	shalt  }
0x4c: {  	_ =	shalt  }
0x4d: {  	_ =	shalt  }
0x4e: {  	_ =	shalt  }
0x4f: {  	_ =	shalt  }
0x50: {  	_ =	shalt  }
0x51: {  	_ =	shalt  }
0x52: {  	_ =	shalt  }
0x53: {  	_ =	shalt  }
0x54: {  	_ =	shalt  }
0x55: {  	_ =	shalt  }
0x56: {  	_ =	shalt  }
0x57: {  	_ =	shalt  }
0x58: {  	_ =	shalt  }
0x59: {  	_ =	shalt  }
0x5a: {  	_ =	shalt  }
0x5b: {  	_ =	shalt  }
0x5c: {  	_ =	shalt  }
0x5d: {  	_ =	shalt  }
0x5e: {  	_ =	shalt  }
0x5f: {  	_ =	shalt  }
0x60: {  	_ =	shalt  }
0x61: {  	_ =	shalt  }
0x62: {  	_ =	shalt  }
0x63: {  	_ =	shalt  }
0x64: {  	_ =	shalt  }
0x65: {  	_ =	shalt  }
0x66: {  	_ =	shalt  }
0x67: {  	_ =	shalt  }
0x68: {  	_ =	shalt  }
0x69: {  	_ =	shalt  }
0x6a: {  	_ =	shalt  }
0x6b: {  	_ =	shalt  }
0x6c: {  	_ =	shalt  }
0x6d: {  	_ =	shalt  }
0x6e: {  	_ =	shalt  }
0x6f: {  	_ =	shalt  }
0x70: {  	_ =	shalt  }
0x71: {  	_ =	shalt  }
0x72: {  	_ =	shalt  }
0x73: {  	_ =	shalt  }
0x74: {  	_ =	shalt  }
0x75: {  	_ =	shalt  }
0x76: {  	_ =	shalt  }
0x77: {  	_ =	shalt  }
0x78: {  	_ =	shalt  }
0x79: {  	_ =	shalt  }
0x7a: {  	_ =	shalt  }
0x7b: {  	_ =	shalt  }
0x7c: {  	_ =	shalt  }
0x7d: {  	_ =	shalt  }
0x7e: {  	_ =	shalt  }
0x7f: {  	_ =	shalt  }
0x80: {  	_ =	shalt  }
0x81: {  	_ =	shalt  }
0x82: {  	_ =	shalt  }
0x83: {  	_ =	shalt  }
0x84: {  	_ =	shalt  }
0x85: {  	_ =	shalt  }
0x86: {  	_ =	shalt  }
0x87: {  	_ =	shalt  }
.Lfunc_end0:
.L_simem_size_0:
called_computation_lowered:
.L_overlay_start_0:
0x88: {  	s2 =	sld [smem:$0x3FD9]  }
0x89: {  	s3 =	sld [smem:$0x3FFE];
	_ =	sdelay $0x1  }
0x8a: {  	s1 =	srdreg.scid  }
0x8b: {  	s0 =	sand.u32 $0x1, s1  }
0x8c: {  	s17 =	sshll.u32 s0, $0xA;
	s2 =	sadd.s32 s3, s2  }
0x8d: {  	s2 =	sadd.s32 s2, s17  }
0x8e: {  	[smem:$0x3FC4] =	sst s2  }
0x8f: {  	_ = 	snop  }
0x90: {  	s2 =	sld [smem:$0x3FD0];
	(tm) =	ssettm $0x1  }
0x91: {  	s18 =	sld [smem:$0x3FFB];
	_ =	sdelay $0x3  }
0x92: {  	_ =	strace s18  }
0x93: {  	s3 =	sld [smem:$0x3FFC];
	_ =	sdelay $0x3  }
0x94: {  	_ =	strace s3  }
0x95: {  	s3 =	sld [smem:$0x3FFD];
	_ =	sdelay $0x3  }
0x96: {  	_ =	strace s3  }
0x97: {  	_ =	strace $0x8FFFFFFF  }
0x98: {  	s19 =	sld [smem:$0x3FDB];
	_ =	sdelay $0x1  }
0x99: {  	s4 =	simm.s32 $_scs_section_size  }
0x9a: {  	s5 =	simm.s32 $_size__tile_overlayer_lowered;
	s6 =	simm.s32 $_tile_overlayer_lowered  }
0x9b: {  	s22 =	simm.s32 $0x1BFF;
	s21 =	sshll.u32 s6, $0x1;
	s3 =	sadd.s32 s4, s19  }
0x9c: {  	s7 =	simm.s32 $0x0;
	s20 =	sshll.u32 s5, $0x1;
	s5 =	sadd.s32 s21, s3  }
0x9d: {  	[timem:s7], [sflag:s22] =	dma.local [hbm:s5], s20  }
0x9e: {  	_ =	swait.ge [sflag:s22], s20  }
0x9f: {  	s4 =	ssub.s32 $0x0, s20;
	[sflag:s22] =	ssyncset.done $0x0  }
0xa0: {  	[sflag:s22] =	ssyncadd.s32 s4;
	_ =	sdelay $0x1  }
0xa1: {  	s23 =	simm.s32 $0x1B8B  }
0xa2: {  	_ =	swait.ge [sflag:s23], $0x1  }
0xa3: {  	[sflag:s23] =	ssyncset.done $0x0  }
0xa4: {  	s25 =	simm.s32 $0x1B8E;
	s24 =	sld [smem:$0x3FFE];
	[sflag:s23] =	ssyncadd.s32 $0xFFFFFFFF  }
0xa5: {  	s26 =	simm.s32 $execute0_lowered;
	[smem:$0x3FD2] =	sst s25  }
0xa6: {  	s5 =	sshll.u32 s26, $0x1;
	_ =	strace $0x80000046;
	[dreg:$0x1] =	wrdreg $0xFFFFFFFF  }
0xa7: {  	s28 =	simm.s32 $_size_execute0_lowered;
	s3 =	sadd.s32 s3, s5;
	[dreg:$0x0] =	wrdreg $0x0  }
0xa8: {  	s5 =	sshll.u32 s28, $0x1;
	[dreg:$0x2] =	wrdreg s3  }
0xa9: {  	[dreg:$0x3] =	wrdreg s5  }
0xaa: {  	[dreg:$0x4] =	wrdreg $0xC0  }
0xab: {  	_ =	task [dreg:s7], $0x5FFFF  }
0xac: {  	[dreg:$0x1] =	wrdreg $0xFFFFFFFF  }
0xad: {  	[dreg:$0x0] =	wrdreg $0x60  }
0xae: {  	[dreg:$0x2] =	wrdreg s24  }
0xaf: {  	[dreg:$0x3] =	wrdreg s2  }
0xb0: {  	[dreg:$0x4] =	wrdreg $0x17000  }
0xb1: {  	[dreg:$0x5] =	wrdreg $0x9  }
0xb2: {  	_ =	task.clear_ibuf [dreg:s7], $0x6FFFF;
	_ =	strace $0x90000046  }
0xb3: {  	s29 =	simm.s32 $0x9;
	_ =	strace $0x80000048  }
0xb4: {  	_ =	swait.ge [sflag:s29], $0x1  }
0xb5: {  	[sflag:s29] =	ssyncadd.s32 $0xFFFFFFFF  }
0xb6: {  	_ =	strace $0x90000048  }
0xb7: {  	_ =	sfence  }
0xb8: {  	s30 =	sld [smem:$0x0];
	_ =	sdelay $0x2  }
0xb9: {  	s31 =	sshll.u32 s1, $0xD;
	s1 =	sshrl.u32 s1, $0x2  }
0xba: {  	s3 =	sand.u32 $0x4000, s31;
	s1 =	sadd.s32 s1, s30  }
0xbb: {  	s0 =	sor.u32 s3, s0;
	s1 =	sshll.u32 s1, $0x11  }
0xbc: {  	s0 =	sor.u32 s1, s0  }
0xbd: {  	s0 =	sadd.s32 $0x8F2B, s0  }
0xbe: {  	[sflag:s0] =	ssyncadd.remote.s32 $0x1  }
0xbf: {  	_ =	sfence.sel $0xFFFF  }
0xc0: {  	[dreg:$0x0] =	wrdreg $0xFFFFFFFF;
	(pc) =	sbr.abs _section_cstart, $3  }
0xc1: {  	[dreg:$0x1] =	wrdreg $0xFFFFFFFF  }
0xc2: {  	_ =	task.clear_ibuf [dreg:s7], $0x2FFFF;
	_ =	strace $0x9FFFFFFF  }
0xc3: {  	(tm) =	ssettm $0x7FFFFFFF  }
tec
execute0_lowered:
.L_overlay_start_1:
0x0: {  	(tag) =	ssettag $0x1  }
0x1: {  	s4 =	rddreg [dreg:$0x0]  }
0x2: {  	s6 =	rddreg [dreg:$0x1];
	s0 =	srdreg.scid  }
0x3: {  	s2 =	rddreg [dreg:$0x2];
	s1 =	stileid.u32;
	s3 =	simm.s32 $0x0  }
0x4: {  	s11 =	simm.s32 $0x1400;
	s5 =	sand.u32 $0x1, s0;
	s0 =	rddreg [dreg:$0x3]  }
0x5: {  	s14 =	simm.s32 $0x0;
	s8 =	smul.u32 $0x278, s1;
	[smem:$0x7FF] =	sst s3  }
0x6: {  	s12 =	sshll.u32 s1, $0x6;
	s7 =	sshll.u32 s5, $0x4;
	s9 =	smul.u32 $0x2780, s5  }
0x7: {  	s5 =	ssub.s32 $0x2, s5;
	_ =	strace $0x80000047;
	s7 =	sor.u32 s1, s7  }
0x8: {  	s10 =	sshrl.u32 s5, $0x1;
	s7 =	smul.u32 $0x280, s7;
	s9 =	sadd.s32 s8, s9  }
0x9: {  	s12 =	sor.u32 $0x1C01, s12;
	s10 =	ssub.s32 s5, s10;
	s9 =	sshrl.u32 s9, $0x3  }
0xa: {  	s7 =	sadd.s32 s7, s4;
	s4 =	sadd.s32 s8, s2;
	s6 =	sadd.s32 s6, s9  }
0xb: {  	s8 =	simm.s32 $0x1480;
	s9 =	simm.s32 $0x1;
	s5 =	sadd.s32 $0x400, s7  }
0xc: {  	v0 =	vimm.f32 $1.000000000e+00;
	v1 =	vimm.f32 $0.0e+00;
	s7 =	smax.u32 s10, $0x1;
	s10 =	simm.s32 $0x80;
	s13 =	sshrl.u32 s4, $0x3  }
.LBB2_1:
0xd: {  	[tilespmem:$0x1400] =	vst v0  }
0xe: {  	[tilespmem:$0x1410] =	vst v0  }
0xf: {  	[tilespmem:$0x1420] =	vst v0  }
0x10: {  	[tilespmem:$0x1430] =	vst v0  }
0x11: {  	[tilespmem:$0x1440] =	vst v0  }
0x12: {  	[tilespmem:$0x1450] =	vst v0  }
0x13: {  	[tilespmem:$0x1460] =	vst v0  }
0x14: {  	[tilespmem:$0x1470] =	vst v0  }
0x15: {  	[tilespmem:$0x1480] =	vst v1  }
0x16: {  	[tilespmem:$0x1490] =	vst v1  }
0x17: {  	[tilespmem:$0x14A0] =	vst v1  }
0x18: {  	[tilespmem:$0x14B0] =	vst v1  }
0x19: {  	[tilespmem:$0x14C0] =	vst v1  }
0x1a: {  	[tilespmem:$0x14D0] =	vst v1  }
0x1b: {  	[tilespmem:$0x14E0] =	vst v1  }
0x1c: {  	[tilespmem:$0x14F0] =	vst v1  }
0x1d: {  	[tilespmem:$0x1500] =	vst v1  }
0x1e: {  	[tilespmem:$0x1510] =	vst v1  }
0x1f: {  	[tilespmem:$0x1520] =	vst v1  }
0x20: {  	[tilespmem:$0x1530] =	vst v1  }
0x21: {  	[tilespmem:$0x1540] =	vst v1  }
0x22: {  	[tilespmem:$0x1550] =	vst v1  }
0x23: {  	[tilespmem:$0x1560] =	vst v1  }
0x24: {  	[tilespmem:$0x1570] =	vst v1  }
0x25: {  	[tilespmem:$0x1580] =	vst v1  }
0x26: {  	[tilespmem:$0x1590] =	vst v1  }
0x27: {  	[tilespmem:$0x15A0] =	vst v1  }
0x28: {  	[tilespmem:$0x15B0] =	vst v1  }
0x29: {  	[tilespmem:$0x15C0] =	vst v1  }
0x2a: {  	[tilespmem:$0x15D0] =	vst v1  }
0x2b: {  	[tilespmem:$0x15E0] =	vst v1  }
0x2c: {  	[tilespmem:$0x15F0] =	vst v1  }
0x2d: {  	[tilespmem:$0x1600] =	vst v1  }
0x2e: {  	[tilespmem:$0x1610] =	vst v1  }
0x2f: {  	[tilespmem:$0x1620] =	vst v1  }
0x30: {  	[tilespmem:$0x1630] =	vst v1  }
0x31: {  	[tilespmem:$0x1640] =	vst v1  }
0x32: {  	[tilespmem:$0x1650] =	vst v1  }
0x33: {  	[tilespmem:$0x1660] =	vst v1  }
0x34: {  	[tilespmem:$0x1670] =	vst v1  }
0x35: {  	[tilespmem:$0x1680] =	vst v1  }
0x36: {  	[tilespmem:$0x1690] =	vst v1  }
0x37: {  	[tilespmem:$0x16A0] =	vst v1  }
0x38: {  	[tilespmem:$0x16B0] =	vst v1  }
0x39: {  	[tilespmem:$0x16C0] =	vst v1  }
0x3a: {  	[tilespmem:$0x16D0] =	vst v1  }
0x3b: {  	[tilespmem:$0x16E0] =	vst v1  }
0x3c: {  	[tilespmem:$0x16F0] =	vst v1  }
0x3d: {  	[spmem:s4] =	stream.linear.scatter [tilespmem:s8], [sflag:$0x1], $0x278, $0x38;
	[tilespmem:$0x1978] =	vst v63  }
0x3e: {  	_ =	swait.ge [sflag:s9], $0x278  }
0x3f: {  	[sflag:s9] =	ssyncset.done $0x0  }
0x40: {  	[sflag:s9] =	ssyncadd.s32 $0xFFFFFD88  }
0x41: {  	[bflag:$0x0] =	sbarrier.arrive $0xFFFF  }
0x42: {  	[tilespmem:s3], [sflag:$0x1] =	stream.linear.gather [hbm4b:s5+s3], $0x1400, $0x38;
	[tilespmem:$0x1978] =	vst v63  }
0x43: {  	_ =	swait.ge [sflag:s9], $0x1400  }
0x44: {  	[sflag:s9] =	ssyncset.done $0x0  }
0x45: {  	s15 =	simm.s32 $0x0;
	[sflag:s9] =	ssyncadd.s32 $0xFFFFEC00  }
0x46: {  	[spmem:s2] =	stream.indirect.scatter.add.f32 [tilespmem:s11], [sflag:$0x1], $0x1, s15, s10, $0xb8;
	[tilespmem:$0x1978] =	vst v63  }
0x47: {  	_ =	swait.ge [sflag:s9], $0x80  }
0x48: {  	s15 =	simm.s32 $0x200;
	[sflag:s9] =	ssyncset.done $0x0  }
.LBB2_2:
0x49: {  	s16 =	sshra.s32 s15, $0x2;
	[sflag:s9] =	ssyncadd.s32 $0xFFFFFF80;
	p0 =	sne.s32 s15, $0x4E00  }
0x4a: {  	[spmem:s2] =	stream.indirect.scatter.add.f32 [tilespmem:s11], [sflag:$0x1], $0x1, s16, s10, $0xb8;
	[tilespmem:$0x1978] =	vst v63  }
.Ltmp0:
0x4b: {  	_ = 	snop;
	(pc) =	sbr.rel @p0 .LBB2_2-.Ltmp0, $4  }
0x4c: {  	_ = 	snop  }
0x4d: {  	s15 =	sadd.s32 $0x200, s15  }
0x4e: {  	_ =	swait.ge [sflag:s9], $0x80  }
0x4f: {  	[sflag:s9] =	ssyncset.done $0x0  }
0x50: {  	s14 =	sadd.s32 $0x1, s14  }
0x51: {  	[sflag:s9] =	ssyncadd.s32 $0xFFFFFF80;
	p0 =	sne.s32 s14, s7  }
.Ltmp1:
0x52: {  	[bflag:$0x0] =	sbarrier.arrive $0xFFFF;
	(pc) =	sbr.rel @p0 .LBB2_1-.Ltmp1, $4  }
0x53: {  	[hbm:s6], [sflag:s12] =	dma.local [spmem:s13], $0x4F  }
0x54: {  	_ =	swait.ge [sflag:s9], $0x4F  }
0x55: {  	[sflag:s9] =	ssyncset.done $0x0  }
0x56: {  	[sflag:s9] =	ssyncadd.s32 $0xFFFFFFB1  }
0x57: {  	_ =	sfence.sel $0x180000  }
0x58: {  	[bflag:$0x0] =	sbarrier.arrive $0xFFFF  }
0x59: {  	p0 =	sne.s32 s1, $0x0;
	_ =	strace $0x90000047  }
0x5a: {  	s0 =	sadd.s32 @!p0 $0x100000, s0;
	[bflag:$0x2] =	sbarrier.arrive $0xFFFF  }
0x5b: {  	[sflag:s0] =	ssyncadd.tile.s32 @!p0 $0x1;
	_ =	shalt  }
.Lfunc_end2:
_tile_overlayer_lowered:
.L_overlay_start_2:
0x5c: {  	(tag) =	ssettag $0x2  }
0x5d: {  	s0 =	rddreg [dreg:$0x0];
	s2 =	stileid.u32  }
0x5e: {  	s1 =	rddreg [dreg:$0x1];
	p0 =	sne.s32 s2, $0x0  }
0x5f: {  	s3 =	rddreg [dreg:$0x2];
	[bflag:$0x3] =	sbarrier.arrive $0xFFFF;
	s2 =	simm.s32 @!p0 $0x1C01  }
0x60: {  	[timem:s3], [sflag:s2] =	dma.local @!p0 [hbm:s0], s1  }
0x61: {  	s0 =	simm.s32 @!p0 $0x1  }
0x62: {  	_ =	swait.ge @!p0 [sflag:s0], s1  }
0x63: {  	s1 =	ssub.s32 @!p0 $0x0, s1;
	[sflag:s0] =	ssyncset.done @!p0 $0x0  }
0x64: {  	[sflag:s0] =	ssyncadd.s32 @!p0 s1  }
0x65: {  	[bflag:$0x3] =	sbarrier.arrive $0xFFFF  }
0x66: {  	_ =	shalt  }

// kernel: kernel.9.cloned.1.call-start
scs
__scs_entry_jumppad:
0x0: {  	(pc) =	sbr.rel $0x88, $3  }
0x1: {  	(tag) =	ssettag $0x0;
	lr =	simm.s32 $0x1  }
0x2: {  	[smem:$0x3F9D] =	sst lr;
	_ =	strace $0xD0000000  }
0x3: {  	_ = 	snop  }
0x4: {  	_ = 	snop  }
0x5: {  	_ = 	snop  }
0x6: {  	_ = 	snop  }
0x7: {  	_ = 	snop  }
__scs_overlays_trampoline_lowered:
0x8: {  	[smem:$0x3FAC] =	sst s0  }
0x9: {  	[smem:$0x3FAD] =	sst s1  }
0xa: {  	[smem:$0x3FAE] =	sst s2  }
0xb: {  	[smem:$0x3FAF] =	sst s3  }
0xc: {  	[smem:$0x3FB0] =	sst s4  }
0xd: {  	[smem:$0x3FB1] =	sst s5  }
0xe: {  	[smem:$0x3FB2] =	sst s6  }
0xf: {  	[smem:$0x3FB3] =	sst s7  }
0x10: {  	[smem:$0x3FB4] =	sst s8  }
0x11: {  	[smem:$0x3FB5] =	sst s9;
	s0 =	simm.s32 @!p0 $0x0  }
0x12: {  	s1 =	sld [smem:$0x3F9B];
	s0 =	simm.s32 @p0 $0x1  }
0x13: {  	[smem:$0x3FB6] =	sst s0;
	s0 =	simm.s32 @!p1 $0x0  }
0x14: {  	s2 =	sld [smem:$0x3F9A];
	s0 =	simm.s32 @p1 $0x1  }
0x15: {  	[smem:$0x3FB7] =	sst s0;
	s0 =	simm.s32 @!p2 $0x0  }
0x16: {  	s3 =	sld [smem:$0x3FDB];
	s0 =	simm.s32 @p2 $0x1  }
0x17: {  	s4 =	simm.s32 $0x1BF5;
	[smem:$0x3FB9] =	sst s0  }
0x18: {  	s0 =	sld [smem:$0x3F9C];
	_ =	swait.ge [sflag:s4], $0x0  }
0x19: {  	s7 =	sld [smem:$0x3F9D]  }
0x1a: {  	s8 =	sadd.s32 $0xFFFFE003, lr  }
0x1b: {  	s9 =	sadd.s32 $0xFFFFFEF7, lr;
	s5 =	simm.s32 $0xFFFFFFFF;
	p2 =	slt.u32 s8, $0xFFFFF086  }
0x1c: {  	p1 =	slt.u32 s9, $0xF7A;
	s5 =	simm.s32 @!p2 $0x0  }
0x1d: {  	s5 =	simm.s32 @p1 $0x1;
	p0 =	seq.s32 s7, s2  }
0x1e: {  	s7 =	smul.u32 @!p0 $0xF7A, s2;
	p2 =	seq.s32 @!p0 s5, $0x0  }
0x1f: {  	s9 =	smul.u32 $0xF7A, s1;
	s8 =	simm.s32 @!p0 $0x1BF5;
	p2 =	por !p2, p0  }
0x20: {  	[sflag:s8] =	ssyncset.s32 @!p0 $0xFFFFF086;
	s6 =	sadd.s32 @!p0 s3, s7;
	s7 =	simm.s32 @!p0 $0x108  }
0x21: {  	s3 =	sadd.s32 s3, s9;
	s6 =	sadd.s32 @!p0 $0x88, s6;
	s7 =	simm.s32 @p2 $0x1082  }
0x22: {  	[simem:s7], [sflag:s8] =	dma.local @!p0 [hbm:s6], $0xF7A  }
0x23: {  	s9 =	sor.u32 $0xD0000000, s2;
	s6 =	simm.s32 $0x108;
	_ =	swait.ge @!p0 [sflag:s8], $0x0  }
0x24: {  	s3 =	sadd.s32 $0x88, s3;
	s6 =	simm.s32 @!p1 $0x1082;
	[sflag:s4] =	ssyncset.s32 $0xFFFFF086  }
0x25: {  	[simem:s6], [sflag:s4] =	dma.local [hbm:s3], $0xF7A  }
0x26: {  	[smem:$0x3F9D] =	sst s1;
	(tag) =	ssettag s2;
	_ =	strace s9  }
0x27: {  	s1 =	sld [smem:$0x3FAD]  }
0x28: {  	s2 =	sld [smem:$0x3FAE]  }
0x29: {  	s4 =	sld [smem:$0x3FB0]  }
0x2a: {  	p0 =	seq.s32 s5, $0x0;
	s5 =	sld [smem:$0x3FB1]  }
0x2b: {  	s6 =	sld [smem:$0x3FB2]  }
0x2c: {  	s7 =	sld [smem:$0x3FB3]  }
0x2d: {  	s3 =	simm.s32 $0x108;
	s8 =	sld [smem:$0x3FB4]  }
0x2e: {  	s3 =	simm.s32 @!p0 $0x1082;
	s9 =	sld [smem:$0x3FB5]  }
0x2f: {  	lr =	sadd.s32 s0, s3;
	s0 =	sld [smem:$0x3FAC]  }
0x30: {  	s3 =	sld [smem:$0x3FAF]  }
0x31: {  	[smem:$0x3FB8] =	sst s10  }
0x32: {  	s10 =	sld [smem:$0x3FB6];
	_ =	sdelay $0x3  }
0x33: {  	p0 =	seq.s32 s10, $0x1;
	s10 =	sld [smem:$0x3FB8];
	_ =	sdelay $0x3  }
0x34: {  	[smem:$0x3FB8] =	sst s10  }
0x35: {  	s10 =	sld [smem:$0x3FB7];
	_ =	sdelay $0x3  }
0x36: {  	p1 =	seq.s32 s10, $0x1;
	s10 =	sld [smem:$0x3FB8];
	_ =	sdelay $0x3  }
0x37: {  	[smem:$0x3FB8] =	sst s10  }
0x38: {  	s10 =	sld [smem:$0x3FB9]  }
0x39: {  	_ = 	snop;
	(pc) =	sbr.ind lr, $3  }
0x3a: {  	_ = 	snop  }
0x3b: {  	_ = 	snop  }
0x3c: {  	p2 =	seq.s32 s10, $0x1;
	s10 =	sld [smem:$0x3FB8]  }
0x3d: {  	_ =	shalt  }
0x3e: {  	_ =	shalt  }
0x3f: {  	_ =	shalt  }
0x40: {  	_ =	shalt  }
0x41: {  	_ =	shalt  }
0x42: {  	_ =	shalt  }
0x43: {  	_ =	shalt  }
0x44: {  	_ =	shalt  }
0x45: {  	_ =	shalt  }
0x46: {  	_ =	shalt  }
0x47: {  	_ =	shalt  }
0x48: {  	_ =	shalt  }
0x49: {  	_ =	shalt  }
0x4a: {  	_ =	shalt  }
0x4b: {  	_ =	shalt  }
0x4c: {  	_ =	shalt  }
0x4d: {  	_ =	shalt  }
0x4e: {  	_ =	shalt  }
0x4f: {  	_ =	shalt  }
0x50: {  	_ =	shalt  }
0x51: {  	_ =	shalt  }
0x52: {  	_ =	shalt  }
0x53: {  	_ =	shalt  }
0x54: {  	_ =	shalt  }
0x55: {  	_ =	shalt  }
0x56: {  	_ =	shalt  }
0x57: {  	_ =	shalt  }
0x58: {  	_ =	shalt  }
0x59: {  	_ =	shalt  }
0x5a: {  	_ =	shalt  }
0x5b: {  	_ =	shalt  }
0x5c: {  	_ =	shalt  }
0x5d: {  	_ =	shalt  }
0x5e: {  	_ =	shalt  }
0x5f: {  	_ =	shalt  }
0x60: {  	_ =	shalt  }
0x61: {  	_ =	shalt  }
0x62: {  	_ =	shalt  }
0x63: {  	_ =	shalt  }
0x64: {  	_ =	shalt  }
0x65: {  	_ =	shalt  }
0x66: {  	_ =	shalt  }
0x67: {  	_ =	shalt  }
0x68: {  	_ =	shalt  }
0x69: {  	_ =	shalt  }
0x6a: {  	_ =	shalt  }
0x6b: {  	_ =	shalt  }
0x6c: {  	_ =	shalt  }
0x6d: {  	_ =	shalt  }
0x6e: {  	_ =	shalt  }
0x6f: {  	_ =	shalt  }
0x70: {  	_ =	shalt  }
0x71: {  	_ =	shalt  }
0x72: {  	_ =	shalt  }
0x73: {  	_ =	shalt  }
0x74: {  	_ =	shalt  }
0x75: {  	_ =	shalt  }
0x76: {  	_ =	shalt  }
0x77: {  	_ =	shalt  }
0x78: {  	_ =	shalt  }
0x79: {  	_ =	shalt  }
0x7a: {  	_ =	shalt  }
0x7b: {  	_ =	shalt  }
0x7c: {  	_ =	shalt  }
0x7d: {  	_ =	shalt  }
0x7e: {  	_ =	shalt  }
0x7f: {  	_ =	shalt  }
0x80: {  	_ =	shalt  }
0x81: {  	_ =	shalt  }
0x82: {  	_ =	shalt  }
0x83: {  	_ =	shalt  }
0x84: {  	_ =	shalt  }
0x85: {  	_ =	shalt  }
0x86: {  	_ =	shalt  }
0x87: {  	_ =	shalt  }
.Lfunc_end0:
.L_simem_size_0:
called_computation.1_lowered:
.L_overlay_start_0:
0x88: {  	s2 =	sld [smem:$0x3FD9]  }
0x89: {  	s3 =	sld [smem:$0x3FFE];
	_ =	sdelay $0x1  }
0x8a: {  	s1 =	srdreg.scid  }
0x8b: {  	s0 =	sand.u32 $0x1, s1  }
0x8c: {  	s17 =	sshll.u32 s0, $0xA;
	s2 =	sadd.s32 s3, s2  }
0x8d: {  	s2 =	sadd.s32 s2, s17  }
0x8e: {  	[smem:$0x3FC4] =	sst s2  }
0x8f: {  	_ = 	snop  }
0x90: {  	s2 =	sld [smem:$0x3FD0];
	(tm) =	ssettm $0x1  }
0x91: {  	s18 =	sld [smem:$0x3FFB];
	_ =	sdelay $0x3  }
0x92: {  	_ =	strace s18  }
0x93: {  	s3 =	sld [smem:$0x3FFC];
	_ =	sdelay $0x3  }
0x94: {  	_ =	strace s3  }
0x95: {  	s3 =	sld [smem:$0x3FFD];
	_ =	sdelay $0x3  }
0x96: {  	_ =	strace s3  }
0x97: {  	_ =	strace $0x8FFFFFFF  }
0x98: {  	s19 =	sld [smem:$0x3FDB];
	_ =	sdelay $0x1  }
0x99: {  	s4 =	simm.s32 $_scs_section_size  }
0x9a: {  	s5 =	simm.s32 $_size__tile_overlayer_lowered;
	s6 =	simm.s32 $_tile_overlayer_lowered  }
0x9b: {  	s22 =	simm.s32 $0x1BFF;
	s21 =	sshll.u32 s6, $0x1;
	s3 =	sadd.s32 s4, s19  }
0x9c: {  	s7 =	simm.s32 $0x0;
	s20 =	sshll.u32 s5, $0x1;
	s5 =	sadd.s32 s21, s3  }
0x9d: {  	[timem:s7], [sflag:s22] =	dma.local [hbm:s5], s20  }
0x9e: {  	_ =	swait.ge [sflag:s22], s20  }
0x9f: {  	s4 =	ssub.s32 $0x0, s20;
	[sflag:s22] =	ssyncset.done $0x0  }
0xa0: {  	[sflag:s22] =	ssyncadd.s32 s4;
	_ =	sdelay $0x1  }
0xa1: {  	s23 =	simm.s32 $0x1B8B  }
0xa2: {  	_ =	swait.ge [sflag:s23], $0x1  }
0xa3: {  	[sflag:s23] =	ssyncset.done $0x0  }
0xa4: {  	s25 =	simm.s32 $0x1B8E;
	s24 =	sld [smem:$0x3FFE];
	[sflag:s23] =	ssyncadd.s32 $0xFFFFFFFF  }
0xa5: {  	s26 =	simm.s32 $execute0_lowered;
	[smem:$0x3FD2] =	sst s25  }
0xa6: {  	s5 =	sshll.u32 s26, $0x1;
	_ =	strace $0x80000049;
	[dreg:$0x1] =	wrdreg $0xFFFFFFFF  }
0xa7: {  	s28 =	simm.s32 $_size_execute0_lowered;
	s3 =	sadd.s32 s3, s5;
	[dreg:$0x0] =	wrdreg $0x0  }
0xa8: {  	s5 =	sshll.u32 s28, $0x1;
	[dreg:$0x2] =	wrdreg s3  }
0xa9: {  	[dreg:$0x3] =	wrdreg s5  }
0xaa: {  	[dreg:$0x4] =	wrdreg $0xC0  }
0xab: {  	_ =	task [dreg:s7], $0x5FFFF  }
0xac: {  	[dreg:$0x1] =	wrdreg $0xFFFFFFFF  }
0xad: {  	[dreg:$0x0] =	wrdreg $0x60  }
0xae: {  	[dreg:$0x2] =	wrdreg s2  }
0xaf: {  	[dreg:$0x3] =	wrdreg s24  }
0xb0: {  	[dreg:$0x4] =	wrdreg $0xC3000  }
0xb1: {  	[dreg:$0x5] =	wrdreg $0x9  }
0xb2: {  	_ =	task.clear_ibuf [dreg:s7], $0x6FFFF;
	_ =	strace $0x90000049  }
0xb3: {  	s29 =	simm.s32 $0x9;
	_ =	strace $0x8000004B  }
0xb4: {  	_ =	swait.ge [sflag:s29], $0x1  }
0xb5: {  	[sflag:s29] =	ssyncadd.s32 $0xFFFFFFFF  }
0xb6: {  	_ =	strace $0x9000004B  }
0xb7: {  	_ =	sfence  }
0xb8: {  	s30 =	sld [smem:$0x0];
	_ =	sdelay $0x2  }
0xb9: {  	s31 =	sshll.u32 s1, $0xD;
	s1 =	sshrl.u32 s1, $0x2  }
0xba: {  	s3 =	sand.u32 $0x4000, s31;
	s1 =	sadd.s32 s1, s30  }
0xbb: {  	s0 =	sor.u32 s3, s0;
	s1 =	sshll.u32 s1, $0x11  }
0xbc: {  	s0 =	sor.u32 s1, s0  }
0xbd: {  	s0 =	sadd.s32 $0x8F2B, s0  }
0xbe: {  	[sflag:s0] =	ssyncadd.remote.s32 $0x1  }
0xbf: {  	_ =	sfence.sel $0xFFFF  }
0xc0: {  	[dreg:$0x0] =	wrdreg $0xFFFFFFFF;
	(pc) =	sbr.abs _section_cstart, $3  }
0xc1: {  	[dreg:$0x1] =	wrdreg $0xFFFFFFFF  }
0xc2: {  	_ =	task.clear_ibuf [dreg:s7], $0x2FFFF;
	_ =	strace $0x9FFFFFFF  }
0xc3: {  	(tm) =	ssettm $0x7FFFFFFF  }
tec
execute0_lowered:
.L_overlay_start_1:
0x0: {  	(tag) =	ssettag $0x1  }
0x1: {  	s1 =	rddreg [dreg:$0x0]  }
0x2: {  	s0 =	rddreg [dreg:$0x1]  }
0x3: {  	s2 =	rddreg [dreg:$0x2];
	s3 =	simm.s32 $0x0;
	s4 =	srdreg.scid  }
0x4: {  	s12 =	stileid.u32;
	s29 =	simm.s32 $0x80;
	s30 =	simm.s32 $0x100  }
0x5: {  	s31 =	simm.s32 $0x180;
	[smem:$0x7FF] =	sst s3;
	s4 =	sand.u32 $0x1, s4  }
0x6: {  	s5 =	sadd.s32 $0x5400, s0;
	s6 =	sadd.s32 $0x400, s0;
	s9 =	smul.u32 $0x13C00, s12  }
0x7: {  	s0 =	sadd.s32 $0xF400, s0;
	s7 =	ssub.s32 $0x2, s4;
	s10 =	smul.u32 $0x28000, s4  }
0x8: {  	_ =	strace $0x8000004A;
	s4 =	smul.u32 $0x13C000, s4;
	s8 =	sshrl.u32 s7, $0x1  }
0x9: {  	s16 =	sadd.s32 s9, s2;
	s11 =	sadd.s32 $0x4000, s9;
	s13 =	sadd.s32 $0x8000, s9  }
0xa: {  	s14 =	sadd.s32 $0xC000, s9;
	s26 =	sadd.s32 $0x10000, s9;
	s7 =	ssub.s32 s7, s8  }
0xb: {  	s8 =	smul.u32 $0x2800, s12;
	s28 =	sadd.s32 s11, s2;
	s24 =	sadd.s32 s13, s2  }
0xc: {  	s25 =	sadd.s32 s14, s2;
	s17 =	sadd.s32 s26, s2;
	[dreg:$0x4] =	wrdreg s16  }
0xd: {  	s9 =	sadd.s32 s9, s4;
	s11 =	sadd.s32 s4, s11;
	[dreg:$0x6] =	wrdreg s24  }
0xe: {  	s13 =	sadd.s32 s4, s13;
	s14 =	sadd.s32 s4, s14;
	[dreg:$0x7] =	wrdreg s25  }
0xf: {  	s4 =	sadd.s32 s4, s26;
	[dreg:$0x8] =	wrdreg s17;
	s9 =	sshrl.u32 s9, $0x3  }
0x10: {  	s21 =	sshrl.u32 s11, $0x3;
	s22 =	sshrl.u32 s13, $0x3;
	s23 =	sshrl.u32 s14, $0x3  }
0x11: {  	s4 =	sshrl.u32 s4, $0x3;
	s26 =	smax.u32 s7, $0x1;
	s11 =	simm.s32 $0xB  }
0x12: {  	s14 =	simm.s32 $0x6;
	[dreg:$0x5] =	wrdreg s28;
	s12 =	sadd.s32 s8, s10  }
0x13: {  	s18 =	sshrl.u32 s8, $0x3;
	s9 =	sadd.s32 s0, s9;
	[dreg:$0x14] =	wrdreg s26  }
0x14: {  	s24 =	sadd.s32 s0, s23;
	s26 =	simm.s32 $0x4300;
	[dreg:$0xe] =	wrdreg s9  }
0x15: {  	s15 =	sshrl.u32 s12, $0x3;
	s9 =	sadd.s32 s0, s21;
	[dreg:$0x11] =	wrdreg s24  }
0x16: {  	s23 =	simm.s32 $0x4;
	s15 =	sadd.s32 s5, s15;
	[dreg:$0xf] =	wrdreg s9  }
0x17: {  	s21 =	simm.s32 $0x3;
	s9 =	sadd.s32 s0, s22;
	[dreg:$0x9] =	wrdreg s15  }
0x18: {  	s24 =	simm.s32 $0x8300;
	s0 =	sadd.s32 s0, s4;
	[dreg:$0x10] =	wrdreg s9  }
0x19: {  	s4 =	simm.s32 $0x280;
	s17 =	sadd.s32 $0x10, s15;
	[dreg:$0x12] =	wrdreg s0  }
0x1a: {  	s22 =	simm.s32 $0x8;
	s15 =	sadd.s32 s6, s18;
	[dreg:$0xa] =	wrdreg s17  }
0x1b: {  	s0 =	simm.s32 $0x200;
	s19 =	sadd.s32 $0x10, s15;
	[dreg:$0xb] =	wrdreg s15  }
0x1c: {  	s18 =	simm.s32 $0x2;
	s20 =	sadd.s32 $0x20, s15;
	[dreg:$0xc] =	wrdreg s19  }
0x1d: {  	s9 =	simm.s32 $0x0;
	s25 =	sadd.s32 $0x30, s15;
	[dreg:$0xd] =	wrdreg s20  }
0x1e: {  	s15 =	simm.s32 $0x1;
	s17 =	simm.s32 $0x300;
	[dreg:$0x13] =	wrdreg s25  }
0x1f: {  	v0 =	vimm.f32 $0.0e+00;
	s19 =	simm.s32 $0x2300;
	s20 =	simm.s32 $0x7;
	s25 =	simm.s32 $0x5  }
.LBB2_1:
0x20: {  	[dreg:$0x15] =	wrdreg s9;
	s7 =	simm.s32 $0x0;
	s9 =	simm.s32 $0x200  }
.LBB2_2:
0x21: {  	p0 =	sne.s32 s9, $0xFE00;
	[tilespmem:s7+$0x4370] =	vst v0  }
0x22: {  	[tilespmem:s7+$0x4300] =	vst v0  }
0x23: {  	[tilespmem:s7+$0x4310] =	vst v0  }
.Ltmp0:
0x24: {  	[tilespmem:s7+$0x4320] =	vst v0;
	(pc) =	sbr.rel @p0 .LBB2_2-.Ltmp0, $4  }
0x25: {  	[tilespmem:s7+$0x4330] =	vst v0  }
0x26: {  	[tilespmem:s7+$0x4340] =	vst v0  }
0x27: {  	[tilespmem:s7+$0x4350] =	vst v0  }
0x28: {  	[tilespmem:s7+$0x4360] =	vst v0;
	s7 =	sshra.s32 s9, $0x2;
	s9 =	sadd.s32 $0x200, s9  }
0x29: {  	[tilespmem:s7+$0x4370] =	vst v0  }
0x2a: {  	[tilespmem:s7+$0x4300] =	vst v0  }
0x2b: {  	[tilespmem:s7+$0x4310] =	vst v0  }
0x2c: {  	[tilespmem:s7+$0x4320] =	vst v0  }
0x2d: {  	[tilespmem:s7+$0x4330] =	vst v0  }
0x2e: {  	[tilespmem:s7+$0x4340] =	vst v0  }
0x2f: {  	[tilespmem:s7+$0x4350] =	vst v0  }
0x30: {  	[tilespmem:s7+$0x4360] =	vst v0  }
0x31: {  	[spmem:s16] =	stream.linear.scatter [tilespmem:s26], [sflag:$0xB], $0x4000, $0x38;
	[tilespmem:$0x1FF00] =	vst v63  }
0x32: {  	_ =	swait.ge [sflag:s11], $0x4000  }
0x33: {  	[sflag:s11] =	ssyncset.done $0x0  }
0x34: {  	[sflag:s11] =	ssyncadd.s32 $0xFFFFC000  }
0x35: {  	[spmem:s28] =	stream.linear.scatter [tilespmem:s26], [sflag:$0xB], $0x4000, $0x38;
	[tilespmem:$0x1FF00] =	vst v63  }
0x36: {  	_ =	swait.ge [sflag:s11], $0x4000  }
0x37: {  	[sflag:s11] =	ssyncset.done $0x0  }
0x38: {  	s16 =	rddreg [dreg:$0x6];
	[sflag:s11] =	ssyncadd.s32 $0xFFFFC000  }
0x39: {  	[spmem:s16] =	stream.linear.scatter [tilespmem:s26], [sflag:$0xB], $0x4000, $0x38;
	[tilespmem:$0x1FF00] =	vst v63  }
0x3a: {  	_ =	swait.ge [sflag:s11], $0x4000  }
0x3b: {  	[sflag:s11] =	ssyncset.done $0x0  }
0x3c: {  	s28 =	rddreg [dreg:$0x7];
	[sflag:s11] =	ssyncadd.s32 $0xFFFFC000  }
0x3d: {  	[spmem:s28] =	stream.linear.scatter [tilespmem:s26], [sflag:$0xB], $0x4000, $0x38;
	[tilespmem:$0x1FF00] =	vst v63  }
0x3e: {  	_ =	swait.ge [sflag:s11], $0x4000  }
0x3f: {  	[sflag:s11] =	ssyncset.done $0x0  }
0x40: {  	s9 =	rddreg [dreg:$0x8];
	[sflag:s11] =	ssyncadd.s32 $0xFFFFC000  }
0x41: {  	[spmem:s9] =	stream.linear.scatter [tilespmem:s26], [sflag:$0xB], $0x3C00, $0x38;
	[tilespmem:$0x1FF00] =	vst v63  }
0x42: {  	_ =	swait.ge [sflag:s11], $0x3C00  }
0x43: {  	[sflag:s11] =	ssyncset.done $0x0  }
0x44: {  	[sflag:s11] =	ssyncadd.s32 $0xFFFFC400  }
0x45: {  	[bflag:$0x0] =	sbarrier.arrive $0xFFFF  }
0x46: {  	s7 =	simm.s32 $0x0;
	s9 =	rddreg [dreg:$0x9]  }
0x47: {  	[tilespmem:s7], [sflag:$0x1] =	stream.linear.gather [hbm4b:s9+s7], $0x80, $0x38;
	[tilespmem:$0x1FF00] =	vst v63  }
0x48: {  	s10 =	rddreg [dreg:$0xa]  }
0x49: {  	[tilespmem:s29], [sflag:$0x2] =	stream.linear.gather [hbm4b:s10+s7], $0x80, $0x38;
	[tilespmem:$0x1FF00] =	vst v63  }
0x4a: {  	s11 =	rddreg [dreg:$0xb]  }
0x4b: {  	[tilespmem:s30], [sflag:$0x3] =	stream.linear.gather [hbm4b:s11+s7], $0x80, $0x38;
	[tilespmem:$0x1FF00] =	vst v63  }
0x4c: {  	s13 =	rddreg [dreg:$0xc]  }
0x4d: {  	[tilespmem:s31], [sflag:$0x4] =	stream.linear.gather [hbm4b:s13+s7], $0x80, $0x38;
	[tilespmem:$0x1FF00] =	vst v63  }
0x4e: {  	s16 =	rddreg [dreg:$0xd]  }
0x4f: {  	[tilespmem:s0], [sflag:$0x5] =	stream.linear.gather [hbm4b:s16+s7], $0x80, $0x38;
	[tilespmem:$0x1FF00] =	vst v63  }
0x50: {  	s28 =	rddreg [dreg:$0x13]  }
0x51: {  	[tilespmem:s4], [sflag:$0x6] =	stream.linear.gather [hbm4b:s28+s7], $0x80, $0x38;
	[tilespmem:$0x1FF00] =	vst v63  }
0x52: {  	_ =	swait.ge [sflag:s15], $0x80  }
0x53: {  	[sflag:s15] =	ssyncset.done $0x0  }
0x54: {  	[sflag:s15] =	ssyncadd.s32 $0xFFFFFF80  }
0x55: {  	[tilespmem:s17], [sflag:$0x7] =	stream.indirect.gather [hbm4b:s1+s29], $0x40, s7, s29, $0xb8;
	[tilespmem:$0x1FF00] =	vst v63  }
.LBB2_4:
0x56: {  	_ =	swait.ge [sflag:s18], $0x80  }
0x57: {  	s9 =	sshll.u32 s7, $0x9;
	[sflag:s18] =	ssyncset.done $0x0  }
0x58: {  	s10 =	sor.u32 $0x100, s9;
	[sflag:s18] =	ssyncadd.s32 $0xFFFFFF80  }
0x59: {  	[tilespmem:s19], [sflag:$0x8] =	stream.indirect.gather [hbm4b:s1+s29], $0x40, s29, s29, $0xb8;
	[tilespmem:$0x1FF00] =	vst v63  }
0x5a: {  	s11 =	sadd.s32 s12, s10;
	_ =	swait.ge [sflag:s20], $0x2000  }
0x5b: {  	s11 =	sshrl.u32 s11, $0x3;
	[sflag:s20] =	ssyncset.done $0x0  }
0x5c: {  	p0 =	seq.s32 s7, $0x0;
	s11 =	sadd.s32 s5, s11;
	[sflag:s20] =	ssyncadd.s32 $0xFFFFE000  }
0x5d: {  	[tilespmem:s3], [sflag:$0x1] =	stream.linear.gather [hbm4b:s11+s3], $0x80, $0x38;
	[tilespmem:$0x1FF00] =	vst v63  }
0x5e: {  	s11 =	simm.s32 @!p0 $0x9  }
0x5f: {  	s10 =	sadd.s32 @!p0 s8, s10;
	_ =	swait.ge @!p0 [sflag:s11], $0x4000  }
0x60: {  	s13 =	simm.s32 @!p0 $0x200;
	s10 =	sshrl.u32 @!p0 s10, $0x3;
	[sflag:s11] =	ssyncset.done @!p0 $0x0  }
0x61: {  	s10 =	sadd.s32 @!p0 s6, s10;
	[sflag:s11] =	ssyncadd.s32 @!p0 $0xFFFFC000;
	s11 =	simm.s32 @!p0 $0x0  }
0x62: {  	[tilespmem:s13], [sflag:$0x5] =	stream.linear.gather @!p0 [hbm4b:s10+s11], $0x80, $0x38;
	[tilespmem:$0x1FF00] =	vst v63  }
0x63: {  	s11 =	simm.s32 $0x380  }
0x64: {  	v1 =	vld [tilespmem:s11+$0x40];
	_ =	sdelay $0x1  }
0x65: {  	v2 =	vld [tilespmem:s11+$0xFFFFFFC0]  }
0x66: {  	v3 =	vld [tilespmem:s11+$0xFFFFFF80];
	_ =	sdelay $0x1  }
0x67: {  	s10 =	simm.s32 $0x4400;
	v4 =	vunpack.i.l.bf16.f32 v1  }
0x68: {  	v5 =	vld [tilespmem:s11+$0x0];
	v1 =	vunpack.i.u.bf16.f32 v1;
	[tilespmem:s10+$0x80] =	vst v4  }
0x69: {  	v4 =	vunpack.i.l.bf16.f32 v2;
	[tilespmem:s10+$0x90] =	vst v1  }
0x6a: {  	v1 =	vunpack.i.l.bf16.f32 v3;
	[tilespmem:s10+$0xFFFFFF80] =	vst v4;
	v4 =	vld [tilespmem:s11+$0x50]  }
0x6b: {  	v3 =	vunpack.i.u.bf16.f32 v3;
	[tilespmem:s10+$0xFFFFFF00] =	vst v1  }
0x6c: {  	v1 =	vunpack.i.u.bf16.f32 v2;
	[tilespmem:s10+$0xFFFFFF10] =	vst v3  }
0x6d: {  	v2 =	vunpack.i.l.bf16.f32 v5;
	v3 =	vld [tilespmem:s11+$0xFFFFFF90];
	[tilespmem:s10+$0xFFFFFF90] =	vst v1  }
0x6e: {  	v1 =	vunpack.i.u.bf16.f32 v5;
	[tilespmem:s10+$0x0] =	vst v2  }
0x6f: {  	v2 =	vld [tilespmem:s11+$0xFFFFFFD0];
	[tilespmem:s10+$0x10] =	vst v1;
	v1 =	vunpack.i.l.bf16.f32 v4  }
0x70: {  	v4 =	vunpack.i.u.bf16.f32 v4;
	[tilespmem:s10+$0xA0] =	vst v1  }
0x71: {  	v1 =	vld [tilespmem:s11+$0x10];
	[tilespmem:s10+$0xB0] =	vst v4  }
0x72: {  	v4 =	vunpack.i.l.bf16.f32 v3;
	v5 =	vld [tilespmem:s11+$0x60]  }
0x73: {  	v3 =	vunpack.i.u.bf16.f32 v3;
	[tilespmem:s10+$0xFFFFFF20] =	vst v4  }
0x74: {  	v4 =	vunpack.i.l.bf16.f32 v2;
	[tilespmem:s10+$0xFFFFFF30] =	vst v3  }
0x75: {  	v2 =	vunpack.i.u.bf16.f32 v2;
	[tilespmem:s10+$0xFFFFFFA0] =	vst v4  }
0x76: {  	v3 =	vld [tilespmem:s11+$0xFFFFFFA0];
	[tilespmem:s10+$0xFFFFFFB0] =	vst v2;
	v4 =	vunpack.i.l.bf16.f32 v1  }
0x77: {  	[tilespmem:s10+$0x20] =	vst v4;
	v2 =	vunpack.i.l.bf16.f32 v5  }
0x78: {  	v4 =	vld [tilespmem:s11+$0xFFFFFFE0];
	v5 =	vunpack.i.u.bf16.f32 v5;
	[tilespmem:s10+$0xC0] =	vst v2  }
0x79: {  	v1 =	vunpack.i.u.bf16.f32 v1;
	[tilespmem:s10+$0xD0] =	vst v5  }
0x7a: {  	[tilespmem:s10+$0x30] =	vst v1;
	v1 =	vld [tilespmem:s11+$0x70]  }
0x7b: {  	v2 =	vunpack.i.l.bf16.f32 v3  }
0x7c: {  	v5 =	vld [tilespmem:s11+$0x20];
	v3 =	vunpack.i.u.bf16.f32 v3;
	[tilespmem:s10+$0xFFFFFF40] =	vst v2  }
0x7d: {  	[tilespmem:s10+$0xFFFFFF50] =	vst v3;
	v3 =	vunpack.i.u.bf16.f32 v4  }
0x7e: {  	v2 =	vunpack.i.l.bf16.f32 v4;
	[tilespmem:s10+$0xFFFFFFD0] =	vst v3;
	v3 =	vld [tilespmem:s11+$0xFFFFFFB0]  }
0x7f: {  	[tilespmem:s10+$0xFFFFFFC0] =	vst v2;
	v2 =	vunpack.i.u.bf16.f32 v1  }
0x80: {  	[tilespmem:s10+$0xF0] =	vst v2;
	v2 =	vld [tilespmem:s11+$0xFFFFFFF0]  }
0x81: {  	v6 =	vunpack.i.l.bf16.f32 v5  }
0x82: {  	s16 =	simm.s32 $0x0;
	s28 =	simm.s32 $0x480;
	s13 =	simm.s32 $0x4400;
	v4 =	vunpack.i.u.bf16.f32 v5;
	v1 =	vunpack.i.l.bf16.f32 v1;
	[tilespmem:s10+$0x40] =	vst v6  }
.LBB2_5:
0x83: {  	v5 =	vld [tilespmem:s28+$0x40];
	v6 =	vunpack.i.u.bf16.f32 v3;
	v3 =	vunpack.i.l.bf16.f32 v3;
	[tilespmem:s10+$0x50] =	vst v4  }
0x84: {  	v4 =	vld [tilespmem:s28+$0xFFFFFFC0];
	[tilespmem:s10+$0xFFFFFF60] =	vst v3  }
0x85: {  	v3 =	vld [tilespmem:s28+$0x0];
	[tilespmem:s10+$0xFFFFFF70] =	vst v6;
	v6 =	vunpack.i.u.bf16.f32 v2;
	v2 =	vunpack.i.l.bf16.f32 v2  }
0x86: {  	s16 =	sadd.s32 $0x4, s16;
	v7 =	vld [tilespmem:s28+$0xFFFFFF80];
	[tilespmem:s10+$0xFFFFFFE0] =	vst v2  }
0x87: {  	p1 =	slt.u32 s16, $0x7C;
	[tilespmem:s10+$0xFFFFFFF0] =	vst v6;
	v2 =	vld [tilespmem:s11+$0x30];
	s11 =	smov.u32 s28  }
0x88: {  	s10 =	sadd.s32 $0x200, s10;
	v6 =	vunpack.i.l.bf16.f32 v5;
	[tilespmem:s13+$0xE0] =	vst v1  }
0x89: {  	v5 =	vunpack.i.u.bf16.f32 v5;
	v1 =	vunpack.i.u.bf16.f32 v4;
	v4 =	vunpack.i.l.bf16.f32 v4;
	[tilespmem:s10+$0x80] =	vst v6  }
0x8a: {  	v6 =	vunpack.i.u.bf16.f32 v3;
	v3 =	vunpack.i.l.bf16.f32 v3;
	[tilespmem:s10+$0x90] =	vst v5  }
0x8b: {  	v5 =	vunpack.i.u.bf16.f32 v7;
	v7 =	vunpack.i.l.bf16.f32 v7;
	[tilespmem:s10+$0xFFFFFF80] =	vst v4;
	v4 =	vld [tilespmem:s28+$0x50]  }
0x8c: {  	[tilespmem:s10+$0xFFFFFF00] =	vst v7;
	v7 =	vunpack.i.u.bf16.f32 v2;
	v2 =	vunpack.i.l.bf16.f32 v2  }
0x8d: {  	[tilespmem:s10+$0xFFFFFF10] =	vst v5  }
0x8e: {  	v5 =	vld [tilespmem:s28+$0xFFFFFF90];
	[tilespmem:s10+$0xFFFFFF90] =	vst v1  }
0x8f: {  	v1 =	vld [tilespmem:s28+$0xFFFFFFD0];
	[tilespmem:s10+$0x0] =	vst v3  }
0x90: {  	[tilespmem:s10+$0x10] =	vst v6;
	v3 =	vunpack.i.l.bf16.f32 v4  }
0x91: {  	v4 =	vunpack.i.u.bf16.f32 v4;
	v6 =	vld [tilespmem:s28+$0x10];
	[tilespmem:s10+$0xA0] =	vst v3  }
0x92: {  	[tilespmem:s10+$0xB0] =	vst v4  }
0x93: {  	v3 =	vunpack.i.u.bf16.f32 v5;
	v4 =	vunpack.i.l.bf16.f32 v5;
	v5 =	vld [tilespmem:s28+$0x60];
	[tilespmem:s13+$0x60] =	vst v2  }
0x94: {  	[tilespmem:s10+$0xFFFFFF20] =	vst v4;
	v2 =	vunpack.i.u.bf16.f32 v1;
	v1 =	vunpack.i.l.bf16.f32 v1  }
0x95: {  	[tilespmem:s10+$0xFFFFFF30] =	vst v3  }
0x96: {  	v3 =	vld [tilespmem:s28+$0xFFFFFFA0];
	[tilespmem:s10+$0xFFFFFFA0] =	vst v1;
	v1 =	vunpack.i.u.bf16.f32 v6;
	v4 =	vunpack.i.l.bf16.f32 v6  }
0x97: {  	[tilespmem:s10+$0xFFFFFFB0] =	vst v2  }
0x98: {  	v2 =	vld [tilespmem:s28+$0xFFFFFFE0];
	[tilespmem:s10+$0x20] =	vst v4;
	v4 =	vunpack.i.l.bf16.f32 v5  }
0x99: {  	v5 =	vunpack.i.u.bf16.f32 v5;
	[tilespmem:s10+$0xC0] =	vst v4  }
0x9a: {  	[tilespmem:s10+$0xD0] =	vst v5  }
0x9b: {  	v4 =	vunpack.i.u.bf16.f32 v3;
	v3 =	vunpack.i.l.bf16.f32 v3;
	[tilespmem:s10+$0x30] =	vst v1;
	v1 =	vld [tilespmem:s28+$0x70]  }
0x9c: {  	[tilespmem:s10+$0xFFFFFF40] =	vst v3;
	v5 =	vld [tilespmem:s28+$0x20]  }
0x9d: {  	[tilespmem:s10+$0xFFFFFF50] =	vst v4;
	v4 =	vunpack.i.u.bf16.f32 v2;
	v2 =	vunpack.i.l.bf16.f32 v2  }
.Ltmp1:
0x9e: {  	v3 =	vld [tilespmem:s28+$0xFFFFFFB0];
	[tilespmem:s10+$0xFFFFFFC0] =	vst v2;
	(pc) =	sbr.rel @p1 .LBB2_5-.Ltmp1, $4  }
0x9f: {  	[tilespmem:s10+$0xFFFFFFD0] =	vst v4  }
0xa0: {  	v2 =	vld [tilespmem:s28+$0xFFFFFFF0];
	v6 =	vunpack.i.u.bf16.f32 v1;
	v1 =	vunpack.i.l.bf16.f32 v1;
	[tilespmem:s13+$0x70] =	vst v7;
	s13 =	smov.u32 s10  }
0xa1: {  	v4 =	vunpack.i.u.bf16.f32 v5;
	v5 =	vunpack.i.l.bf16.f32 v5;
	[tilespmem:s10+$0xF0] =	vst v6  }
0xa2: {  	s28 =	sadd.s32 $0x100, s28;
	[tilespmem:s10+$0x40] =	vst v5  }
0xa3: {  	[tilespmem:s10+$0x50] =	vst v4  }
0xa4: {  	v5 =	vld [tilespmem:s11+$0x30]  }
0xa5: {  	v4 =	vunpack.i.l.bf16.f32 v3;
	[tilespmem:s13+$0xE0] =	vst v1  }
0xa6: {  	v3 =	vunpack.i.u.bf16.f32 v3;
	[tilespmem:s10+$0xFFFFFF60] =	vst v4  }
0xa7: {  	[tilespmem:s10+$0xFFFFFF70] =	vst v3;
	v3 =	vunpack.i.l.bf16.f32 v2  }
0xa8: {  	v2 =	vunpack.i.u.bf16.f32 v2;
	[tilespmem:s10+$0xFFFFFFE0] =	vst v3  }
0xa9: {  	[tilespmem:s10+$0xFFFFFFF0] =	vst v2;
	v1 =	vunpack.i.l.bf16.f32 v5  }
0xaa: {  	v2 =	vunpack.i.u.bf16.f32 v5;
	[tilespmem:s13+$0x60] =	vst v1  }
0xab: {  	[tilespmem:s13+$0x70] =	vst v2  }
0xac: {  	_ =	swait.ge [sflag:s21], $0x80  }
0xad: {  	[sflag:s21] =	ssyncset.done $0x0  }
0xae: {  	[sflag:s21] =	ssyncadd.s32 $0xFFFFFF80  }
0xaf: {  	[spmem:s2] =	stream.indirect.scatter.add.f32 [tilespmem:s26], [sflag:$0x9], $0x80, s30, s29, $0xb8;
	[tilespmem:$0x1FF00] =	vst v63  }
0xb0: {  	_ =	swait.ge [sflag:s15], $0x80  }
0xb1: {  	[sflag:s15] =	ssyncset.done $0x0  }
0xb2: {  	s10 =	sor.u32 $0x180, s9;
	[sflag:s15] =	ssyncadd.s32 $0xFFFFFF80  }
0xb3: {  	[tilespmem:s17], [sflag:$0x7] =	stream.indirect.gather [hbm4b:s1+s29], $0x40, s3, s29, $0xb8;
	[tilespmem:$0x1FF00] =	vst v63  }
0xb4: {  	s16 =	sadd.s32 s12, s10;
	_ =	swait.ge [sflag:s22], $0x2000  }
0xb5: {  	s11 =	sshrl.u32 s16, $0x3;
	[sflag:s22] =	ssyncset.done $0x0  }
0xb6: {  	s11 =	sadd.s32 s5, s11;
	[sflag:s22] =	ssyncadd.s32 $0xFFFFE000  }
0xb7: {  	[tilespmem:s29], [sflag:$0x2] =	stream.linear.gather [hbm4b:s11+s3], $0x80, $0x38;
	[tilespmem:$0x1FF00] =	vst v63  }
0xb8: {  	s10 =	sadd.s32 @!p0 s8, s10;
	s11 =	simm.s32 @!p0 $0xA  }
0xb9: {  	s10 =	sshrl.u32 @!p0 s10, $0x3;
	_ =	swait.ge @!p0 [sflag:s11], $0x4000  }
0xba: {  	s10 =	sadd.s32 @!p0 s6, s10;
	[sflag:s11] =	ssyncset.done @!p0 $0x0  }
0xbb: {  	s13 =	simm.s32 @!p0 $0x280;
	[sflag:s11] =	ssyncadd.s32 @!p0 $0xFFFFC000;
	s11 =	simm.s32 @!p0 $0x0  }
0xbc: {  	[tilespmem:s13], [sflag:$0x6] =	stream.linear.gather @!p0 [hbm4b:s10+s11], $0x80, $0x38;
	[tilespmem:$0x1FF00] =	vst v63  }
0xbd: {  	s11 =	simm.s32 $0x23F0  }
0xbe: {  	v1 =	vld [tilespmem:s11+$0xFFFFFFD0];
	_ =	sdelay $0x1  }
0xbf: {  	v2 =	vld [tilespmem:s11+$0xFFFFFF50]  }
0xc0: {  	v3 =	vld [tilespmem:s11+$0xFFFFFF10];
	_ =	sdelay $0x1  }
0xc1: {  	s10 =	simm.s32 $0x84F0;
	v4 =	vunpack.i.l.bf16.f32 v1  }
0xc2: {  	v5 =	vld [tilespmem:s11+$0xFFFFFF90];
	v1 =	vunpack.i.u.bf16.f32 v1;
	[tilespmem:s10+$0xFFFFFF90] =	vst v4  }
0xc3: {  	v4 =	vunpack.i.l.bf16.f32 v2;
	[tilespmem:s10+$0xFFFFFFA0] =	vst v1  }
0xc4: {  	v1 =	vunpack.i.l.bf16.f32 v3;
	[tilespmem:s10+$0xFFFFFE90] =	vst v4;
	v4 =	vld [tilespmem:s11+$0xFFFFFFE0]  }
0xc5: {  	v3 =	vunpack.i.u.bf16.f32 v3;
	[tilespmem:s10+$0xFFFFFE10] =	vst v1  }
0xc6: {  	v1 =	vunpack.i.u.bf16.f32 v2;
	[tilespmem:s10+$0xFFFFFE20] =	vst v3  }
0xc7: {  	v2 =	vunpack.i.l.bf16.f32 v5;
	v3 =	vld [tilespmem:s11+$0xFFFFFF20];
	[tilespmem:s10+$0xFFFFFEA0] =	vst v1  }
0xc8: {  	v1 =	vunpack.i.u.bf16.f32 v5;
	[tilespmem:s10+$0xFFFFFF10] =	vst v2  }
0xc9: {  	v2 =	vld [tilespmem:s11+$0xFFFFFF60];
	[tilespmem:s10+$0xFFFFFF20] =	vst v1;
	v1 =	vunpack.i.l.bf16.f32 v4  }
0xca: {  	v4 =	vunpack.i.u.bf16.f32 v4;
	[tilespmem:s10+$0xFFFFFFB0] =	vst v1  }
0xcb: {  	v1 =	vld [tilespmem:s11+$0xFFFFFFA0];
	[tilespmem:s10+$0xFFFFFFC0] =	vst v4  }
0xcc: {  	v4 =	vunpack.i.l.bf16.f32 v3;
	v5 =	vld [tilespmem:s11+$0xFFFFFFF0]  }
0xcd: {  	v3 =	vunpack.i.u.bf16.f32 v3;
	[tilespmem:s10+$0xFFFFFE30] =	vst v4  }
0xce: {  	v4 =	vunpack.i.l.bf16.f32 v2;
	[tilespmem:s10+$0xFFFFFE40] =	vst v3  }
0xcf: {  	v2 =	vunpack.i.u.bf16.f32 v2;
	[tilespmem:s10+$0xFFFFFEB0] =	vst v4  }
0xd0: {  	v3 =	vld [tilespmem:s11+$0xFFFFFF30];
	[tilespmem:s10+$0xFFFFFEC0] =	vst v2;
	v4 =	vunpack.i.l.bf16.f32 v1  }
0xd1: {  	[tilespmem:s10+$0xFFFFFF30] =	vst v4;
	v2 =	vunpack.i.l.bf16.f32 v5  }
0xd2: {  	v4 =	vld [tilespmem:s11+$0xFFFFFF70];
	v5 =	vunpack.i.u.bf16.f32 v5;
	[tilespmem:s10+$0xFFFFFFD0] =	vst v2  }
0xd3: {  	v1 =	vunpack.i.u.bf16.f32 v1;
	[tilespmem:s10+$0xFFFFFFE0] =	vst v5  }
0xd4: {  	[tilespmem:s10+$0xFFFFFF40] =	vst v1;
	v1 =	vld [tilespmem:s11+$0x0]  }
0xd5: {  	v2 =	vunpack.i.l.bf16.f32 v3  }
0xd6: {  	v5 =	vld [tilespmem:s11+$0xFFFFFFB0];
	v3 =	vunpack.i.u.bf16.f32 v3;
	[tilespmem:s10+$0xFFFFFE50] =	vst v2  }
0xd7: {  	[tilespmem:s10+$0xFFFFFE60] =	vst v3;
	v3 =	vunpack.i.u.bf16.f32 v4  }
0xd8: {  	v2 =	vunpack.i.l.bf16.f32 v4;
	[tilespmem:s10+$0xFFFFFEE0] =	vst v3;
	v3 =	vld [tilespmem:s11+$0xFFFFFF40]  }
0xd9: {  	[tilespmem:s10+$0xFFFFFED0] =	vst v2;
	v2 =	vunpack.i.u.bf16.f32 v1  }
0xda: {  	[tilespmem:s10+$0x0] =	vst v2;
	v2 =	vld [tilespmem:s11+$0xFFFFFF80]  }
0xdb: {  	v6 =	vunpack.i.l.bf16.f32 v5  }
0xdc: {  	s28 =	simm.s32 $0x24F0;
	s16 =	simm.s32 $0x0;
	s13 =	simm.s32 $0x84F0;
	v4 =	vunpack.i.u.bf16.f32 v5;
	v1 =	vunpack.i.l.bf16.f32 v1;
	[tilespmem:s10+$0xFFFFFF50] =	vst v6  }
.LBB2_7:
0xdd: {  	v5 =	vld [tilespmem:s28+$0xFFFFFFD0];
	v6 =	vunpack.i.u.bf16.f32 v3;
	v3 =	vunpack.i.l.bf16.f32 v3;
	[tilespmem:s10+$0xFFFFFF60] =	vst v4  }
0xde: {  	v4 =	vld [tilespmem:s28+$0xFFFFFF50];
	[tilespmem:s10+$0xFFFFFE70] =	vst v3  }
0xdf: {  	v3 =	vld [tilespmem:s28+$0xFFFFFF90];
	[tilespmem:s10+$0xFFFFFE80] =	vst v6;
	v6 =	vunpack.i.u.bf16.f32 v2;
	v2 =	vunpack.i.l.bf16.f32 v2  }
0xe0: {  	s16 =	sadd.s32 $0x4, s16;
	v7 =	vld [tilespmem:s28+$0xFFFFFF10];
	[tilespmem:s10+$0xFFFFFEF0] =	vst v2  }
0xe1: {  	p0 =	slt.u32 s16, $0x7C;
	[tilespmem:s10+$0xFFFFFF00] =	vst v6;
	v2 =	vld [tilespmem:s11+$0xFFFFFFC0];
	s11 =	smov.u32 s28  }
0xe2: {  	s10 =	sadd.s32 $0x200, s10;
	v6 =	vunpack.i.l.bf16.f32 v5;
	[tilespmem:s13+$0xFFFFFFF0] =	vst v1  }
0xe3: {  	v5 =	vunpack.i.u.bf16.f32 v5;
	v1 =	vunpack.i.u.bf16.f32 v4;
	v4 =	vunpack.i.l.bf16.f32 v4;
	[tilespmem:s10+$0xFFFFFF90] =	vst v6  }
0xe4: {  	v6 =	vunpack.i.u.bf16.f32 v3;
	v3 =	vunpack.i.l.bf16.f32 v3;
	[tilespmem:s10+$0xFFFFFFA0] =	vst v5  }
0xe5: {  	v5 =	vunpack.i.u.bf16.f32 v7;
	v7 =	vunpack.i.l.bf16.f32 v7;
	[tilespmem:s10+$0xFFFFFE90] =	vst v4;
	v4 =	vld [tilespmem:s28+$0xFFFFFFE0]  }
0xe6: {  	[tilespmem:s10+$0xFFFFFE10] =	vst v7;
	v7 =	vunpack.i.u.bf16.f32 v2;
	v2 =	vunpack.i.l.bf16.f32 v2  }
0xe7: {  	[tilespmem:s10+$0xFFFFFE20] =	vst v5  }
0xe8: {  	v5 =	vld [tilespmem:s28+$0xFFFFFF20];
	[tilespmem:s10+$0xFFFFFEA0] =	vst v1  }
0xe9: {  	v1 =	vld [tilespmem:s28+$0xFFFFFF60];
	[tilespmem:s10+$0xFFFFFF10] =	vst v3  }
0xea: {  	[tilespmem:s10+$0xFFFFFF20] =	vst v6;
	v3 =	vunpack.i.l.bf16.f32 v4  }
0xeb: {  	v4 =	vunpack.i.u.bf16.f32 v4;
	v6 =	vld [tilespmem:s28+$0xFFFFFFA0];
	[tilespmem:s10+$0xFFFFFFB0] =	vst v3  }
0xec: {  	[tilespmem:s10+$0xFFFFFFC0] =	vst v4  }
0xed: {  	v3 =	vunpack.i.u.bf16.f32 v5;
	v4 =	vunpack.i.l.bf16.f32 v5;
	v5 =	vld [tilespmem:s28+$0xFFFFFFF0];
	[tilespmem:s13+$0xFFFFFF70] =	vst v2  }
0xee: {  	[tilespmem:s10+$0xFFFFFE30] =	vst v4;
	v2 =	vunpack.i.u.bf16.f32 v1;
	v1 =	vunpack.i.l.bf16.f32 v1  }
0xef: {  	[tilespmem:s10+$0xFFFFFE40] =	vst v3  }
0xf0: {  	v3 =	vld [tilespmem:s28+$0xFFFFFF30];
	[tilespmem:s10+$0xFFFFFEB0] =	vst v1;
	v1 =	vunpack.i.u.bf16.f32 v6;
	v4 =	vunpack.i.l.bf16.f32 v6  }
0xf1: {  	[tilespmem:s10+$0xFFFFFEC0] =	vst v2  }
0xf2: {  	v2 =	vld [tilespmem:s28+$0xFFFFFF70];
	[tilespmem:s10+$0xFFFFFF30] =	vst v4;
	v4 =	vunpack.i.l.bf16.f32 v5  }
0xf3: {  	v5 =	vunpack.i.u.bf16.f32 v5;
	[tilespmem:s10+$0xFFFFFFD0] =	vst v4  }
0xf4: {  	[tilespmem:s10+$0xFFFFFFE0] =	vst v5  }
0xf5: {  	v4 =	vunpack.i.u.bf16.f32 v3;
	v3 =	vunpack.i.l.bf16.f32 v3;
	[tilespmem:s10+$0xFFFFFF40] =	vst v1;
	v1 =	vld [tilespmem:s28+$0x0]  }
0xf6: {  	[tilespmem:s10+$0xFFFFFE50] =	vst v3;
	v5 =	vld [tilespmem:s28+$0xFFFFFFB0]  }
0xf7: {  	[tilespmem:s10+$0xFFFFFE60] =	vst v4;
	v4 =	vunpack.i.u.bf16.f32 v2;
	v2 =	vunpack.i.l.bf16.f32 v2  }
.Ltmp2:
0xf8: {  	v3 =	vld [tilespmem:s28+$0xFFFFFF40];
	[tilespmem:s10+$0xFFFFFED0] =	vst v2;
	(pc) =	sbr.rel @p0 .LBB2_7-.Ltmp2, $4  }
0xf9: {  	[tilespmem:s10+$0xFFFFFEE0] =	vst v4  }
0xfa: {  	v2 =	vld [tilespmem:s28+$0xFFFFFF80];
	v6 =	vunpack.i.u.bf16.f32 v1;
	v1 =	vunpack.i.l.bf16.f32 v1;
	[tilespmem:s13+$0xFFFFFF80] =	vst v7;
	s13 =	smov.u32 s10  }
0xfb: {  	v4 =	vunpack.i.u.bf16.f32 v5;
	v5 =	vunpack.i.l.bf16.f32 v5;
	[tilespmem:s10+$0x0] =	vst v6  }
0xfc: {  	s28 =	sadd.s32 $0x100, s28;
	[tilespmem:s10+$0xFFFFFF50] =	vst v5  }
0xfd: {  	[tilespmem:s10+$0xFFFFFF60] =	vst v4  }
0xfe: {  	v5 =	vld [tilespmem:s11+$0xFFFFFFC0]  }
0xff: {  	v4 =	vunpack.i.l.bf16.f32 v3;
	[tilespmem:s13+$0xFFFFFFF0] =	vst v1  }
0x100: {  	v3 =	vunpack.i.u.bf16.f32 v3;
	[tilespmem:s10+$0xFFFFFE70] =	vst v4  }
0x101: {  	[tilespmem:s10+$0xFFFFFE80] =	vst v3;
	v3 =	vunpack.i.l.bf16.f32 v2  }
0x102: {  	v2 =	vunpack.i.u.bf16.f32 v2;
	[tilespmem:s10+$0xFFFFFEF0] =	vst v3  }
0x103: {  	[tilespmem:s10+$0xFFFFFF00] =	vst v2;
	v1 =	vunpack.i.l.bf16.f32 v5  }
0x104: {  	v2 =	vunpack.i.u.bf16.f32 v5;
	[tilespmem:s13+$0xFFFFFF70] =	vst v1  }
0x105: {  	[tilespmem:s13+$0xFFFFFF80] =	vst v2  }
0x106: {  	_ =	swait.ge [sflag:s23], $0x80  }
0x107: {  	[sflag:s23] =	ssyncset.done $0x0  }
0x108: {  	[sflag:s23] =	ssyncadd.s32 $0xFFFFFF80  }
0x109: {  	[spmem:s2] =	stream.indirect.scatter.add.f32 [tilespmem:s24], [sflag:$0xA], $0x80, s31, s29, $0xb8;
	[tilespmem:$0x1FF00] =	vst v63  }
0x10a: {  	_ =	swait.ge [sflag:s18], $0x80  }
0x10b: {  	[sflag:s18] =	ssyncset.done $0x0  }
0x10c: {  	[sflag:s18] =	ssyncadd.s32 $0xFFFFFF80  }
0x10d: {  	[tilespmem:s19], [sflag:$0x8] =	stream.indirect.gather [hbm4b:s1+s29], $0x40, s29, s29, $0xb8;
	[tilespmem:$0x1FF00] =	vst v63  }
0x10e: {  	_ =	swait.ge [sflag:s20], $0x2000  }
0x10f: {  	p0 =	seq.s32 s7, $0x13;
	[sflag:s20] =	ssyncset.done $0x0  }
0x110: {  	s11 =	sadd.s32 @!p0 $0x200, s9;
	s10 =	simm.s32 @p0 $0x9;
	[sflag:s20] =	ssyncadd.s32 $0xFFFFE000  }
0x111: {  	s13 =	sadd.s32 @!p0 s12, s11;
	_ =	swait.ge @p0 [sflag:s10], $0x4000  }
0x112: {  	s13 =	sshrl.u32 @!p0 s13, $0x3;
	[sflag:s10] =	ssyncset.done @p0 $0x0  }
0x113: {  	[sflag:s10] =	ssyncadd.s32 @p0 $0xFFFFC000;
	s10 =	sadd.s32 @!p0 s5, s13;
	s13 =	simm.s32 @!p0 $0x0  }
0x114: {  	[tilespmem:s13], [sflag:$0x1] =	stream.linear.gather @!p0 [hbm4b:s10+s13], $0x80, $0x38;
	[tilespmem:$0x1FF00] =	vst v63  }
0x115: {  	s10 =	simm.s32 @!p0 $0x9  }
0x116: {  	s11 =	sadd.s32 @!p0 s8, s11;
	_ =	swait.ge @!p0 [sflag:s10], $0x4000  }
0x117: {  	s11 =	sshrl.u32 @!p0 s11, $0x3;
	[sflag:s10] =	ssyncset.done @!p0 $0x0  }
0x118: {  	[sflag:s10] =	ssyncadd.s32 @!p0 $0xFFFFC000;
	s10 =	sadd.s32 @!p0 s6, s11;
	s11 =	simm.s32 @!p0 $0x100  }
0x119: {  	[tilespmem:s11], [sflag:$0x3] =	stream.linear.gather @!p0 [hbm4b:s10+s13], $0x80, $0x38;
	[tilespmem:$0x1FF00] =	vst v63  }
0x11a: {  	s11 =	simm.s32 $0x380  }
0x11b: {  	v1 =	vld [tilespmem:s11+$0x40];
	_ =	sdelay $0x1  }
0x11c: {  	v2 =	vld [tilespmem:s11+$0xFFFFFFC0]  }
0x11d: {  	v3 =	vld [tilespmem:s11+$0xFFFFFF80];
	_ =	sdelay $0x1  }
0x11e: {  	s10 =	simm.s32 $0x4400;
	v4 =	vunpack.i.l.bf16.f32 v1  }
0x11f: {  	v5 =	vld [tilespmem:s11+$0x0];
	v1 =	vunpack.i.u.bf16.f32 v1;
	[tilespmem:s10+$0x80] =	vst v4  }
0x120: {  	v4 =	vunpack.i.l.bf16.f32 v2;
	[tilespmem:s10+$0x90] =	vst v1  }
0x121: {  	v1 =	vunpack.i.l.bf16.f32 v3;
	[tilespmem:s10+$0xFFFFFF80] =	vst v4;
	v4 =	vld [tilespmem:s11+$0x50]  }
0x122: {  	v3 =	vunpack.i.u.bf16.f32 v3;
	[tilespmem:s10+$0xFFFFFF00] =	vst v1  }
0x123: {  	v1 =	vunpack.i.u.bf16.f32 v2;
	[tilespmem:s10+$0xFFFFFF10] =	vst v3  }
0x124: {  	v2 =	vunpack.i.l.bf16.f32 v5;
	v3 =	vld [tilespmem:s11+$0xFFFFFF90];
	[tilespmem:s10+$0xFFFFFF90] =	vst v1  }
0x125: {  	v1 =	vunpack.i.u.bf16.f32 v5;
	[tilespmem:s10+$0x0] =	vst v2  }
0x126: {  	v2 =	vld [tilespmem:s11+$0xFFFFFFD0];
	[tilespmem:s10+$0x10] =	vst v1;
	v1 =	vunpack.i.l.bf16.f32 v4  }
0x127: {  	v4 =	vunpack.i.u.bf16.f32 v4;
	[tilespmem:s10+$0xA0] =	vst v1  }
0x128: {  	v1 =	vld [tilespmem:s11+$0x10];
	[tilespmem:s10+$0xB0] =	vst v4  }
0x129: {  	v4 =	vunpack.i.l.bf16.f32 v3;
	v5 =	vld [tilespmem:s11+$0x60]  }
0x12a: {  	v3 =	vunpack.i.u.bf16.f32 v3;
	[tilespmem:s10+$0xFFFFFF20] =	vst v4  }
0x12b: {  	v4 =	vunpack.i.l.bf16.f32 v2;
	[tilespmem:s10+$0xFFFFFF30] =	vst v3  }
0x12c: {  	v2 =	vunpack.i.u.bf16.f32 v2;
	[tilespmem:s10+$0xFFFFFFA0] =	vst v4  }
0x12d: {  	v3 =	vld [tilespmem:s11+$0xFFFFFFA0];
	[tilespmem:s10+$0xFFFFFFB0] =	vst v2;
	v4 =	vunpack.i.l.bf16.f32 v1  }
0x12e: {  	[tilespmem:s10+$0x20] =	vst v4;
	v2 =	vunpack.i.l.bf16.f32 v5  }
0x12f: {  	v4 =	vld [tilespmem:s11+$0xFFFFFFE0];
	v5 =	vunpack.i.u.bf16.f32 v5;
	[tilespmem:s10+$0xC0] =	vst v2  }
0x130: {  	v1 =	vunpack.i.u.bf16.f32 v1;
	[tilespmem:s10+$0xD0] =	vst v5  }
0x131: {  	[tilespmem:s10+$0x30] =	vst v1;
	v1 =	vld [tilespmem:s11+$0x70]  }
0x132: {  	v2 =	vunpack.i.l.bf16.f32 v3  }
0x133: {  	v5 =	vld [tilespmem:s11+$0x20];
	v3 =	vunpack.i.u.bf16.f32 v3;
	[tilespmem:s10+$0xFFFFFF40] =	vst v2  }
0x134: {  	[tilespmem:s10+$0xFFFFFF50] =	vst v3;
	v3 =	vunpack.i.u.bf16.f32 v4  }
0x135: {  	v2 =	vunpack.i.l.bf16.f32 v4;
	[tilespmem:s10+$0xFFFFFFD0] =	vst v3;
	v3 =	vld [tilespmem:s11+$0xFFFFFFB0]  }
0x136: {  	[tilespmem:s10+$0xFFFFFFC0] =	vst v2;
	v2 =	vunpack.i.u.bf16.f32 v1  }
0x137: {  	[tilespmem:s10+$0xF0] =	vst v2;
	v2 =	vld [tilespmem:s11+$0xFFFFFFF0]  }
0x138: {  	v6 =	vunpack.i.l.bf16.f32 v5  }
0x139: {  	s16 =	simm.s32 $0x0;
	s28 =	simm.s32 $0x480;
	s13 =	simm.s32 $0x4400;
	v4 =	vunpack.i.u.bf16.f32 v5;
	v1 =	vunpack.i.l.bf16.f32 v1;
	[tilespmem:s10+$0x40] =	vst v6  }
.LBB2_9:
0x13a: {  	v5 =	vld [tilespmem:s28+$0x40];
	v6 =	vunpack.i.u.bf16.f32 v3;
	v3 =	vunpack.i.l.bf16.f32 v3;
	[tilespmem:s10+$0x50] =	vst v4  }
0x13b: {  	v4 =	vld [tilespmem:s28+$0xFFFFFFC0];
	[tilespmem:s10+$0xFFFFFF60] =	vst v3  }
0x13c: {  	v3 =	vld [tilespmem:s28+$0x0];
	[tilespmem:s10+$0xFFFFFF70] =	vst v6;
	v6 =	vunpack.i.u.bf16.f32 v2;
	v2 =	vunpack.i.l.bf16.f32 v2  }
0x13d: {  	s16 =	sadd.s32 $0x4, s16;
	v7 =	vld [tilespmem:s28+$0xFFFFFF80];
	[tilespmem:s10+$0xFFFFFFE0] =	vst v2  }
0x13e: {  	p1 =	slt.u32 s16, $0x7C;
	[tilespmem:s10+$0xFFFFFFF0] =	vst v6;
	v2 =	vld [tilespmem:s11+$0x30];
	s11 =	smov.u32 s28  }
0x13f: {  	s10 =	sadd.s32 $0x200, s10;
	v6 =	vunpack.i.l.bf16.f32 v5;
	[tilespmem:s13+$0xE0] =	vst v1  }
0x140: {  	v5 =	vunpack.i.u.bf16.f32 v5;
	v1 =	vunpack.i.u.bf16.f32 v4;
	v4 =	vunpack.i.l.bf16.f32 v4;
	[tilespmem:s10+$0x80] =	vst v6  }
0x141: {  	v6 =	vunpack.i.u.bf16.f32 v3;
	v3 =	vunpack.i.l.bf16.f32 v3;
	[tilespmem:s10+$0x90] =	vst v5  }
0x142: {  	v5 =	vunpack.i.u.bf16.f32 v7;
	v7 =	vunpack.i.l.bf16.f32 v7;
	[tilespmem:s10+$0xFFFFFF80] =	vst v4;
	v4 =	vld [tilespmem:s28+$0x50]  }
0x143: {  	[tilespmem:s10+$0xFFFFFF00] =	vst v7;
	v7 =	vunpack.i.u.bf16.f32 v2;
	v2 =	vunpack.i.l.bf16.f32 v2  }
0x144: {  	[tilespmem:s10+$0xFFFFFF10] =	vst v5  }
0x145: {  	v5 =	vld [tilespmem:s28+$0xFFFFFF90];
	[tilespmem:s10+$0xFFFFFF90] =	vst v1  }
0x146: {  	v1 =	vld [tilespmem:s28+$0xFFFFFFD0];
	[tilespmem:s10+$0x0] =	vst v3  }
0x147: {  	[tilespmem:s10+$0x10] =	vst v6;
	v3 =	vunpack.i.l.bf16.f32 v4  }
0x148: {  	v4 =	vunpack.i.u.bf16.f32 v4;
	v6 =	vld [tilespmem:s28+$0x10];
	[tilespmem:s10+$0xA0] =	vst v3  }
0x149: {  	[tilespmem:s10+$0xB0] =	vst v4  }
0x14a: {  	v3 =	vunpack.i.u.bf16.f32 v5;
	v4 =	vunpack.i.l.bf16.f32 v5;
	v5 =	vld [tilespmem:s28+$0x60];
	[tilespmem:s13+$0x60] =	vst v2  }
0x14b: {  	[tilespmem:s10+$0xFFFFFF20] =	vst v4;
	v2 =	vunpack.i.u.bf16.f32 v1;
	v1 =	vunpack.i.l.bf16.f32 v1  }
0x14c: {  	[tilespmem:s10+$0xFFFFFF30] =	vst v3  }
0x14d: {  	v3 =	vld [tilespmem:s28+$0xFFFFFFA0];
	[tilespmem:s10+$0xFFFFFFA0] =	vst v1;
	v1 =	vunpack.i.u.bf16.f32 v6;
	v4 =	vunpack.i.l.bf16.f32 v6  }
0x14e: {  	[tilespmem:s10+$0xFFFFFFB0] =	vst v2  }
0x14f: {  	v2 =	vld [tilespmem:s28+$0xFFFFFFE0];
	[tilespmem:s10+$0x20] =	vst v4;
	v4 =	vunpack.i.l.bf16.f32 v5  }
0x150: {  	v5 =	vunpack.i.u.bf16.f32 v5;
	[tilespmem:s10+$0xC0] =	vst v4  }
0x151: {  	[tilespmem:s10+$0xD0] =	vst v5  }
0x152: {  	v4 =	vunpack.i.u.bf16.f32 v3;
	v3 =	vunpack.i.l.bf16.f32 v3;
	[tilespmem:s10+$0x30] =	vst v1;
	v1 =	vld [tilespmem:s28+$0x70]  }
0x153: {  	[tilespmem:s10+$0xFFFFFF40] =	vst v3;
	v5 =	vld [tilespmem:s28+$0x20]  }
0x154: {  	[tilespmem:s10+$0xFFFFFF50] =	vst v4;
	v4 =	vunpack.i.u.bf16.f32 v2;
	v2 =	vunpack.i.l.bf16.f32 v2  }
.Ltmp3:
0x155: {  	v3 =	vld [tilespmem:s28+$0xFFFFFFB0];
	[tilespmem:s10+$0xFFFFFFC0] =	vst v2;
	(pc) =	sbr.rel @p1 .LBB2_9-.Ltmp3, $4  }
0x156: {  	[tilespmem:s10+$0xFFFFFFD0] =	vst v4  }
0x157: {  	v2 =	vld [tilespmem:s28+$0xFFFFFFF0];
	v6 =	vunpack.i.u.bf16.f32 v1;
	v1 =	vunpack.i.l.bf16.f32 v1;
	[tilespmem:s13+$0x70] =	vst v7;
	s13 =	smov.u32 s10  }
0x158: {  	v4 =	vunpack.i.u.bf16.f32 v5;
	v5 =	vunpack.i.l.bf16.f32 v5;
	[tilespmem:s10+$0xF0] =	vst v6  }
0x159: {  	s28 =	sadd.s32 $0x100, s28;
	[tilespmem:s10+$0x40] =	vst v5  }
0x15a: {  	[tilespmem:s10+$0x50] =	vst v4  }
0x15b: {  	v5 =	vld [tilespmem:s11+$0x30]  }
0x15c: {  	v4 =	vunpack.i.l.bf16.f32 v3;
	[tilespmem:s13+$0xE0] =	vst v1  }
0x15d: {  	v3 =	vunpack.i.u.bf16.f32 v3;
	[tilespmem:s10+$0xFFFFFF60] =	vst v4  }
0x15e: {  	[tilespmem:s10+$0xFFFFFF70] =	vst v3;
	v3 =	vunpack.i.l.bf16.f32 v2  }
0x15f: {  	v2 =	vunpack.i.u.bf16.f32 v2;
	[tilespmem:s10+$0xFFFFFFE0] =	vst v3  }
0x160: {  	[tilespmem:s10+$0xFFFFFFF0] =	vst v2;
	v1 =	vunpack.i.l.bf16.f32 v5  }
0x161: {  	v2 =	vunpack.i.u.bf16.f32 v5;
	[tilespmem:s13+$0x60] =	vst v1  }
0x162: {  	[tilespmem:s13+$0x70] =	vst v2  }
0x163: {  	_ =	swait.ge [sflag:s25], $0x80  }
0x164: {  	[sflag:s25] =	ssyncset.done $0x0  }
0x165: {  	s10 =	simm.s32 @p0 $0x8;
	[sflag:s25] =	ssyncadd.s32 $0xFFFFFF80  }
0x166: {  	[spmem:s2] =	stream.indirect.scatter.add.f32 [tilespmem:s26], [sflag:$0x9], $0x80, s0, s29, $0xb8;
	[tilespmem:$0x1FF00] =	vst v63  }
0x167: {  	_ =	swait.ge @p0 [sflag:s10], $0x2000  }
0x168: {  	[sflag:s10] =	ssyncset.done @p0 $0x0  }
0x169: {  	[sflag:s10] =	ssyncadd.s32 @p0 $0xFFFFE000;
	s10 =	simm.s32 @p0 $0xA  }
0x16a: {  	_ =	swait.ge @p0 [sflag:s10], $0x4000  }
0x16b: {  	[sflag:s10] =	ssyncset.done @p0 $0x0  }
0x16c: {  	[sflag:s10] =	ssyncadd.s32 @p0 $0xFFFFC000;
	s10 =	simm.s32 @!p0 $0x1  }
0x16d: {  	_ =	swait.ge @!p0 [sflag:s10], $0x80  }
0x16e: {  	s11 =	simm.s32 @!p0 $0x0;
	[sflag:s10] =	ssyncset.done @!p0 $0x0  }
0x16f: {  	s13 =	simm.s32 @!p0 $0x300;
	[sflag:s10] =	ssyncadd.s32 @!p0 $0xFFFFFF80;
	s10 =	simm.s32 @!p0 $0x80  }
0x170: {  	[tilespmem:s13], [sflag:$0x7] =	stream.indirect.gather @!p0 [hbm4b:s1+s10], $0x40, s11, s10, $0xb8;
	[tilespmem:$0x1FF00] =	vst v63  }
0x171: {  	s9 =	sadd.s32 @!p0 $0x280, s9;
	s13 =	simm.s32 @!p0 $0x8  }
0x172: {  	s16 =	sadd.s32 @!p0 s12, s9;
	_ =	swait.ge @!p0 [sflag:s13], $0x2000  }
0x173: {  	s16 =	sshrl.u32 @!p0 s16, $0x3;
	[sflag:s13] =	ssyncset.done @!p0 $0x0  }
0x174: {  	[sflag:s13] =	ssyncadd.s32 @!p0 $0xFFFFE000;
	s13 =	sadd.s32 @!p0 s5, s16  }
0x175: {  	[tilespmem:s10], [sflag:$0x2] =	stream.linear.gather @!p0 [hbm4b:s13+s11], $0x80, $0x38;
	[tilespmem:$0x1FF00] =	vst v63  }
0x176: {  	s10 =	simm.s32 @!p0 $0xA  }
0x177: {  	s9 =	sadd.s32 @!p0 s8, s9;
	_ =	swait.ge @!p0 [sflag:s10], $0x4000  }
0x178: {  	s9 =	sshrl.u32 @!p0 s9, $0x3;
	[sflag:s10] =	ssyncset.done @!p0 $0x0  }
0x179: {  	s9 =	sadd.s32 @!p0 s6, s9;
	[sflag:s10] =	ssyncadd.s32 @!p0 $0xFFFFC000;
	s10 =	simm.s32 @!p0 $0x180  }
0x17a: {  	[tilespmem:s10], [sflag:$0x4] =	stream.linear.gather @!p0 [hbm4b:s9+s11], $0x80, $0x38;
	[tilespmem:$0x1FF00] =	vst v63  }
0x17b: {  	s10 =	simm.s32 $0x23F0  }
0x17c: {  	v1 =	vld [tilespmem:s10+$0xFFFFFFD0];
	_ =	sdelay $0x1  }
0x17d: {  	v2 =	vld [tilespmem:s10+$0xFFFFFF50]  }
0x17e: {  	v3 =	vld [tilespmem:s10+$0xFFFFFF10];
	_ =	sdelay $0x1  }
0x17f: {  	s9 =	simm.s32 $0x84F0;
	v4 =	vunpack.i.l.bf16.f32 v1  }
0x180: {  	v5 =	vld [tilespmem:s10+$0xFFFFFF90];
	v1 =	vunpack.i.u.bf16.f32 v1;
	[tilespmem:s9+$0xFFFFFF90] =	vst v4  }
0x181: {  	v4 =	vunpack.i.l.bf16.f32 v2;
	[tilespmem:s9+$0xFFFFFFA0] =	vst v1  }
0x182: {  	v1 =	vunpack.i.l.bf16.f32 v3;
	[tilespmem:s9+$0xFFFFFE90] =	vst v4;
	v4 =	vld [tilespmem:s10+$0xFFFFFFE0]  }
0x183: {  	v3 =	vunpack.i.u.bf16.f32 v3;
	[tilespmem:s9+$0xFFFFFE10] =	vst v1  }
0x184: {  	v1 =	vunpack.i.u.bf16.f32 v2;
	[tilespmem:s9+$0xFFFFFE20] =	vst v3  }
0x185: {  	v2 =	vunpack.i.l.bf16.f32 v5;
	v3 =	vld [tilespmem:s10+$0xFFFFFF20];
	[tilespmem:s9+$0xFFFFFEA0] =	vst v1  }
0x186: {  	v1 =	vunpack.i.u.bf16.f32 v5;
	[tilespmem:s9+$0xFFFFFF10] =	vst v2  }
0x187: {  	v2 =	vld [tilespmem:s10+$0xFFFFFF60];
	[tilespmem:s9+$0xFFFFFF20] =	vst v1;
	v1 =	vunpack.i.l.bf16.f32 v4  }
0x188: {  	v4 =	vunpack.i.u.bf16.f32 v4;
	[tilespmem:s9+$0xFFFFFFB0] =	vst v1  }
0x189: {  	v1 =	vld [tilespmem:s10+$0xFFFFFFA0];
	[tilespmem:s9+$0xFFFFFFC0] =	vst v4  }
0x18a: {  	v4 =	vunpack.i.l.bf16.f32 v3;
	v5 =	vld [tilespmem:s10+$0xFFFFFFF0]  }
0x18b: {  	v3 =	vunpack.i.u.bf16.f32 v3;
	[tilespmem:s9+$0xFFFFFE30] =	vst v4  }
0x18c: {  	v4 =	vunpack.i.l.bf16.f32 v2;
	[tilespmem:s9+$0xFFFFFE40] =	vst v3  }
0x18d: {  	v2 =	vunpack.i.u.bf16.f32 v2;
	[tilespmem:s9+$0xFFFFFEB0] =	vst v4  }
0x18e: {  	v3 =	vld [tilespmem:s10+$0xFFFFFF30];
	[tilespmem:s9+$0xFFFFFEC0] =	vst v2;
	v4 =	vunpack.i.l.bf16.f32 v1  }
0x18f: {  	[tilespmem:s9+$0xFFFFFF30] =	vst v4;
	v2 =	vunpack.i.l.bf16.f32 v5  }
0x190: {  	v4 =	vld [tilespmem:s10+$0xFFFFFF70];
	v5 =	vunpack.i.u.bf16.f32 v5;
	[tilespmem:s9+$0xFFFFFFD0] =	vst v2  }
0x191: {  	v1 =	vunpack.i.u.bf16.f32 v1;
	[tilespmem:s9+$0xFFFFFFE0] =	vst v5  }
0x192: {  	[tilespmem:s9+$0xFFFFFF40] =	vst v1;
	v1 =	vld [tilespmem:s10+$0x0]  }
0x193: {  	v2 =	vunpack.i.l.bf16.f32 v3  }
0x194: {  	v5 =	vld [tilespmem:s10+$0xFFFFFFB0];
	v3 =	vunpack.i.u.bf16.f32 v3;
	[tilespmem:s9+$0xFFFFFE50] =	vst v2  }
0x195: {  	[tilespmem:s9+$0xFFFFFE60] =	vst v3;
	v3 =	vunpack.i.u.bf16.f32 v4  }
0x196: {  	v2 =	vunpack.i.l.bf16.f32 v4;
	[tilespmem:s9+$0xFFFFFEE0] =	vst v3;
	v3 =	vld [tilespmem:s10+$0xFFFFFF40]  }
0x197: {  	[tilespmem:s9+$0xFFFFFED0] =	vst v2;
	v2 =	vunpack.i.u.bf16.f32 v1  }
0x198: {  	[tilespmem:s9+$0x0] =	vst v2;
	v2 =	vld [tilespmem:s10+$0xFFFFFF80]  }
0x199: {  	v6 =	vunpack.i.l.bf16.f32 v5  }
0x19a: {  	s16 =	simm.s32 $0x24F0;
	s13 =	simm.s32 $0x0;
	s11 =	simm.s32 $0x84F0;
	v4 =	vunpack.i.u.bf16.f32 v5;
	v1 =	vunpack.i.l.bf16.f32 v1;
	[tilespmem:s9+$0xFFFFFF50] =	vst v6  }
.LBB2_11:
0x19b: {  	v5 =	vld [tilespmem:s16+$0xFFFFFFD0];
	v6 =	vunpack.i.u.bf16.f32 v3;
	v3 =	vunpack.i.l.bf16.f32 v3;
	[tilespmem:s9+$0xFFFFFF60] =	vst v4  }
0x19c: {  	v4 =	vld [tilespmem:s16+$0xFFFFFF50];
	[tilespmem:s9+$0xFFFFFE70] =	vst v3  }
0x19d: {  	v3 =	vld [tilespmem:s16+$0xFFFFFF90];
	[tilespmem:s9+$0xFFFFFE80] =	vst v6;
	v6 =	vunpack.i.u.bf16.f32 v2;
	v2 =	vunpack.i.l.bf16.f32 v2  }
0x19e: {  	s13 =	sadd.s32 $0x4, s13;
	v7 =	vld [tilespmem:s16+$0xFFFFFF10];
	[tilespmem:s9+$0xFFFFFEF0] =	vst v2  }
0x19f: {  	p0 =	slt.u32 s13, $0x7C;
	[tilespmem:s9+$0xFFFFFF00] =	vst v6;
	v2 =	vld [tilespmem:s10+$0xFFFFFFC0];
	s10 =	smov.u32 s16  }
0x1a0: {  	s9 =	sadd.s32 $0x200, s9;
	v6 =	vunpack.i.l.bf16.f32 v5;
	[tilespmem:s11+$0xFFFFFFF0] =	vst v1  }
0x1a1: {  	v5 =	vunpack.i.u.bf16.f32 v5;
	v1 =	vunpack.i.u.bf16.f32 v4;
	v4 =	vunpack.i.l.bf16.f32 v4;
	[tilespmem:s9+$0xFFFFFF90] =	vst v6  }
0x1a2: {  	v6 =	vunpack.i.u.bf16.f32 v3;
	v3 =	vunpack.i.l.bf16.f32 v3;
	[tilespmem:s9+$0xFFFFFFA0] =	vst v5  }
0x1a3: {  	v5 =	vunpack.i.u.bf16.f32 v7;
	v7 =	vunpack.i.l.bf16.f32 v7;
	[tilespmem:s9+$0xFFFFFE90] =	vst v4;
	v4 =	vld [tilespmem:s16+$0xFFFFFFE0]  }
0x1a4: {  	[tilespmem:s9+$0xFFFFFE10] =	vst v7;
	v7 =	vunpack.i.u.bf16.f32 v2;
	v2 =	vunpack.i.l.bf16.f32 v2  }
0x1a5: {  	[tilespmem:s9+$0xFFFFFE20] =	vst v5  }
0x1a6: {  	v5 =	vld [tilespmem:s16+$0xFFFFFF20];
	[tilespmem:s9+$0xFFFFFEA0] =	vst v1  }
0x1a7: {  	v1 =	vld [tilespmem:s16+$0xFFFFFF60];
	[tilespmem:s9+$0xFFFFFF10] =	vst v3  }
0x1a8: {  	[tilespmem:s9+$0xFFFFFF20] =	vst v6;
	v3 =	vunpack.i.l.bf16.f32 v4  }
0x1a9: {  	v4 =	vunpack.i.u.bf16.f32 v4;
	v6 =	vld [tilespmem:s16+$0xFFFFFFA0];
	[tilespmem:s9+$0xFFFFFFB0] =	vst v3  }
0x1aa: {  	[tilespmem:s9+$0xFFFFFFC0] =	vst v4  }
0x1ab: {  	v3 =	vunpack.i.u.bf16.f32 v5;
	v4 =	vunpack.i.l.bf16.f32 v5;
	v5 =	vld [tilespmem:s16+$0xFFFFFFF0];
	[tilespmem:s11+$0xFFFFFF70] =	vst v2  }
0x1ac: {  	[tilespmem:s9+$0xFFFFFE30] =	vst v4;
	v2 =	vunpack.i.u.bf16.f32 v1;
	v1 =	vunpack.i.l.bf16.f32 v1  }
0x1ad: {  	[tilespmem:s9+$0xFFFFFE40] =	vst v3  }
0x1ae: {  	v3 =	vld [tilespmem:s16+$0xFFFFFF30];
	[tilespmem:s9+$0xFFFFFEB0] =	vst v1;
	v1 =	vunpack.i.u.bf16.f32 v6;
	v4 =	vunpack.i.l.bf16.f32 v6  }
0x1af: {  	[tilespmem:s9+$0xFFFFFEC0] =	vst v2  }
0x1b0: {  	v2 =	vld [tilespmem:s16+$0xFFFFFF70];
	[tilespmem:s9+$0xFFFFFF30] =	vst v4;
	v4 =	vunpack.i.l.bf16.f32 v5  }
0x1b1: {  	v5 =	vunpack.i.u.bf16.f32 v5;
	[tilespmem:s9+$0xFFFFFFD0] =	vst v4  }
0x1b2: {  	[tilespmem:s9+$0xFFFFFFE0] =	vst v5  }
0x1b3: {  	v4 =	vunpack.i.u.bf16.f32 v3;
	v3 =	vunpack.i.l.bf16.f32 v3;
	[tilespmem:s9+$0xFFFFFF40] =	vst v1;
	v1 =	vld [tilespmem:s16+$0x0]  }
0x1b4: {  	[tilespmem:s9+$0xFFFFFE50] =	vst v3;
	v5 =	vld [tilespmem:s16+$0xFFFFFFB0]  }
0x1b5: {  	[tilespmem:s9+$0xFFFFFE60] =	vst v4;
	v4 =	vunpack.i.u.bf16.f32 v2;
	v2 =	vunpack.i.l.bf16.f32 v2  }
.Ltmp4:
0x1b6: {  	v3 =	vld [tilespmem:s16+$0xFFFFFF40];
	[tilespmem:s9+$0xFFFFFED0] =	vst v2;
	(pc) =	sbr.rel @p0 .LBB2_11-.Ltmp4, $4  }
0x1b7: {  	[tilespmem:s9+$0xFFFFFEE0] =	vst v4  }
0x1b8: {  	v2 =	vld [tilespmem:s16+$0xFFFFFF80];
	v6 =	vunpack.i.u.bf16.f32 v1;
	v1 =	vunpack.i.l.bf16.f32 v1;
	[tilespmem:s11+$0xFFFFFF80] =	vst v7;
	s11 =	smov.u32 s9  }
0x1b9: {  	v4 =	vunpack.i.u.bf16.f32 v5;
	v5 =	vunpack.i.l.bf16.f32 v5;
	[tilespmem:s9+$0x0] =	vst v6  }
0x1ba: {  	s16 =	sadd.s32 $0x100, s16;
	[tilespmem:s9+$0xFFFFFF50] =	vst v5  }
0x1bb: {  	[tilespmem:s9+$0xFFFFFF60] =	vst v4  }
0x1bc: {  	v5 =	vld [tilespmem:s10+$0xFFFFFFC0]  }
0x1bd: {  	v63 =	vunpack.i.l.bf16.f32 v3;
	[tilespmem:s11+$0xFFFFFFF0] =	vst v1  }
0x1be: {  	v3 =	vunpack.i.u.bf16.f32 v3;
	[tilespmem:s9+$0xFFFFFE70] =	vst v63  }
0x1bf: {  	[tilespmem:s9+$0xFFFFFE80] =	vst v3;
	v3 =	vunpack.i.l.bf16.f32 v2  }
0x1c0: {  	v2 =	vunpack.i.u.bf16.f32 v2;
	[tilespmem:s9+$0xFFFFFEF0] =	vst v3  }
0x1c1: {  	s7 =	sadd.s32 $0x1, s7;
	[tilespmem:s9+$0xFFFFFF00] =	vst v2;
	v1 =	vunpack.i.l.bf16.f32 v5  }
0x1c2: {  	p0 =	sne.s32 s7, $0x14;
	v2 =	vunpack.i.u.bf16.f32 v5;
	[tilespmem:s11+$0xFFFFFF70] =	vst v1  }
.Ltmp5:
0x1c3: {  	[tilespmem:s11+$0xFFFFFF80] =	vst v2;
	(pc) =	sbr.rel @p0 .LBB2_4-.Ltmp5, $4  }
0x1c4: {  	_ =	swait.ge [sflag:s14], $0x80  }
0x1c5: {  	[sflag:s14] =	ssyncset.done $0x0  }
0x1c6: {  	[sflag:s14] =	ssyncadd.s32 $0xFFFFFF80  }
0x1c7: {  	[spmem:s2] =	stream.indirect.scatter.add.f32 [tilespmem:s24], [sflag:$0xA], $0x80, s4, s29, $0xb8;
	[tilespmem:$0x1FF00] =	vst v63  }
0x1c8: {  	s7 =	simm.s32 $0x9  }
0x1c9: {  	_ =	swait.ge [sflag:s7], $0x4000  }
0x1ca: {  	[sflag:s7] =	ssyncset.done $0x0  }
0x1cb: {  	s16 =	simm.s32 $0xA;
	[sflag:s7] =	ssyncadd.s32 $0xFFFFC000  }
0x1cc: {  	_ =	swait.ge [sflag:s16], $0x4000  }
0x1cd: {  	[sflag:s16] =	ssyncset.done $0x0  }
0x1ce: {  	[sflag:s16] =	ssyncadd.s32 $0xFFFFC000  }
0x1cf: {  	s9 =	stileid.u32;
	[bflag:$0x0] =	sbarrier.arrive $0xFFFF  }
0x1d0: {  	s11 =	simm.s32 $0xB;
	s7 =	sshll.u32 s9, $0x6;
	s16 =	rddreg [dreg:$0x4]  }
0x1d1: {  	s7 =	sor.u32 $0x1C0B, s7;
	s10 =	rddreg [dreg:$0xe];
	s9 =	sshrl.u32 s16, $0x3  }
0x1d2: {  	[hbm:s10], [sflag:s7] =	dma.local [spmem:s9], $0x800  }
0x1d3: {  	_ =	swait.ge [sflag:s11], $0x800  }
0x1d4: {  	[sflag:s11] =	ssyncset.done $0x0;
	s28 =	rddreg [dreg:$0x5]  }
0x1d5: {  	s13 =	rddreg [dreg:$0xf];
	[sflag:s11] =	ssyncadd.s32 $0xFFFFF800;
	s10 =	sshrl.u32 s28, $0x3  }
0x1d6: {  	[hbm:s13], [sflag:s7] =	dma.local [spmem:s10], $0x800  }
0x1d7: {  	_ =	swait.ge [sflag:s11], $0x800  }
0x1d8: {  	[sflag:s11] =	ssyncset.done $0x0;
	s10 =	rddreg [dreg:$0x6]  }
0x1d9: {  	s13 =	rddreg [dreg:$0x10];
	[sflag:s11] =	ssyncadd.s32 $0xFFFFF800;
	s9 =	sshrl.u32 s10, $0x3  }
0x1da: {  	[hbm:s13], [sflag:s7] =	dma.local [spmem:s9], $0x800  }
0x1db: {  	_ =	swait.ge [sflag:s11], $0x800  }
0x1dc: {  	[sflag:s11] =	ssyncset.done $0x0;
	s10 =	rddreg [dreg:$0x7]  }
0x1dd: {  	s13 =	rddreg [dreg:$0x11];
	[sflag:s11] =	ssyncadd.s32 $0xFFFFF800;
	s9 =	sshrl.u32 s10, $0x3  }
0x1de: {  	[hbm:s13], [sflag:s7] =	dma.local [spmem:s9], $0x800  }
0x1df: {  	_ =	swait.ge [sflag:s11], $0x800  }
0x1e0: {  	[sflag:s11] =	ssyncset.done $0x0;
	s10 =	rddreg [dreg:$0x8]  }
0x1e1: {  	s13 =	rddreg [dreg:$0x12];
	[sflag:s11] =	ssyncadd.s32 $0xFFFFF800;
	s9 =	sshrl.u32 s10, $0x3  }
0x1e2: {  	[hbm:s13], [sflag:s7] =	dma.local [spmem:s9], $0x780  }
0x1e3: {  	_ =	swait.ge [sflag:s11], $0x780  }
0x1e4: {  	s10 =	rddreg [dreg:$0x15]  }
0x1e5: {  	s13 =	rddreg [dreg:$0x14];
	s9 =	sadd.s32 $0x1, s10  }
0x1e6: {  	p0 =	sne.s32 s9, s13  }
.Ltmp6:
0x1e7: {  	_ = 	snop;
	(pc) =	sbr.rel @p0 .LBB2_1-.Ltmp6, $3  }
0x1e8: {  	_ =	sdelay $0x1  }
0x1e9: {  	[sflag:s11] =	ssyncset.done $0x0  }
0x1ea: {  	[sflag:s11] =	ssyncadd.s32 $0xFFFFF880  }
0x1eb: {  	_ =	sfence.sel $0x180000  }
0x1ec: {  	[bflag:$0x0] =	sbarrier.arrive $0xFFFF  }
0x1ed: {  	_ =	strace $0x9000004A  }
0x1ee: {  	s0 =	stileid.u32;
	[bflag:$0x2] =	sbarrier.arrive $0xFFFF  }
0x1ef: {  	p0 =	sne.s32 s0, $0x0;
	s0 =	rddreg [dreg:$0x3]  }
0x1f0: {  	s0 =	sadd.s32 @!p0 $0x100000, s0  }
0x1f1: {  	[sflag:s0] =	ssyncadd.tile.s32 @!p0 $0x1;
	_ =	shalt  }
.Lfunc_end2:
_tile_overlayer_lowered:
.L_overlay_start_2:
0x1f2: {  	(tag) =	ssettag $0x2  }
0x1f3: {  	s0 =	rddreg [dreg:$0x0];
	s2 =	stileid.u32  }
0x1f4: {  	s1 =	rddreg [dreg:$0x1];
	p0 =	sne.s32 s2, $0x0  }
0x1f5: {  	s3 =	rddreg [dreg:$0x2];
	[bflag:$0x3] =	sbarrier.arrive $0xFFFF;
	s2 =	simm.s32 @!p0 $0x1C0B  }
0x1f6: {  	[timem:s3], [sflag:s2] =	dma.local @!p0 [hbm:s0], s1  }
0x1f7: {  	s0 =	simm.s32 @!p0 $0xB  }
0x1f8: {  	_ =	swait.ge @!p0 [sflag:s0], s1  }
0x1f9: {  	s1 =	ssub.s32 @!p0 $0x0, s1;
	[sflag:s0] =	ssyncset.done @!p0 $0x0  }
0x1fa: {  	[sflag:s0] =	ssyncadd.s32 @!p0 s1  }
0x1fb: {  	[bflag:$0x3] =	sbarrier.arrive $0xFFFF  }
0x1fc: {  	_ =	shalt  }

</sc_bundles>
